<compile_context>
chip_gen: v7x
topology: tpu7x:2x2x1
jax: 0.10.2.dev20260603
libtpu: 0.0.44.dev20260713+nightly
codegen_flags: <defaults>
</compile_context>

<pallas_src>
import functools

import jax
import jax.numpy as jnp
from jax import lax
from jax.experimental import pallas as pl
from jax.experimental.pallas import tpu as pltpu
from jax.experimental.pallas import tpu_sc as plsc

SEQ = 2048
HIDDEN = 1024
INTER = 4096
E = 8

TILE_M = 256
NB = (SEQ + (E - 1) * TILE_M) // TILE_M
PAD = NB * TILE_M
KI = 8
KC = INTER // KI

NW = 32
TPW = SEQ // NW
RB = 16
NRB = SEQ // RB // 8



def _router_body(x_ref, w_ref, hs_ref, idx_ref, cnt_ref):
    x = x_ref[...]
    logits = jnp.dot(x, w_ref[...], preferred_element_type=jnp.float32)
    lane = lax.broadcasted_iota(jnp.int32, logits.shape, 1)
    neg = jnp.full_like(logits, -jnp.inf)
    masked = jnp.where(lane < E, logits, neg)
    m = jnp.max(masked, axis=1, keepdims=True)
    is_max = (masked == m) & (lane < E)
    idx = jnp.min(jnp.where(is_max, lane, 127), axis=1)
    score = jax.nn.sigmoid(m[:, 0])
    hs_ref[...] = x * score[:, None]
    idx_ref[0, 0, :] = idx
    onehot = (lane == idx[:, None]).astype(jnp.int32)
    cnt_ref[0, 0, :] = jnp.sum(onehot[:64], axis=0)
    cnt_ref[0, 1, :] = jnp.sum(onehot[64:], axis=0)


def _router(h2d, w_pad):
    grid = SEQ // 128
    return pl.pallas_call(
        _router_body,
        grid=(grid,),
        in_specs=[
            pl.BlockSpec((128, HIDDEN), lambda i: (i, 0)),
            pl.BlockSpec((HIDDEN, 128), lambda i: (0, 0)),
        ],
        out_specs=[
            pl.BlockSpec((128, HIDDEN), lambda i: (i, 0)),
            pl.BlockSpec((1, 1, 128), lambda i: (i, 0, 0)),
            pl.BlockSpec((1, 2, 128), lambda i: (i, 0, 0)),
        ],
        out_shape=[
            jax.ShapeDtypeStruct((SEQ, HIDDEN), jnp.float32),
            jax.ShapeDtypeStruct((grid, 1, 128), jnp.int32),
            jax.ShapeDtypeStruct((grid, 2, 128), jnp.int32),
        ],
    )(h2d, w_pad)



def _iota16():
    return lax.broadcasted_iota(jnp.int32, (16,), 0)


def _dispatch_body(hs_hbm, idx_hbm, cnt_hbm, g_hbm, pos_hbm, meta_hbm,
                   idx_v, cnt_v, pos_v, rows_v, vec_v, meta_v, sem):
    wid = lax.axis_index("s") * 2 + lax.axis_index("c")
    base_tok = wid * TPW

    pltpu.sync_copy(idx_hbm.at[pl.ds(base_tok, TPW)], idx_v)
    pltpu.sync_copy(cnt_hbm, cnt_v)

    lanes = _iota16()
    total = jnp.zeros((16,), jnp.int32)
    prefix = jnp.zeros((16,), jnp.int32)
    for g in range(NW):
        row = cnt_v[pl.ds(g * 128, 16)]
        total = total + row
        prefix = prefix + jnp.where(jnp.full((16,), g, jnp.int32) < wid, row, 0)

    pc = ((total + (TILE_M - 1)) // TILE_M) * TILE_M
    cum = plsc.cumsum(pc)
    base = cum - pc
    start = base + prefix
    vec_v[...] = start

    run = jnp.zeros((16,), jnp.int32)
    for v in range(TPW // 16):
        ids = idx_v[pl.ds(v * 16, 16)]
        sel = jnp.zeros((16,), jnp.int32)
        for e in range(E):
            mask = ids == e
            cs = plsc.cumsum(mask.astype(jnp.int32))
            sel = jnp.where(mask, cs - 1, sel)
            cnt_e = jnp.sum(mask.astype(jnp.int32))
            run = run + jnp.where(lanes == e, cnt_e, 0)
        starts = plsc.load_gather(vec_v, [ids])
        pos_v[pl.ds(v * 16, 16)] = starts + sel
        vec_v[...] = start + run

    pltpu.sync_copy(pos_v, pos_hbm.at[pl.ds(base_tok, TPW)])

    pltpu.sync_copy(hs_hbm.at[pl.ds(base_tok, TPW)], rows_v)
    pltpu.async_copy(rows_v, g_hbm.at[pos_v], sem).wait()

    @pl.when(wid == 0)
    def _():
        be = jnp.zeros((16,), jnp.int32)
        blk_start = lanes * TILE_M
        for e in range(E):
            ce = jnp.sum(jnp.where(lanes == e, cum, 0))
            be = be + jnp.where(blk_start >= ce, 1, 0)
        be = jnp.minimum(be, E - 1)
        n_active = jnp.sum(pc) // TILE_M
        be = jnp.where(lanes == 15, n_active, be)
        meta_v[...] = be
        pltpu.sync_copy(meta_v, meta_hbm)


def _dispatch(hs, idx_flat, cnt_flat):
    mesh = plsc.VectorSubcoreMesh(core_axis_name="c", subcore_axis_name="s")
    f = pl.kernel(
        _dispatch_body,
        out_type=[
            jax.ShapeDtypeStruct((PAD, HIDDEN), jnp.float32),
            jax.ShapeDtypeStruct((SEQ,), jnp.int32),
            jax.ShapeDtypeStruct((16,), jnp.int32),
        ],
        mesh=mesh,
        scratch_types=[
            pltpu.VMEM((TPW,), jnp.int32),
            pltpu.VMEM((NW * 128,), jnp.int32),
            pltpu.VMEM((TPW,), jnp.int32),
            pltpu.VMEM((TPW, HIDDEN), jnp.float32),
            pltpu.VMEM((16,), jnp.int32),
            pltpu.VMEM((16,), jnp.int32),
            pltpu.SemaphoreType.DMA,
        ],
        compiler_params=pltpu.CompilerParams(needs_layout_passes=False),
    )
    return f(hs, idx_flat, cnt_flat)



def _experts_body(meta_ref, x_ref, wg_ref, wu_ref, wd_ref, out_ref):
    ki = pl.program_id(0)
    b = pl.program_id(1)
    n_active = meta_ref[15]

    @pl.when(b < n_active)
    def _():
        row = pl.ds(b * TILE_M, TILE_M)
        x = x_ref[row, :].astype(jnp.bfloat16)
        wg = wg_ref[0].astype(jnp.bfloat16)
        wu = wu_ref[0].astype(jnp.bfloat16)
        g = jnp.dot(x, wg, preferred_element_type=jnp.float32)
        u = jnp.dot(x, wu, preferred_element_type=jnp.float32)
        p = (jax.nn.silu(g) * u).astype(jnp.bfloat16)
        wd = wd_ref[0].astype(jnp.bfloat16)
        part = jnp.dot(p, wd, preferred_element_type=jnp.float32)

        @pl.when(ki == 0)
        def _():
            out_ref[row, :] = part

        @pl.when(ki > 0)
        def _():
            out_ref[row, :] = out_ref[row, :] + part


def _experts(g_buf, meta, Wg, Wu, Wd):
    grid_spec = pltpu.PrefetchScalarGridSpec(
        num_scalar_prefetch=1,
        grid=(KI, NB),
        in_specs=[
            pl.BlockSpec((PAD, HIDDEN), lambda ki, b, m: (0, 0)),
            pl.BlockSpec((1, HIDDEN, KC), lambda ki, b, m: (m[b], 0, ki)),
            pl.BlockSpec((1, HIDDEN, KC), lambda ki, b, m: (m[b], 0, ki)),
            pl.BlockSpec((1, KC, HIDDEN), lambda ki, b, m: (m[b], ki, 0)),
        ],
        out_specs=pl.BlockSpec((PAD, HIDDEN), lambda ki, b, m: (0, 0)),
    )
    return pl.pallas_call(
        _experts_body,
        grid_spec=grid_spec,
        out_shape=jax.ShapeDtypeStruct((PAD, HIDDEN), jnp.float32),
    )(meta, g_buf, Wg, Wu, Wd)



def _combine_body(y_hbm, pos_hbm, out_hbm, pos_v, rows_v, sem):
    wid = lax.axis_index("s") * 2 + lax.axis_index("c")
    base_tok = wid * TPW
    pltpu.sync_copy(pos_hbm.at[pl.ds(base_tok, TPW)], pos_v)
    pltpu.async_copy(y_hbm.at[pos_v], rows_v, sem).wait()
    pltpu.sync_copy(rows_v, out_hbm.at[pl.ds(base_tok, TPW)])


def _combine(y_buf, pos):
    mesh = plsc.VectorSubcoreMesh(core_axis_name="c", subcore_axis_name="s")
    f = pl.kernel(
        _combine_body,
        out_type=jax.ShapeDtypeStruct((SEQ, HIDDEN), jnp.float32),
        mesh=mesh,
        scratch_types=[
            pltpu.VMEM((TPW,), jnp.int32),
            pltpu.VMEM((TPW, HIDDEN), jnp.float32),
            pltpu.SemaphoreType.DMA,
        ],
        compiler_params=pltpu.CompilerParams(needs_layout_passes=False),
    )
    return f(y_buf, pos)



def _shared_body(x_ref, wg_ref, wu_ref, wd_ref, yu_ref, out_ref):
    ki = pl.program_id(0)
    x = x_ref[...].astype(jnp.bfloat16)
    wg = wg_ref[...].astype(jnp.bfloat16)
    wu = wu_ref[...].astype(jnp.bfloat16)
    g = jnp.dot(x, wg, preferred_element_type=jnp.float32)
    u = jnp.dot(x, wu, preferred_element_type=jnp.float32)
    p = (jax.nn.silu(g) * u).astype(jnp.bfloat16)
    wd = wd_ref[...].astype(jnp.bfloat16)
    part = jnp.dot(p, wd, preferred_element_type=jnp.float32)

    @pl.when(ki == 0)
    def _():
        out_ref[...] = part + yu_ref[...]

    @pl.when(ki > 0)
    def _():
        out_ref[...] = out_ref[...] + part


def _shared(h2d, yu, Wg_s, Wu_s, Wd_s):
    return pl.pallas_call(
        _shared_body,
        grid=(KI,),
        in_specs=[
            pl.BlockSpec((SEQ, HIDDEN), lambda ki: (0, 0)),
            pl.BlockSpec((HIDDEN, KC), lambda ki: (0, ki)),
            pl.BlockSpec((HIDDEN, KC), lambda ki: (0, ki)),
            pl.BlockSpec((KC, HIDDEN), lambda ki: (ki, 0)),
            pl.BlockSpec((SEQ, HIDDEN), lambda ki: (0, 0)),
        ],
        out_specs=pl.BlockSpec((SEQ, HIDDEN), lambda ki: (0, 0)),
        out_shape=jax.ShapeDtypeStruct((SEQ, HIDDEN), jnp.float32),
    )(h2d, Wg_s, Wu_s, Wd_s, yu)



def kernel(hidden_states, W_router, Wg, Wu, Wd, Wg_s, Wu_s, Wd_s):
    seq, bs, hid = hidden_states.shape
    h2d = hidden_states.reshape(seq, hid)
    w_pad = jnp.zeros((hid, 128), jnp.float32).at[:, :E].set(W_router)

    hs, idx3, cnt3 = _router(h2d, w_pad)
    idx_flat = idx3.reshape(-1)
    cnt_flat = cnt3.reshape(-1)

    g_buf, pos, meta = _dispatch(hs, idx_flat, cnt_flat)
    y_buf = _experts(g_buf, meta, Wg, Wu, Wd)
    yu = _combine(y_buf, pos)
    out = _shared(h2d, yu, Wg_s, Wu_s, Wd_s)
    return out.reshape(seq, bs, hid)

# --- scband reference (transcript-rebuilt; emitter-appended) ---
"""Pipeline reference for scband-llama4-text-mo-elayer-44710609551569 (READ-ONLY COPY).

The authoritative reference and input builder live on the scoring server;
editing this copy changes nothing except your own understanding.
"""

import jax, jax.numpy as jnp
import numpy as np

SEQ = 2048
BS = 1
HIDDEN = 1024
INTER = 4096
E = 8


def _mlp(x, wg, wu, wd):
    # Llama-style gated MLP: down(silu(gate(x)) * up(x)), no bias
    return (jax.nn.silu(x @ wg) * (x @ wu)) @ wd


def setup_inputs(seed: int = 0) -> dict:
    key = jax.random.key(seed)
    ks = jax.random.split(key, 9)
    hidden_states = jax.random.normal(ks[0], (SEQ, BS, HIDDEN), dtype=jnp.float32)
    W_router = jax.random.normal(ks[1], (HIDDEN, E), dtype=jnp.float32) * 0.02
    Wg = jax.random.normal(ks[2], (E, HIDDEN, INTER), dtype=jnp.float32) * 0.02
    Wu = jax.random.normal(ks[3], (E, HIDDEN, INTER), dtype=jnp.float32) * 0.02
    Wd = jax.random.normal(ks[4], (E, INTER, HIDDEN), dtype=jnp.float32) * 0.02
    Wg_s = jax.random.normal(ks[5], (HIDDEN, INTER), dtype=jnp.float32) * 0.02
    Wu_s = jax.random.normal(ks[6], (HIDDEN, INTER), dtype=jnp.float32) * 0.02
    Wd_s = jax.random.normal(ks[7], (INTER, HIDDEN), dtype=jnp.float32) * 0.02
    return {
        "hidden_states": hidden_states,
        "W_router": W_router,
        "Wg": Wg,
        "Wu": Wu,
        "Wd": Wd,
        "Wg_s": Wg_s,
        "Wu_s": Wu_s,
        "Wd_s": Wd_s,
    }


def reference(hidden_states, W_router, Wg, Wu, Wd, Wg_s, Wu_s, Wd_s):
    # router: [seq, bs, hidden] @ [hidden, E] -> [seq, bs, E]
    router_logits = hidden_states @ W_router
    # top-1 routing (module rearranges 'seq bs 1 -> seq bs', i.e. top_k == 1)
    top_vals, top_idx = jax.lax.top_k(router_logits, 1)
    routing_scores = jax.nn.sigmoid(top_vals[..., 0])  # [seq, bs]
    routing_indices = top_idx[..., 0]                  # [seq, bs]
    # dispatch: tokens are scaled by their routing score BEFORE the expert MLP
    scaled = hidden_states * routing_scores[..., None]
    combined = jnp.zeros_like(hidden_states)
    for e in range(E):
        mask = (routing_indices == e)[..., None].astype(hidden_states.dtype)
        out_e = _mlp(scaled, Wg[e], Wu[e], Wd[e])
        combined = combined + out_e * mask
    shared_out = _mlp(hidden_states, Wg_s, Wu_s, Wd_s)
    return combined + shared_out

if __name__ == "__main__":
    import jax
    _d = setup_inputs()
    print(jax.jit(kernel)(*tuple(_d.values())))

</pallas_src>

<mosaic_0001>
#map = affine_map<(d0, d1) -> (0, 0)>
#map1 = affine_map<(d0, d1) -> (0)>
module attributes {stable_mosaic.version = 14 : i64} {
  func.func @_combine_body(%arg0: i32, %arg1: i32, %arg2: memref<3840x1024xf32, #tpu.memory_space<hbm>>, %arg3: memref<2048xi32, #tpu.memory_space<hbm>>, %arg4: memref<2048x1024xf32, #tpu.memory_space<hbm>>, %arg5: memref<64xi32, #tpu.memory_space<vmem>>, %arg6: memref<64x1024xf32, #tpu.memory_space<vmem>>, %arg7: memref<!tpu.dma_semaphore, #tpu.memory_space<semaphore_mem>>) attributes {dimension_semantics = [#tpu.dimension_semantics<core_parallel>, #tpu.dimension_semantics<subcore_parallel>], iteration_bounds = array<i64: 2, 16>, scalar_prefetch = 0 : i64, scratch_operands = 3 : i64, tpu.core_type = #tpu.core_type<sc_vector_subcore>, window_params = [{transform_indices = #map}, {transform_indices = #map1}, {transform_indices = #map}]} {
    %mul3A = arith.constant 2 : i32
    %mul3A_0 = arith.muli %arg1, %mul3A : i32
    %add3A = arith.addi %mul3A_0, %arg0 : i32
    %mul3A_1 = arith.constant 64 : i32
    %mul3A_2 = arith.muli %add3A, %mul3A_1 : i32
    "tpu.region"() ({
      %run_scoped3A = tpu.sem_alloc : memref<!tpu.dma_semaphore, #tpu.memory_space<semaphore_mem>>
      %dma_start3A_7 = tpu.memref_slice %arg3[%mul3A_2] : memref<2048xi32, #tpu.memory_space<hbm>> -> memref<64xi32, #tpu.memory_space<hbm>>
      %dma_start3A_8 = tpu.memref_slice %arg3[%mul3A_2] : memref<2048xi32, #tpu.memory_space<hbm>> -> memref<64xi32, #tpu.memory_space<hbm>>
      tpu.enqueue_dma source(%dma_start3A_8 : memref<64xi32, #tpu.memory_space<hbm>>) target(%arg5 : memref<64xi32, #tpu.memory_space<vmem>>) target_semaphore(%run_scoped3A : memref<!tpu.dma_semaphore, #tpu.memory_space<semaphore_mem>>)
      %dma_wait3A_9 = tpu.memref_slice %arg3[%mul3A_2] : memref<2048xi32, #tpu.memory_space<hbm>> -> memref<64xi32, #tpu.memory_space<hbm>>
      %dma_wait3A_10 = tpu.memref_slice %arg3[%mul3A_2] : memref<2048xi32, #tpu.memory_space<hbm>> -> memref<64xi32, #tpu.memory_space<hbm>>
      tpu.wait_dma2 semaphore(%run_scoped3A : memref<!tpu.dma_semaphore, #tpu.memory_space<semaphore_mem>>) src(%dma_wait3A_10 : memref<64xi32, #tpu.memory_space<hbm>>) dst(%arg5 : memref<64xi32, #tpu.memory_space<vmem>>)
      tpu.yield
    }) : () -> ()
    %dma_start3A = arith.constant 0 : i32
    %dma_start3A_3 = arith.constant 0 : i32
    %dma_start3A_4 = tpu.memref_slice %arg2[%dma_start3A, %dma_start3A_3] : memref<3840x1024xf32, #tpu.memory_space<hbm>> -> memref<3840x1024xf32, #tpu.memory_space<hbm>>
    tpu.enqueue_indirect_dma source(%dma_start3A_4 : memref<3840x1024xf32, #tpu.memory_space<hbm>>) target(%arg6 : memref<64x1024xf32, #tpu.memory_space<vmem>>) offsets(%arg5 : memref<64xi32, #tpu.memory_space<vmem>>) semaphore(%arg7 : memref<!tpu.dma_semaphore, #tpu.memory_space<semaphore_mem>>)
    %dma_wait3A = arith.constant 0 : i32
    %dma_wait3A_5 = arith.constant 0 : i32
    %dma_wait3A_6 = tpu.memref_slice %arg2[%dma_wait3A, %dma_wait3A_5] : memref<3840x1024xf32, #tpu.memory_space<hbm>> -> memref<3840x1024xf32, #tpu.memory_space<hbm>>
    tpu.wait_indirect_dma semaphore(%arg7 : memref<!tpu.dma_semaphore, #tpu.memory_space<semaphore_mem>>) src(%dma_wait3A_6 : memref<3840x1024xf32, #tpu.memory_space<hbm>>) dst(%arg6 : memref<64x1024xf32, #tpu.memory_space<vmem>>)
    "tpu.region"() ({
      %run_scoped3A = tpu.sem_alloc : memref<!tpu.dma_semaphore, #tpu.memory_space<semaphore_mem>>
      %dma_start3A_7 = arith.constant 0 : i32
      %dma_start3A_8 = tpu.memref_slice %arg4[%mul3A_2, %dma_start3A_7] : memref<2048x1024xf32, #tpu.memory_space<hbm>> -> memref<64x1024xf32, #tpu.memory_space<hbm>>
      %dma_start3A_9 = arith.constant 0 : i32
      %dma_start3A_10 = tpu.memref_slice %arg4[%mul3A_2, %dma_start3A_9] : memref<2048x1024xf32, #tpu.memory_space<hbm>> -> memref<64x1024xf32, #tpu.memory_space<hbm>>
      tpu.enqueue_dma source(%arg6 : memref<64x1024xf32, #tpu.memory_space<vmem>>) target(%dma_start3A_10 : memref<64x1024xf32, #tpu.memory_space<hbm>>) target_semaphore(%run_scoped3A : memref<!tpu.dma_semaphore, #tpu.memory_space<semaphore_mem>>)
      %dma_wait3A_11 = arith.constant 0 : i32
      %dma_wait3A_12 = tpu.memref_slice %arg4[%mul3A_2, %dma_wait3A_11] : memref<2048x1024xf32, #tpu.memory_space<hbm>> -> memref<64x1024xf32, #tpu.memory_space<hbm>>
      %dma_wait3A_13 = arith.constant 0 : i32
      %dma_wait3A_14 = tpu.memref_slice %arg4[%mul3A_2, %dma_wait3A_13] : memref<2048x1024xf32, #tpu.memory_space<hbm>> -> memref<64x1024xf32, #tpu.memory_space<hbm>>
      tpu.wait_dma2 semaphore(%run_scoped3A : memref<!tpu.dma_semaphore, #tpu.memory_space<semaphore_mem>>) src(%arg6 : memref<64x1024xf32, #tpu.memory_space<vmem>>) dst(%dma_wait3A_14 : memref<64x1024xf32, #tpu.memory_space<hbm>>)
      tpu.yield
    }) : () -> ()
    return
  }
}

#map = affine_map<(d0, d1) -> (0, 0)>
#map1 = affine_map<(d0, d1) -> (0)>
module attributes {stable_mosaic.version = 14 : i64} {
  func.func @_dispatch_body(%arg0: i32, %arg1: i32, %arg2: memref<2048x1024xf32, #tpu.memory_space<hbm>>, %arg3: memref<2048xi32, #tpu.memory_space<hbm>>, %arg4: memref<4096xi32, #tpu.memory_space<hbm>>, %arg5: memref<3840x1024xf32, #tpu.memory_space<hbm>>, %arg6: memref<2048xi32, #tpu.memory_space<hbm>>, %arg7: memref<16xi32, #tpu.memory_space<hbm>>, %arg8: memref<64xi32, #tpu.memory_space<vmem>>, %arg9: memref<4096xi32, #tpu.memory_space<vmem>>, %arg10: memref<64xi32, #tpu.memory_space<vmem>>, %arg11: memref<64x1024xf32, #tpu.memory_space<vmem>>, %arg12: memref<16xi32, #tpu.memory_space<vmem>>, %arg13: memref<16xi32, #tpu.memory_space<vmem>>, %arg14: memref<!tpu.dma_semaphore, #tpu.memory_space<semaphore_mem>>) attributes {dimension_semantics = [#tpu.dimension_semantics<core_parallel>, #tpu.dimension_semantics<subcore_parallel>], iteration_bounds = array<i64: 2, 16>, scalar_prefetch = 0 : i64, scratch_operands = 7 : i64, tpu.core_type = #tpu.core_type<sc_vector_subcore>, window_params = [{transform_indices = #map}, {transform_indices = #map1}, {transform_indices = #map1}, {transform_indices = #map}, {transform_indices = #map1}, {transform_indices = #map1}]} {
    %mul3A = arith.constant 2 : i32
    %mul3A_0 = arith.muli %arg1, %mul3A : i32
    %add3A = arith.addi %mul3A_0, %arg0 : i32
    %mul3A_1 = arith.constant 64 : i32
    %mul3A_2 = arith.muli %add3A, %mul3A_1 : i32
    "tpu.region"() ({
      %run_scoped3A = tpu.sem_alloc : memref<!tpu.dma_semaphore, #tpu.memory_space<semaphore_mem>>
      %dma_start3A_1208 = tpu.memref_slice %arg3[%mul3A_2] : memref<2048xi32, #tpu.memory_space<hbm>> -> memref<64xi32, #tpu.memory_space<hbm>>
      %dma_start3A_1209 = tpu.memref_slice %arg3[%mul3A_2] : memref<2048xi32, #tpu.memory_space<hbm>> -> memref<64xi32, #tpu.memory_space<hbm>>
      tpu.enqueue_dma source(%dma_start3A_1209 : memref<64xi32, #tpu.memory_space<hbm>>) target(%arg8 : memref<64xi32, #tpu.memory_space<vmem>>) target_semaphore(%run_scoped3A : memref<!tpu.dma_semaphore, #tpu.memory_space<semaphore_mem>>)
      %dma_wait3A_1210 = tpu.memref_slice %arg3[%mul3A_2] : memref<2048xi32, #tpu.memory_space<hbm>> -> memref<64xi32, #tpu.memory_space<hbm>>
      %dma_wait3A_1211 = tpu.memref_slice %arg3[%mul3A_2] : memref<2048xi32, #tpu.memory_space<hbm>> -> memref<64xi32, #tpu.memory_space<hbm>>
      tpu.wait_dma2 semaphore(%run_scoped3A : memref<!tpu.dma_semaphore, #tpu.memory_space<semaphore_mem>>) src(%dma_wait3A_1211 : memref<64xi32, #tpu.memory_space<hbm>>) dst(%arg8 : memref<64xi32, #tpu.memory_space<vmem>>)
      tpu.yield
    }) : () -> ()
    "tpu.region"() ({
      %run_scoped3A = tpu.sem_alloc : memref<!tpu.dma_semaphore, #tpu.memory_space<semaphore_mem>>
      tpu.enqueue_dma source(%arg4 : memref<4096xi32, #tpu.memory_space<hbm>>) target(%arg9 : memref<4096xi32, #tpu.memory_space<vmem>>) target_semaphore(%run_scoped3A : memref<!tpu.dma_semaphore, #tpu.memory_space<semaphore_mem>>)
      tpu.wait_dma2 semaphore(%run_scoped3A : memref<!tpu.dma_semaphore, #tpu.memory_space<semaphore_mem>>) src(%arg4 : memref<4096xi32, #tpu.memory_space<hbm>>) dst(%arg9 : memref<4096xi32, #tpu.memory_space<vmem>>)
      tpu.yield
    }) : () -> ()
    %iota3A = tpu.iota {dimensions = array<i32: 0>} : vector<16xi32>
    %broadcast_in_dim3A = arith.constant 0 : i32
    %broadcast_in_dim3A_3 = vector.broadcast %broadcast_in_dim3A : i32 to vector<16xi32>
    %broadcast_in_dim3A_4 = arith.constant 0 : i32
    %broadcast_in_dim3A_5 = vector.broadcast %broadcast_in_dim3A_4 : i32 to vector<16xi32>
    %get3A = arith.constant 0 : index
    %get3A_6 = tpu.vector_load %arg9[%get3A] {strides = array<i32>} : memref<4096xi32, #tpu.memory_space<vmem>>, vector<16xi32>,
    %add3A_7 = arith.addi %broadcast_in_dim3A_3, %get3A_6 : vector<16xi32>
    %broadcast_in_dim3A_8 = arith.constant 0 : i32
    %broadcast_in_dim3A_9 = vector.broadcast %broadcast_in_dim3A_8 : i32 to vector<16xi32>
    %lt3A = vector.broadcast %add3A : i32 to vector<16xi32>
    %lt3A_10 = arith.cmpi slt, %broadcast_in_dim3A_9, %lt3A : vector<16xi32>
    %jit3A = arith.constant 0 : i32
    %broadcast_in_dim3A_11 = vector.broadcast %jit3A : i32 to vector<16xi32>
    %select_n3A = arith.select %lt3A_10, %get3A_6, %broadcast_in_dim3A_11 : vector<16xi1>, vector<16xi32>
    %add3A_12 = arith.addi %broadcast_in_dim3A_5, %select_n3A : vector<16xi32>
    %get3A_13 = arith.constant 128 : index
    %get3A_14 = tpu.vector_load %arg9[%get3A_13] {strides = array<i32>} : memref<4096xi32, #tpu.memory_space<vmem>>, vector<16xi32>,
    %add3A_15 = arith.addi %add3A_7, %get3A_14 : vector<16xi32>
    %broadcast_in_dim3A_16 = arith.constant 1 : i32
    %broadcast_in_dim3A_17 = vector.broadcast %broadcast_in_dim3A_16 : i32 to vector<16xi32>
    %lt3A_18 = vector.broadcast %add3A : i32 to vector<16xi32>
    %lt3A_19 = arith.cmpi slt, %broadcast_in_dim3A_17, %lt3A_18 : vector<16xi32>
    %jit3A_20 = arith.constant 0 : i32
    %broadcast_in_dim3A_21 = vector.broadcast %jit3A_20 : i32 to vector<16xi32>
    %select_n3A_22 = arith.select %lt3A_19, %get3A_14, %broadcast_in_dim3A_21 : vector<16xi1>, vector<16xi32>
    %add3A_23 = arith.addi %add3A_12, %select_n3A_22 : vector<16xi32>
    %get3A_24 = arith.constant 256 : index
    %get3A_25 = tpu.vector_load %arg9[%get3A_24] {strides = array<i32>} : memref<4096xi32, #tpu.memory_space<vmem>>, vector<16xi32>,
    %add3A_26 = arith.addi %add3A_15, %get3A_25 : vector<16xi32>
    %broadcast_in_dim3A_27 = arith.constant 2 : i32
    %broadcast_in_dim3A_28 = vector.broadcast %broadcast_in_dim3A_27 : i32 to vector<16xi32>
    %lt3A_29 = vector.broadcast %add3A : i32 to vector<16xi32>
    %lt3A_30 = arith.cmpi slt, %broadcast_in_dim3A_28, %lt3A_29 : vector<16xi32>
    %jit3A_31 = arith.constant 0 : i32
    %broadcast_in_dim3A_32 = vector.broadcast %jit3A_31 : i32 to vector<16xi32>
    %select_n3A_33 = arith.select %lt3A_30, %get3A_25, %broadcast_in_dim3A_32 : vector<16xi1>, vector<16xi32>
    %add3A_34 = arith.addi %add3A_23, %select_n3A_33 : vector<16xi32>
    %get3A_35 = arith.constant 384 : index
    %get3A_36 = tpu.vector_load %arg9[%get3A_35] {strides = array<i32>} : memref<4096xi32, #tpu.memory_space<vmem>>, vector<16xi32>,
    %add3A_37 = arith.addi %add3A_26, %get3A_36 : vector<16xi32>
    %broadcast_in_dim3A_38 = arith.constant 3 : i32
    %broadcast_in_dim3A_39 = vector.broadcast %broadcast_in_dim3A_38 : i32 to vector<16xi32>
    %lt3A_40 = vector.broadcast %add3A : i32 to vector<16xi32>
    %lt3A_41 = arith.cmpi slt, %broadcast_in_dim3A_39, %lt3A_40 : vector<16xi32>
    %jit3A_42 = arith.constant 0 : i32
    %broadcast_in_dim3A_43 = vector.broadcast %jit3A_42 : i32 to vector<16xi32>
    %select_n3A_44 = arith.select %lt3A_41, %get3A_36, %broadcast_in_dim3A_43 : vector<16xi1>, vector<16xi32>
    %add3A_45 = arith.addi %add3A_34, %select_n3A_44 : vector<16xi32>
    %get3A_46 = arith.constant 512 : index
    %get3A_47 = tpu.vector_load %arg9[%get3A_46] {strides = array<i32>} : memref<4096xi32, #tpu.memory_space<vmem>>, vector<16xi32>,
    %add3A_48 = arith.addi %add3A_37, %get3A_47 : vector<16xi32>
    %broadcast_in_dim3A_49 = arith.constant 4 : i32
    %broadcast_in_dim3A_50 = vector.broadcast %broadcast_in_dim3A_49 : i32 to vector<16xi32>
    %lt3A_51 = vector.broadcast %add3A : i32 to vector<16xi32>
    %lt3A_52 = arith.cmpi slt, %broadcast_in_dim3A_50, %lt3A_51 : vector<16xi32>
    %jit3A_53 = arith.constant 0 : i32
    %broadcast_in_dim3A_54 = vector.broadcast %jit3A_53 : i32 to vector<16xi32>
    %select_n3A_55 = arith.select %lt3A_52, %get3A_47, %broadcast_in_dim3A_54 : vector<16xi1>, vector<16xi32>
    %add3A_56 = arith.addi %add3A_45, %select_n3A_55 : vector<16xi32>
    %get3A_57 = arith.constant 640 : index
    %get3A_58 = tpu.vector_load %arg9[%get3A_57] {strides = array<i32>} : memref<4096xi32, #tpu.memory_space<vmem>>, vector<16xi32>,
    %add3A_59 = arith.addi %add3A_48, %get3A_58 : vector<16xi32>
    %broadcast_in_dim3A_60 = arith.constant 5 : i32
    %broadcast_in_dim3A_61 = vector.broadcast %broadcast_in_dim3A_60 : i32 to vector<16xi32>
    %lt3A_62 = vector.broadcast %add3A : i32 to vector<16xi32>
    %lt3A_63 = arith.cmpi slt, %broadcast_in_dim3A_61, %lt3A_62 : vector<16xi32>
    %jit3A_64 = arith.constant 0 : i32
    %broadcast_in_dim3A_65 = vector.broadcast %jit3A_64 : i32 to vector<16xi32>
    %select_n3A_66 = arith.select %lt3A_63, %get3A_58, %broadcast_in_dim3A_65 : vector<16xi1>, vector<16xi32>
    %add3A_67 = arith.addi %add3A_56, %select_n3A_66 : vector<16xi32>
    %get3A_68 = arith.constant 768 : index
    %get3A_69 = tpu.vector_load %arg9[%get3A_68] {strides = array<i32>} : memref<4096xi32, #tpu.memory_space<vmem>>, vector<16xi32>,
    %add3A_70 = arith.addi %add3A_59, %get3A_69 : vector<16xi32>
    %broadcast_in_dim3A_71 = arith.constant 6 : i32
    %broadcast_in_dim3A_72 = vector.broadcast %broadcast_in_dim3A_71 : i32 to vector<16xi32>
    %lt3A_73 = vector.broadcast %add3A : i32 to vector<16xi32>
    %lt3A_74 = arith.cmpi slt, %broadcast_in_dim3A_72, %lt3A_73 : vector<16xi32>
    %jit3A_75 = arith.constant 0 : i32
    %broadcast_in_dim3A_76 = vector.broadcast %jit3A_75 : i32 to vector<16xi32>
    %select_n3A_77 = arith.select %lt3A_74, %get3A_69, %broadcast_in_dim3A_76 : vector<16xi1>, vector<16xi32>
    %add3A_78 = arith.addi %add3A_67, %select_n3A_77 : vector<16xi32>
    %get3A_79 = arith.constant 896 : index
    %get3A_80 = tpu.vector_load %arg9[%get3A_79] {strides = array<i32>} : memref<4096xi32, #tpu.memory_space<vmem>>, vector<16xi32>,
    %add3A_81 = arith.addi %add3A_70, %get3A_80 : vector<16xi32>
    %broadcast_in_dim3A_82 = arith.constant 7 : i32
    %broadcast_in_dim3A_83 = vector.broadcast %broadcast_in_dim3A_82 : i32 to vector<16xi32>
    %lt3A_84 = vector.broadcast %add3A : i32 to vector<16xi32>
    %lt3A_85 = arith.cmpi slt, %broadcast_in_dim3A_83, %lt3A_84 : vector<16xi32>
    %jit3A_86 = arith.constant 0 : i32
    %broadcast_in_dim3A_87 = vector.broadcast %jit3A_86 : i32 to vector<16xi32>
    %select_n3A_88 = arith.select %lt3A_85, %get3A_80, %broadcast_in_dim3A_87 : vector<16xi1>, vector<16xi32>
    %add3A_89 = arith.addi %add3A_78, %select_n3A_88 : vector<16xi32>
    %get3A_90 = arith.constant 1024 : index
    %get3A_91 = tpu.vector_load %arg9[%get3A_90] {strides = array<i32>} : memref<4096xi32, #tpu.memory_space<vmem>>, vector<16xi32>,
    %add3A_92 = arith.addi %add3A_81, %get3A_91 : vector<16xi32>
    %broadcast_in_dim3A_93 = arith.constant 8 : i32
    %broadcast_in_dim3A_94 = vector.broadcast %broadcast_in_dim3A_93 : i32 to vector<16xi32>
    %lt3A_95 = vector.broadcast %add3A : i32 to vector<16xi32>
    %lt3A_96 = arith.cmpi slt, %broadcast_in_dim3A_94, %lt3A_95 : vector<16xi32>
    %jit3A_97 = arith.constant 0 : i32
    %broadcast_in_dim3A_98 = vector.broadcast %jit3A_97 : i32 to vector<16xi32>
    %select_n3A_99 = arith.select %lt3A_96, %get3A_91, %broadcast_in_dim3A_98 : vector<16xi1>, vector<16xi32>
    %add3A_100 = arith.addi %add3A_89, %select_n3A_99 : vector<16xi32>
    %get3A_101 = arith.constant 1152 : index
    %get3A_102 = tpu.vector_load %arg9[%get3A_101] {strides = array<i32>} : memref<4096xi32, #tpu.memory_space<vmem>>, vector<16xi32>,
    %add3A_103 = arith.addi %add3A_92, %get3A_102 : vector<16xi32>
    %broadcast_in_dim3A_104 = arith.constant 9 : i32
    %broadcast_in_dim3A_105 = vector.broadcast %broadcast_in_dim3A_104 : i32 to vector<16xi32>
    %lt3A_106 = vector.broadcast %add3A : i32 to vector<16xi32>
    %lt3A_107 = arith.cmpi slt, %broadcast_in_dim3A_105, %lt3A_106 : vector<16xi32>
    %jit3A_108 = arith.constant 0 : i32
    %broadcast_in_dim3A_109 = vector.broadcast %jit3A_108 : i32 to vector<16xi32>
    %select_n3A_110 = arith.select %lt3A_107, %get3A_102, %broadcast_in_dim3A_109 : vector<16xi1>, vector<16xi32>
    %add3A_111 = arith.addi %add3A_100, %select_n3A_110 : vector<16xi32>
    %get3A_112 = arith.constant 1280 : index
    %get3A_113 = tpu.vector_load %arg9[%get3A_112] {strides = array<i32>} : memref<4096xi32, #tpu.memory_space<vmem>>, vector<16xi32>,
    %add3A_114 = arith.addi %add3A_103, %get3A_113 : vector<16xi32>
    %broadcast_in_dim3A_115 = arith.constant 10 : i32
    %broadcast_in_dim3A_116 = vector.broadcast %broadcast_in_dim3A_115 : i32 to vector<16xi32>
    %lt3A_117 = vector.broadcast %add3A : i32 to vector<16xi32>
    %lt3A_118 = arith.cmpi slt, %broadcast_in_dim3A_116, %lt3A_117 : vector<16xi32>
    %jit3A_119 = arith.constant 0 : i32
    %broadcast_in_dim3A_120 = vector.broadcast %jit3A_119 : i32 to vector<16xi32>
    %select_n3A_121 = arith.select %lt3A_118, %get3A_113, %broadcast_in_dim3A_120 : vector<16xi1>, vector<16xi32>
    %add3A_122 = arith.addi %add3A_111, %select_n3A_121 : vector<16xi32>
    %get3A_123 = arith.constant 1408 : index
    %get3A_124 = tpu.vector_load %arg9[%get3A_123] {strides = array<i32>} : memref<4096xi32, #tpu.memory_space<vmem>>, vector<16xi32>,
    %add3A_125 = arith.addi %add3A_114, %get3A_124 : vector<16xi32>
    %broadcast_in_dim3A_126 = arith.constant 11 : i32
    %broadcast_in_dim3A_127 = vector.broadcast %broadcast_in_dim3A_126 : i32 to vector<16xi32>
    %lt3A_128 = vector.broadcast %add3A : i32 to vector<16xi32>
    %lt3A_129 = arith.cmpi slt, %broadcast_in_dim3A_127, %lt3A_128 : vector<16xi32>
    %jit3A_130 = arith.constant 0 : i32
    %broadcast_in_dim3A_131 = vector.broadcast %jit3A_130 : i32 to vector<16xi32>
    %select_n3A_132 = arith.select %lt3A_129, %get3A_124, %broadcast_in_dim3A_131 : vector<16xi1>, vector<16xi32>
    %add3A_133 = arith.addi %add3A_122, %select_n3A_132 : vector<16xi32>
    %get3A_134 = arith.constant 1536 : index
    %get3A_135 = tpu.vector_load %arg9[%get3A_134] {strides = array<i32>} : memref<4096xi32, #tpu.memory_space<vmem>>, vector<16xi32>,
    %add3A_136 = arith.addi %add3A_125, %get3A_135 : vector<16xi32>
    %broadcast_in_dim3A_137 = arith.constant 12 : i32
    %broadcast_in_dim3A_138 = vector.broadcast %broadcast_in_dim3A_137 : i32 to vector<16xi32>
    %lt3A_139 = vector.broadcast %add3A : i32 to vector<16xi32>
    %lt3A_140 = arith.cmpi slt, %broadcast_in_dim3A_138, %lt3A_139 : vector<16xi32>
    %jit3A_141 = arith.constant 0 : i32
    %broadcast_in_dim3A_142 = vector.broadcast %jit3A_141 : i32 to vector<16xi32>
    %select_n3A_143 = arith.select %lt3A_140, %get3A_135, %broadcast_in_dim3A_142 : vector<16xi1>, vector<16xi32>
    %add3A_144 = arith.addi %add3A_133, %select_n3A_143 : vector<16xi32>
    %get3A_145 = arith.constant 1664 : index
    %get3A_146 = tpu.vector_load %arg9[%get3A_145] {strides = array<i32>} : memref<4096xi32, #tpu.memory_space<vmem>>, vector<16xi32>,
    %add3A_147 = arith.addi %add3A_136, %get3A_146 : vector<16xi32>
    %broadcast_in_dim3A_148 = arith.constant 13 : i32
    %broadcast_in_dim3A_149 = vector.broadcast %broadcast_in_dim3A_148 : i32 to vector<16xi32>
    %lt3A_150 = vector.broadcast %add3A : i32 to vector<16xi32>
    %lt3A_151 = arith.cmpi slt, %broadcast_in_dim3A_149, %lt3A_150 : vector<16xi32>
    %jit3A_152 = arith.constant 0 : i32
    %broadcast_in_dim3A_153 = vector.broadcast %jit3A_152 : i32 to vector<16xi32>
    %select_n3A_154 = arith.select %lt3A_151, %get3A_146, %broadcast_in_dim3A_153 : vector<16xi1>, vector<16xi32>
    %add3A_155 = arith.addi %add3A_144, %select_n3A_154 : vector<16xi32>
    %get3A_156 = arith.constant 1792 : index
    %get3A_157 = tpu.vector_load %arg9[%get3A_156] {strides = array<i32>} : memref<4096xi32, #tpu.memory_space<vmem>>, vector<16xi32>,
    %add3A_158 = arith.addi %add3A_147, %get3A_157 : vector<16xi32>
    %broadcast_in_dim3A_159 = arith.constant 14 : i32
    %broadcast_in_dim3A_160 = vector.broadcast %broadcast_in_dim3A_159 : i32 to vector<16xi32>
    %lt3A_161 = vector.broadcast %add3A : i32 to vector<16xi32>
    %lt3A_162 = arith.cmpi slt, %broadcast_in_dim3A_160, %lt3A_161 : vector<16xi32>
    %jit3A_163 = arith.constant 0 : i32
    %broadcast_in_dim3A_164 = vector.broadcast %jit3A_163 : i32 to vector<16xi32>
    %select_n3A_165 = arith.select %lt3A_162, %get3A_157, %broadcast_in_dim3A_164 : vector<16xi1>, vector<16xi32>
    %add3A_166 = arith.addi %add3A_155, %select_n3A_165 : vector<16xi32>
    %get3A_167 = arith.constant 1920 : index
    %get3A_168 = tpu.vector_load %arg9[%get3A_167] {strides = array<i32>} : memref<4096xi32, #tpu.memory_space<vmem>>, vector<16xi32>,
    %add3A_169 = arith.addi %add3A_158, %get3A_168 : vector<16xi32>
    %broadcast_in_dim3A_170 = arith.constant 15 : i32
    %broadcast_in_dim3A_171 = vector.broadcast %broadcast_in_dim3A_170 : i32 to vector<16xi32>
    %lt3A_172 = vector.broadcast %add3A : i32 to vector<16xi32>
    %lt3A_173 = arith.cmpi slt, %broadcast_in_dim3A_171, %lt3A_172 : vector<16xi32>
    %jit3A_174 = arith.constant 0 : i32
    %broadcast_in_dim3A_175 = vector.broadcast %jit3A_174 : i32 to vector<16xi32>
    %select_n3A_176 = arith.select %lt3A_173, %get3A_168, %broadcast_in_dim3A_175 : vector<16xi1>, vector<16xi32>
    %add3A_177 = arith.addi %add3A_166, %select_n3A_176 : vector<16xi32>
    %get3A_178 = arith.constant 2048 : index
    %get3A_179 = tpu.vector_load %arg9[%get3A_178] {strides = array<i32>} : memref<4096xi32, #tpu.memory_space<vmem>>, vector<16xi32>,
    %add3A_180 = arith.addi %add3A_169, %get3A_179 : vector<16xi32>
    %broadcast_in_dim3A_181 = arith.constant 16 : i32
    %broadcast_in_dim3A_182 = vector.broadcast %broadcast_in_dim3A_181 : i32 to vector<16xi32>
    %lt3A_183 = vector.broadcast %add3A : i32 to vector<16xi32>
    %lt3A_184 = arith.cmpi slt, %broadcast_in_dim3A_182, %lt3A_183 : vector<16xi32>
    %jit3A_185 = arith.constant 0 : i32
    %broadcast_in_dim3A_186 = vector.broadcast %jit3A_185 : i32 to vector<16xi32>
    %select_n3A_187 = arith.select %lt3A_184, %get3A_179, %broadcast_in_dim3A_186 : vector<16xi1>, vector<16xi32>
    %add3A_188 = arith.addi %add3A_177, %select_n3A_187 : vector<16xi32>
    %get3A_189 = arith.constant 2176 : index
    %get3A_190 = tpu.vector_load %arg9[%get3A_189] {strides = array<i32>} : memref<4096xi32, #tpu.memory_space<vmem>>, vector<16xi32>,
    %add3A_191 = arith.addi %add3A_180, %get3A_190 : vector<16xi32>
    %broadcast_in_dim3A_192 = arith.constant 17 : i32
    %broadcast_in_dim3A_193 = vector.broadcast %broadcast_in_dim3A_192 : i32 to vector<16xi32>
    %lt3A_194 = vector.broadcast %add3A : i32 to vector<16xi32>
    %lt3A_195 = arith.cmpi slt, %broadcast_in_dim3A_193, %lt3A_194 : vector<16xi32>
    %jit3A_196 = arith.constant 0 : i32
    %broadcast_in_dim3A_197 = vector.broadcast %jit3A_196 : i32 to vector<16xi32>
    %select_n3A_198 = arith.select %lt3A_195, %get3A_190, %broadcast_in_dim3A_197 : vector<16xi1>, vector<16xi32>
    %add3A_199 = arith.addi %add3A_188, %select_n3A_198 : vector<16xi32>
    %get3A_200 = arith.constant 2304 : index
    %get3A_201 = tpu.vector_load %arg9[%get3A_200] {strides = array<i32>} : memref<4096xi32, #tpu.memory_space<vmem>>, vector<16xi32>,
    %add3A_202 = arith.addi %add3A_191, %get3A_201 : vector<16xi32>
    %broadcast_in_dim3A_203 = arith.constant 18 : i32
    %broadcast_in_dim3A_204 = vector.broadcast %broadcast_in_dim3A_203 : i32 to vector<16xi32>
    %lt3A_205 = vector.broadcast %add3A : i32 to vector<16xi32>
    %lt3A_206 = arith.cmpi slt, %broadcast_in_dim3A_204, %lt3A_205 : vector<16xi32>
    %jit3A_207 = arith.constant 0 : i32
    %broadcast_in_dim3A_208 = vector.broadcast %jit3A_207 : i32 to vector<16xi32>
    %select_n3A_209 = arith.select %lt3A_206, %get3A_201, %broadcast_in_dim3A_208 : vector<16xi1>, vector<16xi32>
    %add3A_210 = arith.addi %add3A_199, %select_n3A_209 : vector<16xi32>
    %get3A_211 = arith.constant 2432 : index
    %get3A_212 = tpu.vector_load %arg9[%get3A_211] {strides = array<i32>} : memref<4096xi32, #tpu.memory_space<vmem>>, vector<16xi32>,
    %add3A_213 = arith.addi %add3A_202, %get3A_212 : vector<16xi32>
    %broadcast_in_dim3A_214 = arith.constant 19 : i32
    %broadcast_in_dim3A_215 = vector.broadcast %broadcast_in_dim3A_214 : i32 to vector<16xi32>
    %lt3A_216 = vector.broadcast %add3A : i32 to vector<16xi32>
    %lt3A_217 = arith.cmpi slt, %broadcast_in_dim3A_215, %lt3A_216 : vector<16xi32>
    %jit3A_218 = arith.constant 0 : i32
    %broadcast_in_dim3A_219 = vector.broadcast %jit3A_218 : i32 to vector<16xi32>
    %select_n3A_220 = arith.select %lt3A_217, %get3A_212, %broadcast_in_dim3A_219 : vector<16xi1>, vector<16xi32>
    %add3A_221 = arith.addi %add3A_210, %select_n3A_220 : vector<16xi32>
    %get3A_222 = arith.constant 2560 : index
    %get3A_223 = tpu.vector_load %arg9[%get3A_222] {strides = array<i32>} : memref<4096xi32, #tpu.memory_space<vmem>>, vector<16xi32>,
    %add3A_224 = arith.addi %add3A_213, %get3A_223 : vector<16xi32>
    %broadcast_in_dim3A_225 = arith.constant 20 : i32
    %broadcast_in_dim3A_226 = vector.broadcast %broadcast_in_dim3A_225 : i32 to vector<16xi32>
    %lt3A_227 = vector.broadcast %add3A : i32 to vector<16xi32>
    %lt3A_228 = arith.cmpi slt, %broadcast_in_dim3A_226, %lt3A_227 : vector<16xi32>
    %jit3A_229 = arith.constant 0 : i32
    %broadcast_in_dim3A_230 = vector.broadcast %jit3A_229 : i32 to vector<16xi32>
    %select_n3A_231 = arith.select %lt3A_228, %get3A_223, %broadcast_in_dim3A_230 : vector<16xi1>, vector<16xi32>
    %add3A_232 = arith.addi %add3A_221, %select_n3A_231 : vector<16xi32>
    %get3A_233 = arith.constant 2688 : index
    %get3A_234 = tpu.vector_load %arg9[%get3A_233] {strides = array<i32>} : memref<4096xi32, #tpu.memory_space<vmem>>, vector<16xi32>,
    %add3A_235 = arith.addi %add3A_224, %get3A_234 : vector<16xi32>
    %broadcast_in_dim3A_236 = arith.constant 21 : i32
    %broadcast_in_dim3A_237 = vector.broadcast %broadcast_in_dim3A_236 : i32 to vector<16xi32>
    %lt3A_238 = vector.broadcast %add3A : i32 to vector<16xi32>
    %lt3A_239 = arith.cmpi slt, %broadcast_in_dim3A_237, %lt3A_238 : vector<16xi32>
    %jit3A_240 = arith.constant 0 : i32
    %broadcast_in_dim3A_241 = vector.broadcast %jit3A_240 : i32 to vector<16xi32>
    %select_n3A_242 = arith.select %lt3A_239, %get3A_234, %broadcast_in_dim3A_241 : vector<16xi1>, vector<16xi32>
    %add3A_243 = arith.addi %add3A_232, %select_n3A_242 : vector<16xi32>
    %get3A_244 = arith.constant 2816 : index
    %get3A_245 = tpu.vector_load %arg9[%get3A_244] {strides = array<i32>} : memref<4096xi32, #tpu.memory_space<vmem>>, vector<16xi32>,
    %add3A_246 = arith.addi %add3A_235, %get3A_245 : vector<16xi32>
    %broadcast_in_dim3A_247 = arith.constant 22 : i32
    %broadcast_in_dim3A_248 = vector.broadcast %broadcast_in_dim3A_247 : i32 to vector<16xi32>
    %lt3A_249 = vector.broadcast %add3A : i32 to vector<16xi32>
    %lt3A_250 = arith.cmpi slt, %broadcast_in_dim3A_248, %lt3A_249 : vector<16xi32>
    %jit3A_251 = arith.constant 0 : i32
    %broadcast_in_dim3A_252 = vector.broadcast %jit3A_251 : i32 to vector<16xi32>
    %select_n3A_253 = arith.select %lt3A_250, %get3A_245, %broadcast_in_dim3A_252 : vector<16xi1>, vector<16xi32>
    %add3A_254 = arith.addi %add3A_243, %select_n3A_253 : vector<16xi32>
    %get3A_255 = arith.constant 2944 : index
    %get3A_256 = tpu.vector_load %arg9[%get3A_255] {strides = array<i32>} : memref<4096xi32, #tpu.memory_space<vmem>>, vector<16xi32>,
    %add3A_257 = arith.addi %add3A_246, %get3A_256 : vector<16xi32>
    %broadcast_in_dim3A_258 = arith.constant 23 : i32
    %broadcast_in_dim3A_259 = vector.broadcast %broadcast_in_dim3A_258 : i32 to vector<16xi32>
    %lt3A_260 = vector.broadcast %add3A : i32 to vector<16xi32>
    %lt3A_261 = arith.cmpi slt, %broadcast_in_dim3A_259, %lt3A_260 : vector<16xi32>
    %jit3A_262 = arith.constant 0 : i32
    %broadcast_in_dim3A_263 = vector.broadcast %jit3A_262 : i32 to vector<16xi32>
    %select_n3A_264 = arith.select %lt3A_261, %get3A_256, %broadcast_in_dim3A_263 : vector<16xi1>, vector<16xi32>
    %add3A_265 = arith.addi %add3A_254, %select_n3A_264 : vector<16xi32>
    %get3A_266 = arith.constant 3072 : index
    %get3A_267 = tpu.vector_load %arg9[%get3A_266] {strides = array<i32>} : memref<4096xi32, #tpu.memory_space<vmem>>, vector<16xi32>,
    %add3A_268 = arith.addi %add3A_257, %get3A_267 : vector<16xi32>
    %broadcast_in_dim3A_269 = arith.constant 24 : i32
    %broadcast_in_dim3A_270 = vector.broadcast %broadcast_in_dim3A_269 : i32 to vector<16xi32>
    %lt3A_271 = vector.broadcast %add3A : i32 to vector<16xi32>
    %lt3A_272 = arith.cmpi slt, %broadcast_in_dim3A_270, %lt3A_271 : vector<16xi32>
    %jit3A_273 = arith.constant 0 : i32
    %broadcast_in_dim3A_274 = vector.broadcast %jit3A_273 : i32 to vector<16xi32>
    %select_n3A_275 = arith.select %lt3A_272, %get3A_267, %broadcast_in_dim3A_274 : vector<16xi1>, vector<16xi32>
    %add3A_276 = arith.addi %add3A_265, %select_n3A_275 : vector<16xi32>
    %get3A_277 = arith.constant 3200 : index
    %get3A_278 = tpu.vector_load %arg9[%get3A_277] {strides = array<i32>} : memref<4096xi32, #tpu.memory_space<vmem>>, vector<16xi32>,
    %add3A_279 = arith.addi %add3A_268, %get3A_278 : vector<16xi32>
    %broadcast_in_dim3A_280 = arith.constant 25 : i32
    %broadcast_in_dim3A_281 = vector.broadcast %broadcast_in_dim3A_280 : i32 to vector<16xi32>
    %lt3A_282 = vector.broadcast %add3A : i32 to vector<16xi32>
    %lt3A_283 = arith.cmpi slt, %broadcast_in_dim3A_281, %lt3A_282 : vector<16xi32>
    %jit3A_284 = arith.constant 0 : i32
    %broadcast_in_dim3A_285 = vector.broadcast %jit3A_284 : i32 to vector<16xi32>
    %select_n3A_286 = arith.select %lt3A_283, %get3A_278, %broadcast_in_dim3A_285 : vector<16xi1>, vector<16xi32>
    %add3A_287 = arith.addi %add3A_276, %select_n3A_286 : vector<16xi32>
    %get3A_288 = arith.constant 3328 : index
    %get3A_289 = tpu.vector_load %arg9[%get3A_288] {strides = array<i32>} : memref<4096xi32, #tpu.memory_space<vmem>>, vector<16xi32>,
    %add3A_290 = arith.addi %add3A_279, %get3A_289 : vector<16xi32>
    %broadcast_in_dim3A_291 = arith.constant 26 : i32
    %broadcast_in_dim3A_292 = vector.broadcast %broadcast_in_dim3A_291 : i32 to vector<16xi32>
    %lt3A_293 = vector.broadcast %add3A : i32 to vector<16xi32>
    %lt3A_294 = arith.cmpi slt, %broadcast_in_dim3A_292, %lt3A_293 : vector<16xi32>
    %jit3A_295 = arith.constant 0 : i32
    %broadcast_in_dim3A_296 = vector.broadcast %jit3A_295 : i32 to vector<16xi32>
    %select_n3A_297 = arith.select %lt3A_294, %get3A_289, %broadcast_in_dim3A_296 : vector<16xi1>, vector<16xi32>
    %add3A_298 = arith.addi %add3A_287, %select_n3A_297 : vector<16xi32>
    %get3A_299 = arith.constant 3456 : index
    %get3A_300 = tpu.vector_load %arg9[%get3A_299] {strides = array<i32>} : memref<4096xi32, #tpu.memory_space<vmem>>, vector<16xi32>,
    %add3A_301 = arith.addi %add3A_290, %get3A_300 : vector<16xi32>
    %broadcast_in_dim3A_302 = arith.constant 27 : i32
    %broadcast_in_dim3A_303 = vector.broadcast %broadcast_in_dim3A_302 : i32 to vector<16xi32>
    %lt3A_304 = vector.broadcast %add3A : i32 to vector<16xi32>
    %lt3A_305 = arith.cmpi slt, %broadcast_in_dim3A_303, %lt3A_304 : vector<16xi32>
    %jit3A_306 = arith.constant 0 : i32
    %broadcast_in_dim3A_307 = vector.broadcast %jit3A_306 : i32 to vector<16xi32>
    %select_n3A_308 = arith.select %lt3A_305, %get3A_300, %broadcast_in_dim3A_307 : vector<16xi1>, vector<16xi32>
    %add3A_309 = arith.addi %add3A_298, %select_n3A_308 : vector<16xi32>
    %get3A_310 = arith.constant 3584 : index
    %get3A_311 = tpu.vector_load %arg9[%get3A_310] {strides = array<i32>} : memref<4096xi32, #tpu.memory_space<vmem>>, vector<16xi32>,
    %add3A_312 = arith.addi %add3A_301, %get3A_311 : vector<16xi32>
    %broadcast_in_dim3A_313 = arith.constant 28 : i32
    %broadcast_in_dim3A_314 = vector.broadcast %broadcast_in_dim3A_313 : i32 to vector<16xi32>
    %lt3A_315 = vector.broadcast %add3A : i32 to vector<16xi32>
    %lt3A_316 = arith.cmpi slt, %broadcast_in_dim3A_314, %lt3A_315 : vector<16xi32>
    %jit3A_317 = arith.constant 0 : i32
    %broadcast_in_dim3A_318 = vector.broadcast %jit3A_317 : i32 to vector<16xi32>
    %select_n3A_319 = arith.select %lt3A_316, %get3A_311, %broadcast_in_dim3A_318 : vector<16xi1>, vector<16xi32>
    %add3A_320 = arith.addi %add3A_309, %select_n3A_319 : vector<16xi32>
    %get3A_321 = arith.constant 3712 : index
    %get3A_322 = tpu.vector_load %arg9[%get3A_321] {strides = array<i32>} : memref<4096xi32, #tpu.memory_space<vmem>>, vector<16xi32>,
    %add3A_323 = arith.addi %add3A_312, %get3A_322 : vector<16xi32>
    %broadcast_in_dim3A_324 = arith.constant 29 : i32
    %broadcast_in_dim3A_325 = vector.broadcast %broadcast_in_dim3A_324 : i32 to vector<16xi32>
    %lt3A_326 = vector.broadcast %add3A : i32 to vector<16xi32>
    %lt3A_327 = arith.cmpi slt, %broadcast_in_dim3A_325, %lt3A_326 : vector<16xi32>
    %jit3A_328 = arith.constant 0 : i32
    %broadcast_in_dim3A_329 = vector.broadcast %jit3A_328 : i32 to vector<16xi32>
    %select_n3A_330 = arith.select %lt3A_327, %get3A_322, %broadcast_in_dim3A_329 : vector<16xi1>, vector<16xi32>
    %add3A_331 = arith.addi %add3A_320, %select_n3A_330 : vector<16xi32>
    %get3A_332 = arith.constant 3840 : index
    %get3A_333 = tpu.vector_load %arg9[%get3A_332] {strides = array<i32>} : memref<4096xi32, #tpu.memory_space<vmem>>, vector<16xi32>,
    %add3A_334 = arith.addi %add3A_323, %get3A_333 : vector<16xi32>
    %broadcast_in_dim3A_335 = arith.constant 30 : i32
    %broadcast_in_dim3A_336 = vector.broadcast %broadcast_in_dim3A_335 : i32 to vector<16xi32>
    %lt3A_337 = vector.broadcast %add3A : i32 to vector<16xi32>
    %lt3A_338 = arith.cmpi slt, %broadcast_in_dim3A_336, %lt3A_337 : vector<16xi32>
    %jit3A_339 = arith.constant 0 : i32
    %broadcast_in_dim3A_340 = vector.broadcast %jit3A_339 : i32 to vector<16xi32>
    %select_n3A_341 = arith.select %lt3A_338, %get3A_333, %broadcast_in_dim3A_340 : vector<16xi1>, vector<16xi32>
    %add3A_342 = arith.addi %add3A_331, %select_n3A_341 : vector<16xi32>
    %get3A_343 = arith.constant 3968 : index
    %get3A_344 = tpu.vector_load %arg9[%get3A_343] {strides = array<i32>} : memref<4096xi32, #tpu.memory_space<vmem>>, vector<16xi32>,
    %add3A_345 = arith.addi %add3A_334, %get3A_344 : vector<16xi32>
    %broadcast_in_dim3A_346 = arith.constant 31 : i32
    %broadcast_in_dim3A_347 = vector.broadcast %broadcast_in_dim3A_346 : i32 to vector<16xi32>
    %lt3A_348 = vector.broadcast %add3A : i32 to vector<16xi32>
    %lt3A_349 = arith.cmpi slt, %broadcast_in_dim3A_347, %lt3A_348 : vector<16xi32>
    %jit3A_350 = arith.constant 0 : i32
    %broadcast_in_dim3A_351 = vector.broadcast %jit3A_350 : i32 to vector<16xi32>
    %select_n3A_352 = arith.select %lt3A_349, %get3A_344, %broadcast_in_dim3A_351 : vector<16xi1>, vector<16xi32>
    %add3A_353 = arith.addi %add3A_342, %select_n3A_352 : vector<16xi32>
    %add3A_354 = arith.constant 255 : i32
    %add3A_355 = vector.broadcast %add3A_354 : i32 to vector<16xi32>
    %add3A_356 = arith.addi %add3A_345, %add3A_355 : vector<16xi32>
    %jit3A_357 = arith.constant 256 : i32
    %div3A = vector.broadcast %jit3A_357 : i32 to vector<16xi32>
    %div3A_358 = arith.divsi %add3A_356, %div3A : vector<16xi32>
    %sign3A = arith.constant 0 : i32
    %sign3A_359 = vector.broadcast %sign3A : i32 to vector<16xi32>
    %sign3A_360 = arith.cmpi sgt, %add3A_356, %sign3A_359 : vector<16xi32>
    %sign3A_361 = arith.extui %sign3A_360 : vector<16xi1> to vector<16xi32>
    %sign3A_362 = arith.constant 0 : i32
    %sign3A_363 = vector.broadcast %sign3A_362 : i32 to vector<16xi32>
    %sign3A_364 = arith.cmpi slt, %add3A_356, %sign3A_363 : vector<16xi32>
    %sign3A_365 = arith.extui %sign3A_364 : vector<16xi1> to vector<16xi32>
    %sign3A_366 = arith.subi %sign3A_361, %sign3A_365 : vector<16xi32>
    %sign3A_367 = arith.constant 0 : i32
    %sign3A_368 = arith.cmpi sgt, %jit3A_357, %sign3A_367 : i32
    %sign3A_369 = arith.extui %sign3A_368 : i1 to i32
    %sign3A_370 = arith.constant 0 : i32
    %sign3A_371 = arith.cmpi slt, %jit3A_357, %sign3A_370 : i32
    %sign3A_372 = arith.extui %sign3A_371 : i1 to i32
    %sign3A_373 = arith.subi %sign3A_369, %sign3A_372 : i32
    %ne3A = vector.broadcast %sign3A_373 : i32 to vector<16xi32>
    %ne3A_374 = arith.cmpi ne, %sign3A_366, %ne3A : vector<16xi32>
    %rem3A = vector.broadcast %jit3A_357 : i32 to vector<16xi32>
    %rem3A_375 = arith.remsi %add3A_356, %rem3A : vector<16xi32>
    %ne3A_376 = arith.constant 0 : i32
    %ne3A_377 = vector.broadcast %ne3A_376 : i32 to vector<16xi32>
    %ne3A_378 = arith.cmpi ne, %rem3A_375, %ne3A_377 : vector<16xi32>
    %and3A = arith.andi %ne3A_374, %ne3A_378 : vector<16xi1>
    %sub3A = arith.constant 1 : i32
    %sub3A_379 = vector.broadcast %sub3A : i32 to vector<16xi32>
    %sub3A_380 = arith.subi %div3A_358, %sub3A_379 : vector<16xi32>
    %select_n3A_381 = arith.select %and3A, %sub3A_380, %div3A_358 : vector<16xi1>, vector<16xi32>
    %mul3A_382 = arith.constant 256 : i32
    %mul3A_383 = vector.broadcast %mul3A_382 : i32 to vector<16xi32>
    %mul3A_384 = arith.muli %select_n3A_381, %mul3A_383 : vector<16xi32>
    %broadcast_in_dim3A_385 = arith.constant true
    %broadcast_in_dim3A_386 = vector.broadcast %broadcast_in_dim3A_385 : i1 to vector<16xi1>
    %masked_cumsum3A = tpu.scan <sum>, %mul3A_384 masked %broadcast_in_dim3A_386 : vector<16xi32>, vector<16xi1> -> vector<16xi32>
    %sub3A_387 = arith.subi %masked_cumsum3A, %mul3A_384 : vector<16xi32>
    %add3A_388 = arith.addi %sub3A_387, %add3A_353 : vector<16xi32>
    %swap3A = arith.constant 0 : index
    %swap3A_389 = tpu.vector_load %arg12[%swap3A] {strides = array<i32>} : memref<16xi32, #tpu.memory_space<vmem>>, vector<16xi32>,
    tpu.vector_store %arg12[%swap3A], %add3A_388 {strides = array<i32>} : memref<16xi32, #tpu.memory_space<vmem>>, vector<16xi32>,
    %broadcast_in_dim3A_390 = arith.constant 0 : i32
    %broadcast_in_dim3A_391 = vector.broadcast %broadcast_in_dim3A_390 : i32 to vector<16xi32>
    %get3A_392 = arith.constant 0 : index
    %get3A_393 = tpu.vector_load %arg8[%get3A_392] {strides = array<i32>} : memref<64xi32, #tpu.memory_space<vmem>>, vector<16xi32>,
    %broadcast_in_dim3A_394 = arith.constant 0 : i32
    %broadcast_in_dim3A_395 = vector.broadcast %broadcast_in_dim3A_394 : i32 to vector<16xi32>
    %eq3A = arith.constant 0 : i32
    %eq3A_396 = vector.broadcast %eq3A : i32 to vector<16xi32>
    %eq3A_397 = arith.cmpi eq, %get3A_393, %eq3A_396 : vector<16xi32>
    %convert_element_type3A = arith.extui %eq3A_397 : vector<16xi1> to vector<16xi32>
    %broadcast_in_dim3A_398 = arith.constant true
    %broadcast_in_dim3A_399 = vector.broadcast %broadcast_in_dim3A_398 : i1 to vector<16xi1>
    %masked_cumsum3A_400 = tpu.scan <sum>, %convert_element_type3A masked %broadcast_in_dim3A_399 : vector<16xi32>, vector<16xi1> -> vector<16xi32>
    %sub3A_401 = arith.constant 1 : i32
    %sub3A_402 = vector.broadcast %sub3A_401 : i32 to vector<16xi32>
    %sub3A_403 = arith.subi %masked_cumsum3A_400, %sub3A_402 : vector<16xi32>
    %select_n3A_404 = arith.select %eq3A_397, %sub3A_403, %broadcast_in_dim3A_395 : vector<16xi1>, vector<16xi32>
    %convert_element_type3A_405 = arith.extui %eq3A_397 : vector<16xi1> to vector<16xi32>
    %reduce_sum3A = arith.constant true
    %reduce_sum3A_406 = vector.broadcast %reduce_sum3A : i1 to vector<16xi1>
    %reduce_sum3A_407 = tpu.scan <sum>, %convert_element_type3A_405 masked %reduce_sum3A_406 : vector<16xi32>, vector<16xi1> -> vector<16xi32>
    %reduce_sum3A_408 = vector.extract %reduce_sum3A_407[15] : i32 from vector<16xi32>
    %eq3A_409 = arith.constant 0 : i32
    %eq3A_410 = vector.broadcast %eq3A_409 : i32 to vector<16xi32>
    %eq3A_411 = arith.cmpi eq, %iota3A, %eq3A_410 : vector<16xi32>
    %jit3A_412 = arith.constant 0 : i32
    %broadcast_in_dim3A_413 = vector.broadcast %reduce_sum3A_408 : i32 to vector<16xi32>
    %broadcast_in_dim3A_414 = vector.broadcast %jit3A_412 : i32 to vector<16xi32>
    %select_n3A_415 = arith.select %eq3A_411, %broadcast_in_dim3A_413, %broadcast_in_dim3A_414 : vector<16xi1>, vector<16xi32>
    %add3A_416 = arith.addi %broadcast_in_dim3A_391, %select_n3A_415 : vector<16xi32>
    %eq3A_417 = arith.constant 1 : i32
    %eq3A_418 = vector.broadcast %eq3A_417 : i32 to vector<16xi32>
    %eq3A_419 = arith.cmpi eq, %get3A_393, %eq3A_418 : vector<16xi32>
    %convert_element_type3A_420 = arith.extui %eq3A_419 : vector<16xi1> to vector<16xi32>
    %broadcast_in_dim3A_421 = arith.constant true
    %broadcast_in_dim3A_422 = vector.broadcast %broadcast_in_dim3A_421 : i1 to vector<16xi1>
    %masked_cumsum3A_423 = tpu.scan <sum>, %convert_element_type3A_420 masked %broadcast_in_dim3A_422 : vector<16xi32>, vector<16xi1> -> vector<16xi32>
    %sub3A_424 = arith.constant 1 : i32
    %sub3A_425 = vector.broadcast %sub3A_424 : i32 to vector<16xi32>
    %sub3A_426 = arith.subi %masked_cumsum3A_423, %sub3A_425 : vector<16xi32>
    %select_n3A_427 = arith.select %eq3A_419, %sub3A_426, %select_n3A_404 : vector<16xi1>, vector<16xi32>
    %convert_element_type3A_428 = arith.extui %eq3A_419 : vector<16xi1> to vector<16xi32>
    %reduce_sum3A_429 = arith.constant true
    %reduce_sum3A_430 = vector.broadcast %reduce_sum3A_429 : i1 to vector<16xi1>
    %reduce_sum3A_431 = tpu.scan <sum>, %convert_element_type3A_428 masked %reduce_sum3A_430 : vector<16xi32>, vector<16xi1> -> vector<16xi32>
    %reduce_sum3A_432 = vector.extract %reduce_sum3A_431[15] : i32 from vector<16xi32>
    %eq3A_433 = arith.constant 1 : i32
    %eq3A_434 = vector.broadcast %eq3A_433 : i32 to vector<16xi32>
    %eq3A_435 = arith.cmpi eq, %iota3A, %eq3A_434 : vector<16xi32>
    %jit3A_436 = arith.constant 0 : i32
    %broadcast_in_dim3A_437 = vector.broadcast %reduce_sum3A_432 : i32 to vector<16xi32>
    %broadcast_in_dim3A_438 = vector.broadcast %jit3A_436 : i32 to vector<16xi32>
    %select_n3A_439 = arith.select %eq3A_435, %broadcast_in_dim3A_437, %broadcast_in_dim3A_438 : vector<16xi1>, vector<16xi32>
    %add3A_440 = arith.addi %add3A_416, %select_n3A_439 : vector<16xi32>
    %eq3A_441 = arith.constant 2 : i32
    %eq3A_442 = vector.broadcast %eq3A_441 : i32 to vector<16xi32>
    %eq3A_443 = arith.cmpi eq, %get3A_393, %eq3A_442 : vector<16xi32>
    %convert_element_type3A_444 = arith.extui %eq3A_443 : vector<16xi1> to vector<16xi32>
    %broadcast_in_dim3A_445 = arith.constant true
    %broadcast_in_dim3A_446 = vector.broadcast %broadcast_in_dim3A_445 : i1 to vector<16xi1>
    %masked_cumsum3A_447 = tpu.scan <sum>, %convert_element_type3A_444 masked %broadcast_in_dim3A_446 : vector<16xi32>, vector<16xi1> -> vector<16xi32>
    %sub3A_448 = arith.constant 1 : i32
    %sub3A_449 = vector.broadcast %sub3A_448 : i32 to vector<16xi32>
    %sub3A_450 = arith.subi %masked_cumsum3A_447, %sub3A_449 : vector<16xi32>
    %select_n3A_451 = arith.select %eq3A_443, %sub3A_450, %select_n3A_427 : vector<16xi1>, vector<16xi32>
    %convert_element_type3A_452 = arith.extui %eq3A_443 : vector<16xi1> to vector<16xi32>
    %reduce_sum3A_453 = arith.constant true
    %reduce_sum3A_454 = vector.broadcast %reduce_sum3A_453 : i1 to vector<16xi1>
    %reduce_sum3A_455 = tpu.scan <sum>, %convert_element_type3A_452 masked %reduce_sum3A_454 : vector<16xi32>, vector<16xi1> -> vector<16xi32>
    %reduce_sum3A_456 = vector.extract %reduce_sum3A_455[15] : i32 from vector<16xi32>
    %eq3A_457 = arith.constant 2 : i32
    %eq3A_458 = vector.broadcast %eq3A_457 : i32 to vector<16xi32>
    %eq3A_459 = arith.cmpi eq, %iota3A, %eq3A_458 : vector<16xi32>
    %jit3A_460 = arith.constant 0 : i32
    %broadcast_in_dim3A_461 = vector.broadcast %reduce_sum3A_456 : i32 to vector<16xi32>
    %broadcast_in_dim3A_462 = vector.broadcast %jit3A_460 : i32 to vector<16xi32>
    %select_n3A_463 = arith.select %eq3A_459, %broadcast_in_dim3A_461, %broadcast_in_dim3A_462 : vector<16xi1>, vector<16xi32>
    %add3A_464 = arith.addi %add3A_440, %select_n3A_463 : vector<16xi32>
    %eq3A_465 = arith.constant 3 : i32
    %eq3A_466 = vector.broadcast %eq3A_465 : i32 to vector<16xi32>
    %eq3A_467 = arith.cmpi eq, %get3A_393, %eq3A_466 : vector<16xi32>
    %convert_element_type3A_468 = arith.extui %eq3A_467 : vector<16xi1> to vector<16xi32>
    %broadcast_in_dim3A_469 = arith.constant true
    %broadcast_in_dim3A_470 = vector.broadcast %broadcast_in_dim3A_469 : i1 to vector<16xi1>
    %masked_cumsum3A_471 = tpu.scan <sum>, %convert_element_type3A_468 masked %broadcast_in_dim3A_470 : vector<16xi32>, vector<16xi1> -> vector<16xi32>
    %sub3A_472 = arith.constant 1 : i32
    %sub3A_473 = vector.broadcast %sub3A_472 : i32 to vector<16xi32>
    %sub3A_474 = arith.subi %masked_cumsum3A_471, %sub3A_473 : vector<16xi32>
    %select_n3A_475 = arith.select %eq3A_467, %sub3A_474, %select_n3A_451 : vector<16xi1>, vector<16xi32>
    %convert_element_type3A_476 = arith.extui %eq3A_467 : vector<16xi1> to vector<16xi32>
    %reduce_sum3A_477 = arith.constant true
    %reduce_sum3A_478 = vector.broadcast %reduce_sum3A_477 : i1 to vector<16xi1>
    %reduce_sum3A_479 = tpu.scan <sum>, %convert_element_type3A_476 masked %reduce_sum3A_478 : vector<16xi32>, vector<16xi1> -> vector<16xi32>
    %reduce_sum3A_480 = vector.extract %reduce_sum3A_479[15] : i32 from vector<16xi32>
    %eq3A_481 = arith.constant 3 : i32
    %eq3A_482 = vector.broadcast %eq3A_481 : i32 to vector<16xi32>
    %eq3A_483 = arith.cmpi eq, %iota3A, %eq3A_482 : vector<16xi32>
    %jit3A_484 = arith.constant 0 : i32
    %broadcast_in_dim3A_485 = vector.broadcast %reduce_sum3A_480 : i32 to vector<16xi32>
    %broadcast_in_dim3A_486 = vector.broadcast %jit3A_484 : i32 to vector<16xi32>
    %select_n3A_487 = arith.select %eq3A_483, %broadcast_in_dim3A_485, %broadcast_in_dim3A_486 : vector<16xi1>, vector<16xi32>
    %add3A_488 = arith.addi %add3A_464, %select_n3A_487 : vector<16xi32>
    %eq3A_489 = arith.constant 4 : i32
    %eq3A_490 = vector.broadcast %eq3A_489 : i32 to vector<16xi32>
    %eq3A_491 = arith.cmpi eq, %get3A_393, %eq3A_490 : vector<16xi32>
    %convert_element_type3A_492 = arith.extui %eq3A_491 : vector<16xi1> to vector<16xi32>
    %broadcast_in_dim3A_493 = arith.constant true
    %broadcast_in_dim3A_494 = vector.broadcast %broadcast_in_dim3A_493 : i1 to vector<16xi1>
    %masked_cumsum3A_495 = tpu.scan <sum>, %convert_element_type3A_492 masked %broadcast_in_dim3A_494 : vector<16xi32>, vector<16xi1> -> vector<16xi32>
    %sub3A_496 = arith.constant 1 : i32
    %sub3A_497 = vector.broadcast %sub3A_496 : i32 to vector<16xi32>
    %sub3A_498 = arith.subi %masked_cumsum3A_495, %sub3A_497 : vector<16xi32>
    %select_n3A_499 = arith.select %eq3A_491, %sub3A_498, %select_n3A_475 : vector<16xi1>, vector<16xi32>
    %convert_element_type3A_500 = arith.extui %eq3A_491 : vector<16xi1> to vector<16xi32>
    %reduce_sum3A_501 = arith.constant true
    %reduce_sum3A_502 = vector.broadcast %reduce_sum3A_501 : i1 to vector<16xi1>
    %reduce_sum3A_503 = tpu.scan <sum>, %convert_element_type3A_500 masked %reduce_sum3A_502 : vector<16xi32>, vector<16xi1> -> vector<16xi32>
    %reduce_sum3A_504 = vector.extract %reduce_sum3A_503[15] : i32 from vector<16xi32>
    %eq3A_505 = arith.constant 4 : i32
    %eq3A_506 = vector.broadcast %eq3A_505 : i32 to vector<16xi32>
    %eq3A_507 = arith.cmpi eq, %iota3A, %eq3A_506 : vector<16xi32>
    %jit3A_508 = arith.constant 0 : i32
    %broadcast_in_dim3A_509 = vector.broadcast %reduce_sum3A_504 : i32 to vector<16xi32>
    %broadcast_in_dim3A_510 = vector.broadcast %jit3A_508 : i32 to vector<16xi32>
    %select_n3A_511 = arith.select %eq3A_507, %broadcast_in_dim3A_509, %broadcast_in_dim3A_510 : vector<16xi1>, vector<16xi32>
    %add3A_512 = arith.addi %add3A_488, %select_n3A_511 : vector<16xi32>
    %eq3A_513 = arith.constant 5 : i32
    %eq3A_514 = vector.broadcast %eq3A_513 : i32 to vector<16xi32>
    %eq3A_515 = arith.cmpi eq, %get3A_393, %eq3A_514 : vector<16xi32>
    %convert_element_type3A_516 = arith.extui %eq3A_515 : vector<16xi1> to vector<16xi32>
    %broadcast_in_dim3A_517 = arith.constant true
    %broadcast_in_dim3A_518 = vector.broadcast %broadcast_in_dim3A_517 : i1 to vector<16xi1>
    %masked_cumsum3A_519 = tpu.scan <sum>, %convert_element_type3A_516 masked %broadcast_in_dim3A_518 : vector<16xi32>, vector<16xi1> -> vector<16xi32>
    %sub3A_520 = arith.constant 1 : i32
    %sub3A_521 = vector.broadcast %sub3A_520 : i32 to vector<16xi32>
    %sub3A_522 = arith.subi %masked_cumsum3A_519, %sub3A_521 : vector<16xi32>
    %select_n3A_523 = arith.select %eq3A_515, %sub3A_522, %select_n3A_499 : vector<16xi1>, vector<16xi32>
    %convert_element_type3A_524 = arith.extui %eq3A_515 : vector<16xi1> to vector<16xi32>
    %reduce_sum3A_525 = arith.constant true
    %reduce_sum3A_526 = vector.broadcast %reduce_sum3A_525 : i1 to vector<16xi1>
    %reduce_sum3A_527 = tpu.scan <sum>, %convert_element_type3A_524 masked %reduce_sum3A_526 : vector<16xi32>, vector<16xi1> -> vector<16xi32>
    %reduce_sum3A_528 = vector.extract %reduce_sum3A_527[15] : i32 from vector<16xi32>
    %eq3A_529 = arith.constant 5 : i32
    %eq3A_530 = vector.broadcast %eq3A_529 : i32 to vector<16xi32>
    %eq3A_531 = arith.cmpi eq, %iota3A, %eq3A_530 : vector<16xi32>
    %jit3A_532 = arith.constant 0 : i32
    %broadcast_in_dim3A_533 = vector.broadcast %reduce_sum3A_528 : i32 to vector<16xi32>
    %broadcast_in_dim3A_534 = vector.broadcast %jit3A_532 : i32 to vector<16xi32>
    %select_n3A_535 = arith.select %eq3A_531, %broadcast_in_dim3A_533, %broadcast_in_dim3A_534 : vector<16xi1>, vector<16xi32>
    %add3A_536 = arith.addi %add3A_512, %select_n3A_535 : vector<16xi32>
    %eq3A_537 = arith.constant 6 : i32
    %eq3A_538 = vector.broadcast %eq3A_537 : i32 to vector<16xi32>
    %eq3A_539 = arith.cmpi eq, %get3A_393, %eq3A_538 : vector<16xi32>
    %convert_element_type3A_540 = arith.extui %eq3A_539 : vector<16xi1> to vector<16xi32>
    %broadcast_in_dim3A_541 = arith.constant true
    %broadcast_in_dim3A_542 = vector.broadcast %broadcast_in_dim3A_541 : i1 to vector<16xi1>
    %masked_cumsum3A_543 = tpu.scan <sum>, %convert_element_type3A_540 masked %broadcast_in_dim3A_542 : vector<16xi32>, vector<16xi1> -> vector<16xi32>
    %sub3A_544 = arith.constant 1 : i32
    %sub3A_545 = vector.broadcast %sub3A_544 : i32 to vector<16xi32>
    %sub3A_546 = arith.subi %masked_cumsum3A_543, %sub3A_545 : vector<16xi32>
    %select_n3A_547 = arith.select %eq3A_539, %sub3A_546, %select_n3A_523 : vector<16xi1>, vector<16xi32>
    %convert_element_type3A_548 = arith.extui %eq3A_539 : vector<16xi1> to vector<16xi32>
    %reduce_sum3A_549 = arith.constant true
    %reduce_sum3A_550 = vector.broadcast %reduce_sum3A_549 : i1 to vector<16xi1>
    %reduce_sum3A_551 = tpu.scan <sum>, %convert_element_type3A_548 masked %reduce_sum3A_550 : vector<16xi32>, vector<16xi1> -> vector<16xi32>
    %reduce_sum3A_552 = vector.extract %reduce_sum3A_551[15] : i32 from vector<16xi32>
    %eq3A_553 = arith.constant 6 : i32
    %eq3A_554 = vector.broadcast %eq3A_553 : i32 to vector<16xi32>
    %eq3A_555 = arith.cmpi eq, %iota3A, %eq3A_554 : vector<16xi32>
    %jit3A_556 = arith.constant 0 : i32
    %broadcast_in_dim3A_557 = vector.broadcast %reduce_sum3A_552 : i32 to vector<16xi32>
    %broadcast_in_dim3A_558 = vector.broadcast %jit3A_556 : i32 to vector<16xi32>
    %select_n3A_559 = arith.select %eq3A_555, %broadcast_in_dim3A_557, %broadcast_in_dim3A_558 : vector<16xi1>, vector<16xi32>
    %add3A_560 = arith.addi %add3A_536, %select_n3A_559 : vector<16xi32>
    %eq3A_561 = arith.constant 7 : i32
    %eq3A_562 = vector.broadcast %eq3A_561 : i32 to vector<16xi32>
    %eq3A_563 = arith.cmpi eq, %get3A_393, %eq3A_562 : vector<16xi32>
    %convert_element_type3A_564 = arith.extui %eq3A_563 : vector<16xi1> to vector<16xi32>
    %broadcast_in_dim3A_565 = arith.constant true
    %broadcast_in_dim3A_566 = vector.broadcast %broadcast_in_dim3A_565 : i1 to vector<16xi1>
    %masked_cumsum3A_567 = tpu.scan <sum>, %convert_element_type3A_564 masked %broadcast_in_dim3A_566 : vector<16xi32>, vector<16xi1> -> vector<16xi32>
    %sub3A_568 = arith.constant 1 : i32
    %sub3A_569 = vector.broadcast %sub3A_568 : i32 to vector<16xi32>
    %sub3A_570 = arith.subi %masked_cumsum3A_567, %sub3A_569 : vector<16xi32>
    %select_n3A_571 = arith.select %eq3A_563, %sub3A_570, %select_n3A_547 : vector<16xi1>, vector<16xi32>
    %convert_element_type3A_572 = arith.extui %eq3A_563 : vector<16xi1> to vector<16xi32>
    %reduce_sum3A_573 = arith.constant true
    %reduce_sum3A_574 = vector.broadcast %reduce_sum3A_573 : i1 to vector<16xi1>
    %reduce_sum3A_575 = tpu.scan <sum>, %convert_element_type3A_572 masked %reduce_sum3A_574 : vector<16xi32>, vector<16xi1> -> vector<16xi32>
    %reduce_sum3A_576 = vector.extract %reduce_sum3A_575[15] : i32 from vector<16xi32>
    %eq3A_577 = arith.constant 7 : i32
    %eq3A_578 = vector.broadcast %eq3A_577 : i32 to vector<16xi32>
    %eq3A_579 = arith.cmpi eq, %iota3A, %eq3A_578 : vector<16xi32>
    %jit3A_580 = arith.constant 0 : i32
    %broadcast_in_dim3A_581 = vector.broadcast %reduce_sum3A_576 : i32 to vector<16xi32>
    %broadcast_in_dim3A_582 = vector.broadcast %jit3A_580 : i32 to vector<16xi32>
    %select_n3A_583 = arith.select %eq3A_579, %broadcast_in_dim3A_581, %broadcast_in_dim3A_582 : vector<16xi1>, vector<16xi32>
    %add3A_584 = arith.addi %add3A_560, %select_n3A_583 : vector<16xi32>
    %gather3A = tpu.vector_load_idx %arg12[%get3A_393] : memref<16xi32, #tpu.memory_space<vmem>>[vector<16xi32>], vector<16xi32>,
    %add3A_585 = arith.addi %gather3A, %select_n3A_571 : vector<16xi32>
    %swap3A_586 = arith.constant 0 : index
    %swap3A_587 = tpu.vector_load %arg10[%swap3A_586] {strides = array<i32>} : memref<64xi32, #tpu.memory_space<vmem>>, vector<16xi32>,
    tpu.vector_store %arg10[%swap3A_586], %add3A_585 {strides = array<i32>} : memref<64xi32, #tpu.memory_space<vmem>>, vector<16xi32>,
    %add3A_588 = arith.addi %add3A_388, %add3A_584 : vector<16xi32>
    %swap3A_589 = arith.constant 0 : index
    %swap3A_590 = tpu.vector_load %arg12[%swap3A_589] {strides = array<i32>} : memref<16xi32, #tpu.memory_space<vmem>>, vector<16xi32>,
    tpu.vector_store %arg12[%swap3A_589], %add3A_588 {strides = array<i32>} : memref<16xi32, #tpu.memory_space<vmem>>, vector<16xi32>,
    %get3A_591 = arith.constant 16 : index
    %get3A_592 = tpu.vector_load %arg8[%get3A_591] {strides = array<i32>} : memref<64xi32, #tpu.memory_space<vmem>>, vector<16xi32>,
    %broadcast_in_dim3A_593 = arith.constant 0 : i32
    %broadcast_in_dim3A_594 = vector.broadcast %broadcast_in_dim3A_593 : i32 to vector<16xi32>
    %eq3A_595 = arith.constant 0 : i32
    %eq3A_596 = vector.broadcast %eq3A_595 : i32 to vector<16xi32>
    %eq3A_597 = arith.cmpi eq, %get3A_592, %eq3A_596 : vector<16xi32>
    %convert_element_type3A_598 = arith.extui %eq3A_597 : vector<16xi1> to vector<16xi32>
    %broadcast_in_dim3A_599 = arith.constant true
    %broadcast_in_dim3A_600 = vector.broadcast %broadcast_in_dim3A_599 : i1 to vector<16xi1>
    %masked_cumsum3A_601 = tpu.scan <sum>, %convert_element_type3A_598 masked %broadcast_in_dim3A_600 : vector<16xi32>, vector<16xi1> -> vector<16xi32>
    %sub3A_602 = arith.constant 1 : i32
    %sub3A_603 = vector.broadcast %sub3A_602 : i32 to vector<16xi32>
    %sub3A_604 = arith.subi %masked_cumsum3A_601, %sub3A_603 : vector<16xi32>
    %select_n3A_605 = arith.select %eq3A_597, %sub3A_604, %broadcast_in_dim3A_594 : vector<16xi1>, vector<16xi32>
    %convert_element_type3A_606 = arith.extui %eq3A_597 : vector<16xi1> to vector<16xi32>
    %reduce_sum3A_607 = arith.constant true
    %reduce_sum3A_608 = vector.broadcast %reduce_sum3A_607 : i1 to vector<16xi1>
    %reduce_sum3A_609 = tpu.scan <sum>, %convert_element_type3A_606 masked %reduce_sum3A_608 : vector<16xi32>, vector<16xi1> -> vector<16xi32>
    %reduce_sum3A_610 = vector.extract %reduce_sum3A_609[15] : i32 from vector<16xi32>
    %eq3A_611 = arith.constant 0 : i32
    %eq3A_612 = vector.broadcast %eq3A_611 : i32 to vector<16xi32>
    %eq3A_613 = arith.cmpi eq, %iota3A, %eq3A_612 : vector<16xi32>
    %jit3A_614 = arith.constant 0 : i32
    %broadcast_in_dim3A_615 = vector.broadcast %reduce_sum3A_610 : i32 to vector<16xi32>
    %broadcast_in_dim3A_616 = vector.broadcast %jit3A_614 : i32 to vector<16xi32>
    %select_n3A_617 = arith.select %eq3A_613, %broadcast_in_dim3A_615, %broadcast_in_dim3A_616 : vector<16xi1>, vector<16xi32>
    %add3A_618 = arith.addi %add3A_584, %select_n3A_617 : vector<16xi32>
    %eq3A_619 = arith.constant 1 : i32
    %eq3A_620 = vector.broadcast %eq3A_619 : i32 to vector<16xi32>
    %eq3A_621 = arith.cmpi eq, %get3A_592, %eq3A_620 : vector<16xi32>
    %convert_element_type3A_622 = arith.extui %eq3A_621 : vector<16xi1> to vector<16xi32>
    %broadcast_in_dim3A_623 = arith.constant true
    %broadcast_in_dim3A_624 = vector.broadcast %broadcast_in_dim3A_623 : i1 to vector<16xi1>
    %masked_cumsum3A_625 = tpu.scan <sum>, %convert_element_type3A_622 masked %broadcast_in_dim3A_624 : vector<16xi32>, vector<16xi1> -> vector<16xi32>
    %sub3A_626 = arith.constant 1 : i32
    %sub3A_627 = vector.broadcast %sub3A_626 : i32 to vector<16xi32>
    %sub3A_628 = arith.subi %masked_cumsum3A_625, %sub3A_627 : vector<16xi32>
    %select_n3A_629 = arith.select %eq3A_621, %sub3A_628, %select_n3A_605 : vector<16xi1>, vector<16xi32>
    %convert_element_type3A_630 = arith.extui %eq3A_621 : vector<16xi1> to vector<16xi32>
    %reduce_sum3A_631 = arith.constant true
    %reduce_sum3A_632 = vector.broadcast %reduce_sum3A_631 : i1 to vector<16xi1>
    %reduce_sum3A_633 = tpu.scan <sum>, %convert_element_type3A_630 masked %reduce_sum3A_632 : vector<16xi32>, vector<16xi1> -> vector<16xi32>
    %reduce_sum3A_634 = vector.extract %reduce_sum3A_633[15] : i32 from vector<16xi32>
    %eq3A_635 = arith.constant 1 : i32
    %eq3A_636 = vector.broadcast %eq3A_635 : i32 to vector<16xi32>
    %eq3A_637 = arith.cmpi eq, %iota3A, %eq3A_636 : vector<16xi32>
    %jit3A_638 = arith.constant 0 : i32
    %broadcast_in_dim3A_639 = vector.broadcast %reduce_sum3A_634 : i32 to vector<16xi32>
    %broadcast_in_dim3A_640 = vector.broadcast %jit3A_638 : i32 to vector<16xi32>
    %select_n3A_641 = arith.select %eq3A_637, %broadcast_in_dim3A_639, %broadcast_in_dim3A_640 : vector<16xi1>, vector<16xi32>
    %add3A_642 = arith.addi %add3A_618, %select_n3A_641 : vector<16xi32>
    %eq3A_643 = arith.constant 2 : i32
    %eq3A_644 = vector.broadcast %eq3A_643 : i32 to vector<16xi32>
    %eq3A_645 = arith.cmpi eq, %get3A_592, %eq3A_644 : vector<16xi32>
    %convert_element_type3A_646 = arith.extui %eq3A_645 : vector<16xi1> to vector<16xi32>
    %broadcast_in_dim3A_647 = arith.constant true
    %broadcast_in_dim3A_648 = vector.broadcast %broadcast_in_dim3A_647 : i1 to vector<16xi1>
    %masked_cumsum3A_649 = tpu.scan <sum>, %convert_element_type3A_646 masked %broadcast_in_dim3A_648 : vector<16xi32>, vector<16xi1> -> vector<16xi32>
    %sub3A_650 = arith.constant 1 : i32
    %sub3A_651 = vector.broadcast %sub3A_650 : i32 to vector<16xi32>
    %sub3A_652 = arith.subi %masked_cumsum3A_649, %sub3A_651 : vector<16xi32>
    %select_n3A_653 = arith.select %eq3A_645, %sub3A_652, %select_n3A_629 : vector<16xi1>, vector<16xi32>
    %convert_element_type3A_654 = arith.extui %eq3A_645 : vector<16xi1> to vector<16xi32>
    %reduce_sum3A_655 = arith.constant true
    %reduce_sum3A_656 = vector.broadcast %reduce_sum3A_655 : i1 to vector<16xi1>
    %reduce_sum3A_657 = tpu.scan <sum>, %convert_element_type3A_654 masked %reduce_sum3A_656 : vector<16xi32>, vector<16xi1> -> vector<16xi32>
    %reduce_sum3A_658 = vector.extract %reduce_sum3A_657[15] : i32 from vector<16xi32>
    %eq3A_659 = arith.constant 2 : i32
    %eq3A_660 = vector.broadcast %eq3A_659 : i32 to vector<16xi32>
    %eq3A_661 = arith.cmpi eq, %iota3A, %eq3A_660 : vector<16xi32>
    %jit3A_662 = arith.constant 0 : i32
    %broadcast_in_dim3A_663 = vector.broadcast %reduce_sum3A_658 : i32 to vector<16xi32>
    %broadcast_in_dim3A_664 = vector.broadcast %jit3A_662 : i32 to vector<16xi32>
    %select_n3A_665 = arith.select %eq3A_661, %broadcast_in_dim3A_663, %broadcast_in_dim3A_664 : vector<16xi1>, vector<16xi32>
    %add3A_666 = arith.addi %add3A_642, %select_n3A_665 : vector<16xi32>
    %eq3A_667 = arith.constant 3 : i32
    %eq3A_668 = vector.broadcast %eq3A_667 : i32 to vector<16xi32>
    %eq3A_669 = arith.cmpi eq, %get3A_592, %eq3A_668 : vector<16xi32>
    %convert_element_type3A_670 = arith.extui %eq3A_669 : vector<16xi1> to vector<16xi32>
    %broadcast_in_dim3A_671 = arith.constant true
    %broadcast_in_dim3A_672 = vector.broadcast %broadcast_in_dim3A_671 : i1 to vector<16xi1>
    %masked_cumsum3A_673 = tpu.scan <sum>, %convert_element_type3A_670 masked %broadcast_in_dim3A_672 : vector<16xi32>, vector<16xi1> -> vector<16xi32>
    %sub3A_674 = arith.constant 1 : i32
    %sub3A_675 = vector.broadcast %sub3A_674 : i32 to vector<16xi32>
    %sub3A_676 = arith.subi %masked_cumsum3A_673, %sub3A_675 : vector<16xi32>
    %select_n3A_677 = arith.select %eq3A_669, %sub3A_676, %select_n3A_653 : vector<16xi1>, vector<16xi32>
    %convert_element_type3A_678 = arith.extui %eq3A_669 : vector<16xi1> to vector<16xi32>
    %reduce_sum3A_679 = arith.constant true
    %reduce_sum3A_680 = vector.broadcast %reduce_sum3A_679 : i1 to vector<16xi1>
    %reduce_sum3A_681 = tpu.scan <sum>, %convert_element_type3A_678 masked %reduce_sum3A_680 : vector<16xi32>, vector<16xi1> -> vector<16xi32>
    %reduce_sum3A_682 = vector.extract %reduce_sum3A_681[15] : i32 from vector<16xi32>
    %eq3A_683 = arith.constant 3 : i32
    %eq3A_684 = vector.broadcast %eq3A_683 : i32 to vector<16xi32>
    %eq3A_685 = arith.cmpi eq, %iota3A, %eq3A_684 : vector<16xi32>
    %jit3A_686 = arith.constant 0 : i32
    %broadcast_in_dim3A_687 = vector.broadcast %reduce_sum3A_682 : i32 to vector<16xi32>
    %broadcast_in_dim3A_688 = vector.broadcast %jit3A_686 : i32 to vector<16xi32>
    %select_n3A_689 = arith.select %eq3A_685, %broadcast_in_dim3A_687, %broadcast_in_dim3A_688 : vector<16xi1>, vector<16xi32>
    %add3A_690 = arith.addi %add3A_666, %select_n3A_689 : vector<16xi32>
    %eq3A_691 = arith.constant 4 : i32
    %eq3A_692 = vector.broadcast %eq3A_691 : i32 to vector<16xi32>
    %eq3A_693 = arith.cmpi eq, %get3A_592, %eq3A_692 : vector<16xi32>
    %convert_element_type3A_694 = arith.extui %eq3A_693 : vector<16xi1> to vector<16xi32>
    %broadcast_in_dim3A_695 = arith.constant true
    %broadcast_in_dim3A_696 = vector.broadcast %broadcast_in_dim3A_695 : i1 to vector<16xi1>
    %masked_cumsum3A_697 = tpu.scan <sum>, %convert_element_type3A_694 masked %broadcast_in_dim3A_696 : vector<16xi32>, vector<16xi1> -> vector<16xi32>
    %sub3A_698 = arith.constant 1 : i32
    %sub3A_699 = vector.broadcast %sub3A_698 : i32 to vector<16xi32>
    %sub3A_700 = arith.subi %masked_cumsum3A_697, %sub3A_699 : vector<16xi32>
    %select_n3A_701 = arith.select %eq3A_693, %sub3A_700, %select_n3A_677 : vector<16xi1>, vector<16xi32>
    %convert_element_type3A_702 = arith.extui %eq3A_693 : vector<16xi1> to vector<16xi32>
    %reduce_sum3A_703 = arith.constant true
    %reduce_sum3A_704 = vector.broadcast %reduce_sum3A_703 : i1 to vector<16xi1>
    %reduce_sum3A_705 = tpu.scan <sum>, %convert_element_type3A_702 masked %reduce_sum3A_704 : vector<16xi32>, vector<16xi1> -> vector<16xi32>
    %reduce_sum3A_706 = vector.extract %reduce_sum3A_705[15] : i32 from vector<16xi32>
    %eq3A_707 = arith.constant 4 : i32
    %eq3A_708 = vector.broadcast %eq3A_707 : i32 to vector<16xi32>
    %eq3A_709 = arith.cmpi eq, %iota3A, %eq3A_708 : vector<16xi32>
    %jit3A_710 = arith.constant 0 : i32
    %broadcast_in_dim3A_711 = vector.broadcast %reduce_sum3A_706 : i32 to vector<16xi32>
    %broadcast_in_dim3A_712 = vector.broadcast %jit3A_710 : i32 to vector<16xi32>
    %select_n3A_713 = arith.select %eq3A_709, %broadcast_in_dim3A_711, %broadcast_in_dim3A_712 : vector<16xi1>, vector<16xi32>
    %add3A_714 = arith.addi %add3A_690, %select_n3A_713 : vector<16xi32>
    %eq3A_715 = arith.constant 5 : i32
    %eq3A_716 = vector.broadcast %eq3A_715 : i32 to vector<16xi32>
    %eq3A_717 = arith.cmpi eq, %get3A_592, %eq3A_716 : vector<16xi32>
    %convert_element_type3A_718 = arith.extui %eq3A_717 : vector<16xi1> to vector<16xi32>
    %broadcast_in_dim3A_719 = arith.constant true
    %broadcast_in_dim3A_720 = vector.broadcast %broadcast_in_dim3A_719 : i1 to vector<16xi1>
    %masked_cumsum3A_721 = tpu.scan <sum>, %convert_element_type3A_718 masked %broadcast_in_dim3A_720 : vector<16xi32>, vector<16xi1> -> vector<16xi32>
    %sub3A_722 = arith.constant 1 : i32
    %sub3A_723 = vector.broadcast %sub3A_722 : i32 to vector<16xi32>
    %sub3A_724 = arith.subi %masked_cumsum3A_721, %sub3A_723 : vector<16xi32>
    %select_n3A_725 = arith.select %eq3A_717, %sub3A_724, %select_n3A_701 : vector<16xi1>, vector<16xi32>
    %convert_element_type3A_726 = arith.extui %eq3A_717 : vector<16xi1> to vector<16xi32>
    %reduce_sum3A_727 = arith.constant true
    %reduce_sum3A_728 = vector.broadcast %reduce_sum3A_727 : i1 to vector<16xi1>
    %reduce_sum3A_729 = tpu.scan <sum>, %convert_element_type3A_726 masked %reduce_sum3A_728 : vector<16xi32>, vector<16xi1> -> vector<16xi32>
    %reduce_sum3A_730 = vector.extract %reduce_sum3A_729[15] : i32 from vector<16xi32>
    %eq3A_731 = arith.constant 5 : i32
    %eq3A_732 = vector.broadcast %eq3A_731 : i32 to vector<16xi32>
    %eq3A_733 = arith.cmpi eq, %iota3A, %eq3A_732 : vector<16xi32>
    %jit3A_734 = arith.constant 0 : i32
    %broadcast_in_dim3A_735 = vector.broadcast %reduce_sum3A_730 : i32 to vector<16xi32>
    %broadcast_in_dim3A_736 = vector.broadcast %jit3A_734 : i32 to vector<16xi32>
    %select_n3A_737 = arith.select %eq3A_733, %broadcast_in_dim3A_735, %broadcast_in_dim3A_736 : vector<16xi1>, vector<16xi32>
    %add3A_738 = arith.addi %add3A_714, %select_n3A_737 : vector<16xi32>
    %eq3A_739 = arith.constant 6 : i32
    %eq3A_740 = vector.broadcast %eq3A_739 : i32 to vector<16xi32>
    %eq3A_741 = arith.cmpi eq, %get3A_592, %eq3A_740 : vector<16xi32>
    %convert_element_type3A_742 = arith.extui %eq3A_741 : vector<16xi1> to vector<16xi32>
    %broadcast_in_dim3A_743 = arith.constant true
    %broadcast_in_dim3A_744 = vector.broadcast %broadcast_in_dim3A_743 : i1 to vector<16xi1>
    %masked_cumsum3A_745 = tpu.scan <sum>, %convert_element_type3A_742 masked %broadcast_in_dim3A_744 : vector<16xi32>, vector<16xi1> -> vector<16xi32>
    %sub3A_746 = arith.constant 1 : i32
    %sub3A_747 = vector.broadcast %sub3A_746 : i32 to vector<16xi32>
    %sub3A_748 = arith.subi %masked_cumsum3A_745, %sub3A_747 : vector<16xi32>
    %select_n3A_749 = arith.select %eq3A_741, %sub3A_748, %select_n3A_725 : vector<16xi1>, vector<16xi32>
    %convert_element_type3A_750 = arith.extui %eq3A_741 : vector<16xi1> to vector<16xi32>
    %reduce_sum3A_751 = arith.constant true
    %reduce_sum3A_752 = vector.broadcast %reduce_sum3A_751 : i1 to vector<16xi1>
    %reduce_sum3A_753 = tpu.scan <sum>, %convert_element_type3A_750 masked %reduce_sum3A_752 : vector<16xi32>, vector<16xi1> -> vector<16xi32>
    %reduce_sum3A_754 = vector.extract %reduce_sum3A_753[15] : i32 from vector<16xi32>
    %eq3A_755 = arith.constant 6 : i32
    %eq3A_756 = vector.broadcast %eq3A_755 : i32 to vector<16xi32>
    %eq3A_757 = arith.cmpi eq, %iota3A, %eq3A_756 : vector<16xi32>
    %jit3A_758 = arith.constant 0 : i32
    %broadcast_in_dim3A_759 = vector.broadcast %reduce_sum3A_754 : i32 to vector<16xi32>
    %broadcast_in_dim3A_760 = vector.broadcast %jit3A_758 : i32 to vector<16xi32>
    %select_n3A_761 = arith.select %eq3A_757, %broadcast_in_dim3A_759, %broadcast_in_dim3A_760 : vector<16xi1>, vector<16xi32>
    %add3A_762 = arith.addi %add3A_738, %select_n3A_761 : vector<16xi32>
    %eq3A_763 = arith.constant 7 : i32
    %eq3A_764 = vector.broadcast %eq3A_763 : i32 to vector<16xi32>
    %eq3A_765 = arith.cmpi eq, %get3A_592, %eq3A_764 : vector<16xi32>
    %convert_element_type3A_766 = arith.extui %eq3A_765 : vector<16xi1> to vector<16xi32>
    %broadcast_in_dim3A_767 = arith.constant true
    %broadcast_in_dim3A_768 = vector.broadcast %broadcast_in_dim3A_767 : i1 to vector<16xi1>
    %masked_cumsum3A_769 = tpu.scan <sum>, %convert_element_type3A_766 masked %broadcast_in_dim3A_768 : vector<16xi32>, vector<16xi1> -> vector<16xi32>
    %sub3A_770 = arith.constant 1 : i32
    %sub3A_771 = vector.broadcast %sub3A_770 : i32 to vector<16xi32>
    %sub3A_772 = arith.subi %masked_cumsum3A_769, %sub3A_771 : vector<16xi32>
    %select_n3A_773 = arith.select %eq3A_765, %sub3A_772, %select_n3A_749 : vector<16xi1>, vector<16xi32>
    %convert_element_type3A_774 = arith.extui %eq3A_765 : vector<16xi1> to vector<16xi32>
    %reduce_sum3A_775 = arith.constant true
    %reduce_sum3A_776 = vector.broadcast %reduce_sum3A_775 : i1 to vector<16xi1>
    %reduce_sum3A_777 = tpu.scan <sum>, %convert_element_type3A_774 masked %reduce_sum3A_776 : vector<16xi32>, vector<16xi1> -> vector<16xi32>
    %reduce_sum3A_778 = vector.extract %reduce_sum3A_777[15] : i32 from vector<16xi32>
    %eq3A_779 = arith.constant 7 : i32
    %eq3A_780 = vector.broadcast %eq3A_779 : i32 to vector<16xi32>
    %eq3A_781 = arith.cmpi eq, %iota3A, %eq3A_780 : vector<16xi32>
    %jit3A_782 = arith.constant 0 : i32
    %broadcast_in_dim3A_783 = vector.broadcast %reduce_sum3A_778 : i32 to vector<16xi32>
    %broadcast_in_dim3A_784 = vector.broadcast %jit3A_782 : i32 to vector<16xi32>
    %select_n3A_785 = arith.select %eq3A_781, %broadcast_in_dim3A_783, %broadcast_in_dim3A_784 : vector<16xi1>, vector<16xi32>
    %add3A_786 = arith.addi %add3A_762, %select_n3A_785 : vector<16xi32>
    %gather3A_787 = tpu.vector_load_idx %arg12[%get3A_592] : memref<16xi32, #tpu.memory_space<vmem>>[vector<16xi32>], vector<16xi32>,
    %add3A_788 = arith.addi %gather3A_787, %select_n3A_773 : vector<16xi32>
    %swap3A_789 = arith.constant 16 : index
    %swap3A_790 = tpu.vector_load %arg10[%swap3A_789] {strides = array<i32>} : memref<64xi32, #tpu.memory_space<vmem>>, vector<16xi32>,
    tpu.vector_store %arg10[%swap3A_789], %add3A_788 {strides = array<i32>} : memref<64xi32, #tpu.memory_space<vmem>>, vector<16xi32>,
    %add3A_791 = arith.addi %add3A_388, %add3A_786 : vector<16xi32>
    %swap3A_792 = arith.constant 0 : index
    %swap3A_793 = tpu.vector_load %arg12[%swap3A_792] {strides = array<i32>} : memref<16xi32, #tpu.memory_space<vmem>>, vector<16xi32>,
    tpu.vector_store %arg12[%swap3A_792], %add3A_791 {strides = array<i32>} : memref<16xi32, #tpu.memory_space<vmem>>, vector<16xi32>,
    %get3A_794 = arith.constant 32 : index
    %get3A_795 = tpu.vector_load %arg8[%get3A_794] {strides = array<i32>} : memref<64xi32, #tpu.memory_space<vmem>>, vector<16xi32>,
    %broadcast_in_dim3A_796 = arith.constant 0 : i32
    %broadcast_in_dim3A_797 = vector.broadcast %broadcast_in_dim3A_796 : i32 to vector<16xi32>
    %eq3A_798 = arith.constant 0 : i32
    %eq3A_799 = vector.broadcast %eq3A_798 : i32 to vector<16xi32>
    %eq3A_800 = arith.cmpi eq, %get3A_795, %eq3A_799 : vector<16xi32>
    %convert_element_type3A_801 = arith.extui %eq3A_800 : vector<16xi1> to vector<16xi32>
    %broadcast_in_dim3A_802 = arith.constant true
    %broadcast_in_dim3A_803 = vector.broadcast %broadcast_in_dim3A_802 : i1 to vector<16xi1>
    %masked_cumsum3A_804 = tpu.scan <sum>, %convert_element_type3A_801 masked %broadcast_in_dim3A_803 : vector<16xi32>, vector<16xi1> -> vector<16xi32>
    %sub3A_805 = arith.constant 1 : i32
    %sub3A_806 = vector.broadcast %sub3A_805 : i32 to vector<16xi32>
    %sub3A_807 = arith.subi %masked_cumsum3A_804, %sub3A_806 : vector<16xi32>
    %select_n3A_808 = arith.select %eq3A_800, %sub3A_807, %broadcast_in_dim3A_797 : vector<16xi1>, vector<16xi32>
    %convert_element_type3A_809 = arith.extui %eq3A_800 : vector<16xi1> to vector<16xi32>
    %reduce_sum3A_810 = arith.constant true
    %reduce_sum3A_811 = vector.broadcast %reduce_sum3A_810 : i1 to vector<16xi1>
    %reduce_sum3A_812 = tpu.scan <sum>, %convert_element_type3A_809 masked %reduce_sum3A_811 : vector<16xi32>, vector<16xi1> -> vector<16xi32>
    %reduce_sum3A_813 = vector.extract %reduce_sum3A_812[15] : i32 from vector<16xi32>
    %eq3A_814 = arith.constant 0 : i32
    %eq3A_815 = vector.broadcast %eq3A_814 : i32 to vector<16xi32>
    %eq3A_816 = arith.cmpi eq, %iota3A, %eq3A_815 : vector<16xi32>
    %jit3A_817 = arith.constant 0 : i32
    %broadcast_in_dim3A_818 = vector.broadcast %reduce_sum3A_813 : i32 to vector<16xi32>
    %broadcast_in_dim3A_819 = vector.broadcast %jit3A_817 : i32 to vector<16xi32>
    %select_n3A_820 = arith.select %eq3A_816, %broadcast_in_dim3A_818, %broadcast_in_dim3A_819 : vector<16xi1>, vector<16xi32>
    %add3A_821 = arith.addi %add3A_786, %select_n3A_820 : vector<16xi32>
    %eq3A_822 = arith.constant 1 : i32
    %eq3A_823 = vector.broadcast %eq3A_822 : i32 to vector<16xi32>
    %eq3A_824 = arith.cmpi eq, %get3A_795, %eq3A_823 : vector<16xi32>
    %convert_element_type3A_825 = arith.extui %eq3A_824 : vector<16xi1> to vector<16xi32>
    %broadcast_in_dim3A_826 = arith.constant true
    %broadcast_in_dim3A_827 = vector.broadcast %broadcast_in_dim3A_826 : i1 to vector<16xi1>
    %masked_cumsum3A_828 = tpu.scan <sum>, %convert_element_type3A_825 masked %broadcast_in_dim3A_827 : vector<16xi32>, vector<16xi1> -> vector<16xi32>
    %sub3A_829 = arith.constant 1 : i32
    %sub3A_830 = vector.broadcast %sub3A_829 : i32 to vector<16xi32>
    %sub3A_831 = arith.subi %masked_cumsum3A_828, %sub3A_830 : vector<16xi32>
    %select_n3A_832 = arith.select %eq3A_824, %sub3A_831, %select_n3A_808 : vector<16xi1>, vector<16xi32>
    %convert_element_type3A_833 = arith.extui %eq3A_824 : vector<16xi1> to vector<16xi32>
    %reduce_sum3A_834 = arith.constant true
    %reduce_sum3A_835 = vector.broadcast %reduce_sum3A_834 : i1 to vector<16xi1>
    %reduce_sum3A_836 = tpu.scan <sum>, %convert_element_type3A_833 masked %reduce_sum3A_835 : vector<16xi32>, vector<16xi1> -> vector<16xi32>
    %reduce_sum3A_837 = vector.extract %reduce_sum3A_836[15] : i32 from vector<16xi32>
    %eq3A_838 = arith.constant 1 : i32
    %eq3A_839 = vector.broadcast %eq3A_838 : i32 to vector<16xi32>
    %eq3A_840 = arith.cmpi eq, %iota3A, %eq3A_839 : vector<16xi32>
    %jit3A_841 = arith.constant 0 : i32
    %broadcast_in_dim3A_842 = vector.broadcast %reduce_sum3A_837 : i32 to vector<16xi32>
    %broadcast_in_dim3A_843 = vector.broadcast %jit3A_841 : i32 to vector<16xi32>
    %select_n3A_844 = arith.select %eq3A_840, %broadcast_in_dim3A_842, %broadcast_in_dim3A_843 : vector<16xi1>, vector<16xi32>
    %add3A_845 = arith.addi %add3A_821, %select_n3A_844 : vector<16xi32>
    %eq3A_846 = arith.constant 2 : i32
    %eq3A_847 = vector.broadcast %eq3A_846 : i32 to vector<16xi32>
    %eq3A_848 = arith.cmpi eq, %get3A_795, %eq3A_847 : vector<16xi32>
    %convert_element_type3A_849 = arith.extui %eq3A_848 : vector<16xi1> to vector<16xi32>
    %broadcast_in_dim3A_850 = arith.constant true
    %broadcast_in_dim3A_851 = vector.broadcast %broadcast_in_dim3A_850 : i1 to vector<16xi1>
    %masked_cumsum3A_852 = tpu.scan <sum>, %convert_element_type3A_849 masked %broadcast_in_dim3A_851 : vector<16xi32>, vector<16xi1> -> vector<16xi32>
    %sub3A_853 = arith.constant 1 : i32
    %sub3A_854 = vector.broadcast %sub3A_853 : i32 to vector<16xi32>
    %sub3A_855 = arith.subi %masked_cumsum3A_852, %sub3A_854 : vector<16xi32>
    %select_n3A_856 = arith.select %eq3A_848, %sub3A_855, %select_n3A_832 : vector<16xi1>, vector<16xi32>
    %convert_element_type3A_857 = arith.extui %eq3A_848 : vector<16xi1> to vector<16xi32>
    %reduce_sum3A_858 = arith.constant true
    %reduce_sum3A_859 = vector.broadcast %reduce_sum3A_858 : i1 to vector<16xi1>
    %reduce_sum3A_860 = tpu.scan <sum>, %convert_element_type3A_857 masked %reduce_sum3A_859 : vector<16xi32>, vector<16xi1> -> vector<16xi32>
    %reduce_sum3A_861 = vector.extract %reduce_sum3A_860[15] : i32 from vector<16xi32>
    %eq3A_862 = arith.constant 2 : i32
    %eq3A_863 = vector.broadcast %eq3A_862 : i32 to vector<16xi32>
    %eq3A_864 = arith.cmpi eq, %iota3A, %eq3A_863 : vector<16xi32>
    %jit3A_865 = arith.constant 0 : i32
    %broadcast_in_dim3A_866 = vector.broadcast %reduce_sum3A_861 : i32 to vector<16xi32>
    %broadcast_in_dim3A_867 = vector.broadcast %jit3A_865 : i32 to vector<16xi32>
    %select_n3A_868 = arith.select %eq3A_864, %broadcast_in_dim3A_866, %broadcast_in_dim3A_867 : vector<16xi1>, vector<16xi32>
    %add3A_869 = arith.addi %add3A_845, %select_n3A_868 : vector<16xi32>
    %eq3A_870 = arith.constant 3 : i32
    %eq3A_871 = vector.broadcast %eq3A_870 : i32 to vector<16xi32>
    %eq3A_872 = arith.cmpi eq, %get3A_795, %eq3A_871 : vector<16xi32>
    %convert_element_type3A_873 = arith.extui %eq3A_872 : vector<16xi1> to vector<16xi32>
    %broadcast_in_dim3A_874 = arith.constant true
    %broadcast_in_dim3A_875 = vector.broadcast %broadcast_in_dim3A_874 : i1 to vector<16xi1>
    %masked_cumsum3A_876 = tpu.scan <sum>, %convert_element_type3A_873 masked %broadcast_in_dim3A_875 : vector<16xi32>, vector<16xi1> -> vector<16xi32>
    %sub3A_877 = arith.constant 1 : i32
    %sub3A_878 = vector.broadcast %sub3A_877 : i32 to vector<16xi32>
    %sub3A_879 = arith.subi %masked_cumsum3A_876, %sub3A_878 : vector<16xi32>
    %select_n3A_880 = arith.select %eq3A_872, %sub3A_879, %select_n3A_856 : vector<16xi1>, vector<16xi32>
    %convert_element_type3A_881 = arith.extui %eq3A_872 : vector<16xi1> to vector<16xi32>
    %reduce_sum3A_882 = arith.constant true
    %reduce_sum3A_883 = vector.broadcast %reduce_sum3A_882 : i1 to vector<16xi1>
    %reduce_sum3A_884 = tpu.scan <sum>, %convert_element_type3A_881 masked %reduce_sum3A_883 : vector<16xi32>, vector<16xi1> -> vector<16xi32>
    %reduce_sum3A_885 = vector.extract %reduce_sum3A_884[15] : i32 from vector<16xi32>
    %eq3A_886 = arith.constant 3 : i32
    %eq3A_887 = vector.broadcast %eq3A_886 : i32 to vector<16xi32>
    %eq3A_888 = arith.cmpi eq, %iota3A, %eq3A_887 : vector<16xi32>
    %jit3A_889 = arith.constant 0 : i32
    %broadcast_in_dim3A_890 = vector.broadcast %reduce_sum3A_885 : i32 to vector<16xi32>
    %broadcast_in_dim3A_891 = vector.broadcast %jit3A_889 : i32 to vector<16xi32>
    %select_n3A_892 = arith.select %eq3A_888, %broadcast_in_dim3A_890, %broadcast_in_dim3A_891 : vector<16xi1>, vector<16xi32>
    %add3A_893 = arith.addi %add3A_869, %select_n3A_892 : vector<16xi32>
    %eq3A_894 = arith.constant 4 : i32
    %eq3A_895 = vector.broadcast %eq3A_894 : i32 to vector<16xi32>
    %eq3A_896 = arith.cmpi eq, %get3A_795, %eq3A_895 : vector<16xi32>
    %convert_element_type3A_897 = arith.extui %eq3A_896 : vector<16xi1> to vector<16xi32>
    %broadcast_in_dim3A_898 = arith.constant true
    %broadcast_in_dim3A_899 = vector.broadcast %broadcast_in_dim3A_898 : i1 to vector<16xi1>
    %masked_cumsum3A_900 = tpu.scan <sum>, %convert_element_type3A_897 masked %broadcast_in_dim3A_899 : vector<16xi32>, vector<16xi1> -> vector<16xi32>
    %sub3A_901 = arith.constant 1 : i32
    %sub3A_902 = vector.broadcast %sub3A_901 : i32 to vector<16xi32>
    %sub3A_903 = arith.subi %masked_cumsum3A_900, %sub3A_902 : vector<16xi32>
    %select_n3A_904 = arith.select %eq3A_896, %sub3A_903, %select_n3A_880 : vector<16xi1>, vector<16xi32>
    %convert_element_type3A_905 = arith.extui %eq3A_896 : vector<16xi1> to vector<16xi32>
    %reduce_sum3A_906 = arith.constant true
    %reduce_sum3A_907 = vector.broadcast %reduce_sum3A_906 : i1 to vector<16xi1>
    %reduce_sum3A_908 = tpu.scan <sum>, %convert_element_type3A_905 masked %reduce_sum3A_907 : vector<16xi32>, vector<16xi1> -> vector<16xi32>
    %reduce_sum3A_909 = vector.extract %reduce_sum3A_908[15] : i32 from vector<16xi32>
    %eq3A_910 = arith.constant 4 : i32
    %eq3A_911 = vector.broadcast %eq3A_910 : i32 to vector<16xi32>
    %eq3A_912 = arith.cmpi eq, %iota3A, %eq3A_911 : vector<16xi32>
    %jit3A_913 = arith.constant 0 : i32
    %broadcast_in_dim3A_914 = vector.broadcast %reduce_sum3A_909 : i32 to vector<16xi32>
    %broadcast_in_dim3A_915 = vector.broadcast %jit3A_913 : i32 to vector<16xi32>
    %select_n3A_916 = arith.select %eq3A_912, %broadcast_in_dim3A_914, %broadcast_in_dim3A_915 : vector<16xi1>, vector<16xi32>
    %add3A_917 = arith.addi %add3A_893, %select_n3A_916 : vector<16xi32>
    %eq3A_918 = arith.constant 5 : i32
    %eq3A_919 = vector.broadcast %eq3A_918 : i32 to vector<16xi32>
    %eq3A_920 = arith.cmpi eq, %get3A_795, %eq3A_919 : vector<16xi32>
    %convert_element_type3A_921 = arith.extui %eq3A_920 : vector<16xi1> to vector<16xi32>
    %broadcast_in_dim3A_922 = arith.constant true
    %broadcast_in_dim3A_923 = vector.broadcast %broadcast_in_dim3A_922 : i1 to vector<16xi1>
    %masked_cumsum3A_924 = tpu.scan <sum>, %convert_element_type3A_921 masked %broadcast_in_dim3A_923 : vector<16xi32>, vector<16xi1> -> vector<16xi32>
    %sub3A_925 = arith.constant 1 : i32
    %sub3A_926 = vector.broadcast %sub3A_925 : i32 to vector<16xi32>
    %sub3A_927 = arith.subi %masked_cumsum3A_924, %sub3A_926 : vector<16xi32>
    %select_n3A_928 = arith.select %eq3A_920, %sub3A_927, %select_n3A_904 : vector<16xi1>, vector<16xi32>
    %convert_element_type3A_929 = arith.extui %eq3A_920 : vector<16xi1> to vector<16xi32>
    %reduce_sum3A_930 = arith.constant true
    %reduce_sum3A_931 = vector.broadcast %reduce_sum3A_930 : i1 to vector<16xi1>
    %reduce_sum3A_932 = tpu.scan <sum>, %convert_element_type3A_929 masked %reduce_sum3A_931 : vector<16xi32>, vector<16xi1> -> vector<16xi32>
    %reduce_sum3A_933 = vector.extract %reduce_sum3A_932[15] : i32 from vector<16xi32>
    %eq3A_934 = arith.constant 5 : i32
    %eq3A_935 = vector.broadcast %eq3A_934 : i32 to vector<16xi32>
    %eq3A_936 = arith.cmpi eq, %iota3A, %eq3A_935 : vector<16xi32>
    %jit3A_937 = arith.constant 0 : i32
    %broadcast_in_dim3A_938 = vector.broadcast %reduce_sum3A_933 : i32 to vector<16xi32>
    %broadcast_in_dim3A_939 = vector.broadcast %jit3A_937 : i32 to vector<16xi32>
    %select_n3A_940 = arith.select %eq3A_936, %broadcast_in_dim3A_938, %broadcast_in_dim3A_939 : vector<16xi1>, vector<16xi32>
    %add3A_941 = arith.addi %add3A_917, %select_n3A_940 : vector<16xi32>
    %eq3A_942 = arith.constant 6 : i32
    %eq3A_943 = vector.broadcast %eq3A_942 : i32 to vector<16xi32>
    %eq3A_944 = arith.cmpi eq, %get3A_795, %eq3A_943 : vector<16xi32>
    %convert_element_type3A_945 = arith.extui %eq3A_944 : vector<16xi1> to vector<16xi32>
    %broadcast_in_dim3A_946 = arith.constant true
    %broadcast_in_dim3A_947 = vector.broadcast %broadcast_in_dim3A_946 : i1 to vector<16xi1>
    %masked_cumsum3A_948 = tpu.scan <sum>, %convert_element_type3A_945 masked %broadcast_in_dim3A_947 : vector<16xi32>, vector<16xi1> -> vector<16xi32>
    %sub3A_949 = arith.constant 1 : i32
    %sub3A_950 = vector.broadcast %sub3A_949 : i32 to vector<16xi32>
    %sub3A_951 = arith.subi %masked_cumsum3A_948, %sub3A_950 : vector<16xi32>
    %select_n3A_952 = arith.select %eq3A_944, %sub3A_951, %select_n3A_928 : vector<16xi1>, vector<16xi32>
    %convert_element_type3A_953 = arith.extui %eq3A_944 : vector<16xi1> to vector<16xi32>
    %reduce_sum3A_954 = arith.constant true
    %reduce_sum3A_955 = vector.broadcast %reduce_sum3A_954 : i1 to vector<16xi1>
    %reduce_sum3A_956 = tpu.scan <sum>, %convert_element_type3A_953 masked %reduce_sum3A_955 : vector<16xi32>, vector<16xi1> -> vector<16xi32>
    %reduce_sum3A_957 = vector.extract %reduce_sum3A_956[15] : i32 from vector<16xi32>
    %eq3A_958 = arith.constant 6 : i32
    %eq3A_959 = vector.broadcast %eq3A_958 : i32 to vector<16xi32>
    %eq3A_960 = arith.cmpi eq, %iota3A, %eq3A_959 : vector<16xi32>
    %jit3A_961 = arith.constant 0 : i32
    %broadcast_in_dim3A_962 = vector.broadcast %reduce_sum3A_957 : i32 to vector<16xi32>
    %broadcast_in_dim3A_963 = vector.broadcast %jit3A_961 : i32 to vector<16xi32>
    %select_n3A_964 = arith.select %eq3A_960, %broadcast_in_dim3A_962, %broadcast_in_dim3A_963 : vector<16xi1>, vector<16xi32>
    %add3A_965 = arith.addi %add3A_941, %select_n3A_964 : vector<16xi32>
    %eq3A_966 = arith.constant 7 : i32
    %eq3A_967 = vector.broadcast %eq3A_966 : i32 to vector<16xi32>
    %eq3A_968 = arith.cmpi eq, %get3A_795, %eq3A_967 : vector<16xi32>
    %convert_element_type3A_969 = arith.extui %eq3A_968 : vector<16xi1> to vector<16xi32>
    %broadcast_in_dim3A_970 = arith.constant true
    %broadcast_in_dim3A_971 = vector.broadcast %broadcast_in_dim3A_970 : i1 to vector<16xi1>
    %masked_cumsum3A_972 = tpu.scan <sum>, %convert_element_type3A_969 masked %broadcast_in_dim3A_971 : vector<16xi32>, vector<16xi1> -> vector<16xi32>
    %sub3A_973 = arith.constant 1 : i32
    %sub3A_974 = vector.broadcast %sub3A_973 : i32 to vector<16xi32>
    %sub3A_975 = arith.subi %masked_cumsum3A_972, %sub3A_974 : vector<16xi32>
    %select_n3A_976 = arith.select %eq3A_968, %sub3A_975, %select_n3A_952 : vector<16xi1>, vector<16xi32>
    %convert_element_type3A_977 = arith.extui %eq3A_968 : vector<16xi1> to vector<16xi32>
    %reduce_sum3A_978 = arith.constant true
    %reduce_sum3A_979 = vector.broadcast %reduce_sum3A_978 : i1 to vector<16xi1>
    %reduce_sum3A_980 = tpu.scan <sum>, %convert_element_type3A_977 masked %reduce_sum3A_979 : vector<16xi32>, vector<16xi1> -> vector<16xi32>
    %reduce_sum3A_981 = vector.extract %reduce_sum3A_980[15] : i32 from vector<16xi32>
    %eq3A_982 = arith.constant 7 : i32
    %eq3A_983 = vector.broadcast %eq3A_982 : i32 to vector<16xi32>
    %eq3A_984 = arith.cmpi eq, %iota3A, %eq3A_983 : vector<16xi32>
    %jit3A_985 = arith.constant 0 : i32
    %broadcast_in_dim3A_986 = vector.broadcast %reduce_sum3A_981 : i32 to vector<16xi32>
    %broadcast_in_dim3A_987 = vector.broadcast %jit3A_985 : i32 to vector<16xi32>
    %select_n3A_988 = arith.select %eq3A_984, %broadcast_in_dim3A_986, %broadcast_in_dim3A_987 : vector<16xi1>, vector<16xi32>
    %add3A_989 = arith.addi %add3A_965, %select_n3A_988 : vector<16xi32>
    %gather3A_990 = tpu.vector_load_idx %arg12[%get3A_795] : memref<16xi32, #tpu.memory_space<vmem>>[vector<16xi32>], vector<16xi32>,
    %add3A_991 = arith.addi %gather3A_990, %select_n3A_976 : vector<16xi32>
    %swap3A_992 = arith.constant 32 : index
    %swap3A_993 = tpu.vector_load %arg10[%swap3A_992] {strides = array<i32>} : memref<64xi32, #tpu.memory_space<vmem>>, vector<16xi32>,
    tpu.vector_store %arg10[%swap3A_992], %add3A_991 {strides = array<i32>} : memref<64xi32, #tpu.memory_space<vmem>>, vector<16xi32>,
    %add3A_994 = arith.addi %add3A_388, %add3A_989 : vector<16xi32>
    %swap3A_995 = arith.constant 0 : index
    %swap3A_996 = tpu.vector_load %arg12[%swap3A_995] {strides = array<i32>} : memref<16xi32, #tpu.memory_space<vmem>>, vector<16xi32>,
    tpu.vector_store %arg12[%swap3A_995], %add3A_994 {strides = array<i32>} : memref<16xi32, #tpu.memory_space<vmem>>, vector<16xi32>,
    %get3A_997 = arith.constant 48 : index
    %get3A_998 = tpu.vector_load %arg8[%get3A_997] {strides = array<i32>} : memref<64xi32, #tpu.memory_space<vmem>>, vector<16xi32>,
    %broadcast_in_dim3A_999 = arith.constant 0 : i32
    %broadcast_in_dim3A_1000 = vector.broadcast %broadcast_in_dim3A_999 : i32 to vector<16xi32>
    %eq3A_1001 = arith.constant 0 : i32
    %eq3A_1002 = vector.broadcast %eq3A_1001 : i32 to vector<16xi32>
    %eq3A_1003 = arith.cmpi eq, %get3A_998, %eq3A_1002 : vector<16xi32>
    %convert_element_type3A_1004 = arith.extui %eq3A_1003 : vector<16xi1> to vector<16xi32>
    %broadcast_in_dim3A_1005 = arith.constant true
    %broadcast_in_dim3A_1006 = vector.broadcast %broadcast_in_dim3A_1005 : i1 to vector<16xi1>
    %masked_cumsum3A_1007 = tpu.scan <sum>, %convert_element_type3A_1004 masked %broadcast_in_dim3A_1006 : vector<16xi32>, vector<16xi1> -> vector<16xi32>
    %sub3A_1008 = arith.constant 1 : i32
    %sub3A_1009 = vector.broadcast %sub3A_1008 : i32 to vector<16xi32>
    %sub3A_1010 = arith.subi %masked_cumsum3A_1007, %sub3A_1009 : vector<16xi32>
    %select_n3A_1011 = arith.select %eq3A_1003, %sub3A_1010, %broadcast_in_dim3A_1000 : vector<16xi1>, vector<16xi32>
    %convert_element_type3A_1012 = arith.extui %eq3A_1003 : vector<16xi1> to vector<16xi32>
    %reduce_sum3A_1013 = arith.constant true
    %reduce_sum3A_1014 = vector.broadcast %reduce_sum3A_1013 : i1 to vector<16xi1>
    %reduce_sum3A_1015 = tpu.scan <sum>, %convert_element_type3A_1012 masked %reduce_sum3A_1014 : vector<16xi32>, vector<16xi1> -> vector<16xi32>
    %reduce_sum3A_1016 = vector.extract %reduce_sum3A_1015[15] : i32 from vector<16xi32>
    %eq3A_1017 = arith.constant 0 : i32
    %eq3A_1018 = vector.broadcast %eq3A_1017 : i32 to vector<16xi32>
    %eq3A_1019 = arith.cmpi eq, %iota3A, %eq3A_1018 : vector<16xi32>
    %jit3A_1020 = arith.constant 0 : i32
    %broadcast_in_dim3A_1021 = vector.broadcast %reduce_sum3A_1016 : i32 to vector<16xi32>
    %broadcast_in_dim3A_1022 = vector.broadcast %jit3A_1020 : i32 to vector<16xi32>
    %select_n3A_1023 = arith.select %eq3A_1019, %broadcast_in_dim3A_1021, %broadcast_in_dim3A_1022 : vector<16xi1>, vector<16xi32>
    %add3A_1024 = arith.addi %add3A_989, %select_n3A_1023 : vector<16xi32>
    %eq3A_1025 = arith.constant 1 : i32
    %eq3A_1026 = vector.broadcast %eq3A_1025 : i32 to vector<16xi32>
    %eq3A_1027 = arith.cmpi eq, %get3A_998, %eq3A_1026 : vector<16xi32>
    %convert_element_type3A_1028 = arith.extui %eq3A_1027 : vector<16xi1> to vector<16xi32>
    %broadcast_in_dim3A_1029 = arith.constant true
    %broadcast_in_dim3A_1030 = vector.broadcast %broadcast_in_dim3A_1029 : i1 to vector<16xi1>
    %masked_cumsum3A_1031 = tpu.scan <sum>, %convert_element_type3A_1028 masked %broadcast_in_dim3A_1030 : vector<16xi32>, vector<16xi1> -> vector<16xi32>
    %sub3A_1032 = arith.constant 1 : i32
    %sub3A_1033 = vector.broadcast %sub3A_1032 : i32 to vector<16xi32>
    %sub3A_1034 = arith.subi %masked_cumsum3A_1031, %sub3A_1033 : vector<16xi32>
    %select_n3A_1035 = arith.select %eq3A_1027, %sub3A_1034, %select_n3A_1011 : vector<16xi1>, vector<16xi32>
    %convert_element_type3A_1036 = arith.extui %eq3A_1027 : vector<16xi1> to vector<16xi32>
    %reduce_sum3A_1037 = arith.constant true
    %reduce_sum3A_1038 = vector.broadcast %reduce_sum3A_1037 : i1 to vector<16xi1>
    %reduce_sum3A_1039 = tpu.scan <sum>, %convert_element_type3A_1036 masked %reduce_sum3A_1038 : vector<16xi32>, vector<16xi1> -> vector<16xi32>
    %reduce_sum3A_1040 = vector.extract %reduce_sum3A_1039[15] : i32 from vector<16xi32>
    %eq3A_1041 = arith.constant 1 : i32
    %eq3A_1042 = vector.broadcast %eq3A_1041 : i32 to vector<16xi32>
    %eq3A_1043 = arith.cmpi eq, %iota3A, %eq3A_1042 : vector<16xi32>
    %jit3A_1044 = arith.constant 0 : i32
    %broadcast_in_dim3A_1045 = vector.broadcast %reduce_sum3A_1040 : i32 to vector<16xi32>
    %broadcast_in_dim3A_1046 = vector.broadcast %jit3A_1044 : i32 to vector<16xi32>
    %select_n3A_1047 = arith.select %eq3A_1043, %broadcast_in_dim3A_1045, %broadcast_in_dim3A_1046 : vector<16xi1>, vector<16xi32>
    %add3A_1048 = arith.addi %add3A_1024, %select_n3A_1047 : vector<16xi32>
    %eq3A_1049 = arith.constant 2 : i32
    %eq3A_1050 = vector.broadcast %eq3A_1049 : i32 to vector<16xi32>
    %eq3A_1051 = arith.cmpi eq, %get3A_998, %eq3A_1050 : vector<16xi32>
    %convert_element_type3A_1052 = arith.extui %eq3A_1051 : vector<16xi1> to vector<16xi32>
    %broadcast_in_dim3A_1053 = arith.constant true
    %broadcast_in_dim3A_1054 = vector.broadcast %broadcast_in_dim3A_1053 : i1 to vector<16xi1>
    %masked_cumsum3A_1055 = tpu.scan <sum>, %convert_element_type3A_1052 masked %broadcast_in_dim3A_1054 : vector<16xi32>, vector<16xi1> -> vector<16xi32>
    %sub3A_1056 = arith.constant 1 : i32
    %sub3A_1057 = vector.broadcast %sub3A_1056 : i32 to vector<16xi32>
    %sub3A_1058 = arith.subi %masked_cumsum3A_1055, %sub3A_1057 : vector<16xi32>
    %select_n3A_1059 = arith.select %eq3A_1051, %sub3A_1058, %select_n3A_1035 : vector<16xi1>, vector<16xi32>
    %convert_element_type3A_1060 = arith.extui %eq3A_1051 : vector<16xi1> to vector<16xi32>
    %reduce_sum3A_1061 = arith.constant true
    %reduce_sum3A_1062 = vector.broadcast %reduce_sum3A_1061 : i1 to vector<16xi1>
    %reduce_sum3A_1063 = tpu.scan <sum>, %convert_element_type3A_1060 masked %reduce_sum3A_1062 : vector<16xi32>, vector<16xi1> -> vector<16xi32>
    %reduce_sum3A_1064 = vector.extract %reduce_sum3A_1063[15] : i32 from vector<16xi32>
    %eq3A_1065 = arith.constant 2 : i32
    %eq3A_1066 = vector.broadcast %eq3A_1065 : i32 to vector<16xi32>
    %eq3A_1067 = arith.cmpi eq, %iota3A, %eq3A_1066 : vector<16xi32>
    %jit3A_1068 = arith.constant 0 : i32
    %broadcast_in_dim3A_1069 = vector.broadcast %reduce_sum3A_1064 : i32 to vector<16xi32>
    %broadcast_in_dim3A_1070 = vector.broadcast %jit3A_1068 : i32 to vector<16xi32>
    %select_n3A_1071 = arith.select %eq3A_1067, %broadcast_in_dim3A_1069, %broadcast_in_dim3A_1070 : vector<16xi1>, vector<16xi32>
    %add3A_1072 = arith.addi %add3A_1048, %select_n3A_1071 : vector<16xi32>
    %eq3A_1073 = arith.constant 3 : i32
    %eq3A_1074 = vector.broadcast %eq3A_1073 : i32 to vector<16xi32>
    %eq3A_1075 = arith.cmpi eq, %get3A_998, %eq3A_1074 : vector<16xi32>
    %convert_element_type3A_1076 = arith.extui %eq3A_1075 : vector<16xi1> to vector<16xi32>
    %broadcast_in_dim3A_1077 = arith.constant true
    %broadcast_in_dim3A_1078 = vector.broadcast %broadcast_in_dim3A_1077 : i1 to vector<16xi1>
    %masked_cumsum3A_1079 = tpu.scan <sum>, %convert_element_type3A_1076 masked %broadcast_in_dim3A_1078 : vector<16xi32>, vector<16xi1> -> vector<16xi32>
    %sub3A_1080 = arith.constant 1 : i32
    %sub3A_1081 = vector.broadcast %sub3A_1080 : i32 to vector<16xi32>
    %sub3A_1082 = arith.subi %masked_cumsum3A_1079, %sub3A_1081 : vector<16xi32>
    %select_n3A_1083 = arith.select %eq3A_1075, %sub3A_1082, %select_n3A_1059 : vector<16xi1>, vector<16xi32>
    %convert_element_type3A_1084 = arith.extui %eq3A_1075 : vector<16xi1> to vector<16xi32>
    %reduce_sum3A_1085 = arith.constant true
    %reduce_sum3A_1086 = vector.broadcast %reduce_sum3A_1085 : i1 to vector<16xi1>
    %reduce_sum3A_1087 = tpu.scan <sum>, %convert_element_type3A_1084 masked %reduce_sum3A_1086 : vector<16xi32>, vector<16xi1> -> vector<16xi32>
    %reduce_sum3A_1088 = vector.extract %reduce_sum3A_1087[15] : i32 from vector<16xi32>
    %eq3A_1089 = arith.constant 3 : i32
    %eq3A_1090 = vector.broadcast %eq3A_1089 : i32 to vector<16xi32>
    %eq3A_1091 = arith.cmpi eq, %iota3A, %eq3A_1090 : vector<16xi32>
    %jit3A_1092 = arith.constant 0 : i32
    %broadcast_in_dim3A_1093 = vector.broadcast %reduce_sum3A_1088 : i32 to vector<16xi32>
    %broadcast_in_dim3A_1094 = vector.broadcast %jit3A_1092 : i32 to vector<16xi32>
    %select_n3A_1095 = arith.select %eq3A_1091, %broadcast_in_dim3A_1093, %broadcast_in_dim3A_1094 : vector<16xi1>, vector<16xi32>
    %add3A_1096 = arith.addi %add3A_1072, %select_n3A_1095 : vector<16xi32>
    %eq3A_1097 = arith.constant 4 : i32
    %eq3A_1098 = vector.broadcast %eq3A_1097 : i32 to vector<16xi32>
    %eq3A_1099 = arith.cmpi eq, %get3A_998, %eq3A_1098 : vector<16xi32>
    %convert_element_type3A_1100 = arith.extui %eq3A_1099 : vector<16xi1> to vector<16xi32>
    %broadcast_in_dim3A_1101 = arith.constant true
    %broadcast_in_dim3A_1102 = vector.broadcast %broadcast_in_dim3A_1101 : i1 to vector<16xi1>
    %masked_cumsum3A_1103 = tpu.scan <sum>, %convert_element_type3A_1100 masked %broadcast_in_dim3A_1102 : vector<16xi32>, vector<16xi1> -> vector<16xi32>
    %sub3A_1104 = arith.constant 1 : i32
    %sub3A_1105 = vector.broadcast %sub3A_1104 : i32 to vector<16xi32>
    %sub3A_1106 = arith.subi %masked_cumsum3A_1103, %sub3A_1105 : vector<16xi32>
    %select_n3A_1107 = arith.select %eq3A_1099, %sub3A_1106, %select_n3A_1083 : vector<16xi1>, vector<16xi32>
    %convert_element_type3A_1108 = arith.extui %eq3A_1099 : vector<16xi1> to vector<16xi32>
    %reduce_sum3A_1109 = arith.constant true
    %reduce_sum3A_1110 = vector.broadcast %reduce_sum3A_1109 : i1 to vector<16xi1>
    %reduce_sum3A_1111 = tpu.scan <sum>, %convert_element_type3A_1108 masked %reduce_sum3A_1110 : vector<16xi32>, vector<16xi1> -> vector<16xi32>
    %reduce_sum3A_1112 = vector.extract %reduce_sum3A_1111[15] : i32 from vector<16xi32>
    %eq3A_1113 = arith.constant 4 : i32
    %eq3A_1114 = vector.broadcast %eq3A_1113 : i32 to vector<16xi32>
    %eq3A_1115 = arith.cmpi eq, %iota3A, %eq3A_1114 : vector<16xi32>
    %jit3A_1116 = arith.constant 0 : i32
    %broadcast_in_dim3A_1117 = vector.broadcast %reduce_sum3A_1112 : i32 to vector<16xi32>
    %broadcast_in_dim3A_1118 = vector.broadcast %jit3A_1116 : i32 to vector<16xi32>
    %select_n3A_1119 = arith.select %eq3A_1115, %broadcast_in_dim3A_1117, %broadcast_in_dim3A_1118 : vector<16xi1>, vector<16xi32>
    %add3A_1120 = arith.addi %add3A_1096, %select_n3A_1119 : vector<16xi32>
    %eq3A_1121 = arith.constant 5 : i32
    %eq3A_1122 = vector.broadcast %eq3A_1121 : i32 to vector<16xi32>
    %eq3A_1123 = arith.cmpi eq, %get3A_998, %eq3A_1122 : vector<16xi32>
    %convert_element_type3A_1124 = arith.extui %eq3A_1123 : vector<16xi1> to vector<16xi32>
    %broadcast_in_dim3A_1125 = arith.constant true
    %broadcast_in_dim3A_1126 = vector.broadcast %broadcast_in_dim3A_1125 : i1 to vector<16xi1>
    %masked_cumsum3A_1127 = tpu.scan <sum>, %convert_element_type3A_1124 masked %broadcast_in_dim3A_1126 : vector<16xi32>, vector<16xi1> -> vector<16xi32>
    %sub3A_1128 = arith.constant 1 : i32
    %sub3A_1129 = vector.broadcast %sub3A_1128 : i32 to vector<16xi32>
    %sub3A_1130 = arith.subi %masked_cumsum3A_1127, %sub3A_1129 : vector<16xi32>
    %select_n3A_1131 = arith.select %eq3A_1123, %sub3A_1130, %select_n3A_1107 : vector<16xi1>, vector<16xi32>
    %convert_element_type3A_1132 = arith.extui %eq3A_1123 : vector<16xi1> to vector<16xi32>
    %reduce_sum3A_1133 = arith.constant true
    %reduce_sum3A_1134 = vector.broadcast %reduce_sum3A_1133 : i1 to vector<16xi1>
    %reduce_sum3A_1135 = tpu.scan <sum>, %convert_element_type3A_1132 masked %reduce_sum3A_1134 : vector<16xi32>, vector<16xi1> -> vector<16xi32>
    %reduce_sum3A_1136 = vector.extract %reduce_sum3A_1135[15] : i32 from vector<16xi32>
    %eq3A_1137 = arith.constant 5 : i32
    %eq3A_1138 = vector.broadcast %eq3A_1137 : i32 to vector<16xi32>
    %eq3A_1139 = arith.cmpi eq, %iota3A, %eq3A_1138 : vector<16xi32>
    %jit3A_1140 = arith.constant 0 : i32
    %broadcast_in_dim3A_1141 = vector.broadcast %reduce_sum3A_1136 : i32 to vector<16xi32>
    %broadcast_in_dim3A_1142 = vector.broadcast %jit3A_1140 : i32 to vector<16xi32>
    %select_n3A_1143 = arith.select %eq3A_1139, %broadcast_in_dim3A_1141, %broadcast_in_dim3A_1142 : vector<16xi1>, vector<16xi32>
    %add3A_1144 = arith.addi %add3A_1120, %select_n3A_1143 : vector<16xi32>
    %eq3A_1145 = arith.constant 6 : i32
    %eq3A_1146 = vector.broadcast %eq3A_1145 : i32 to vector<16xi32>
    %eq3A_1147 = arith.cmpi eq, %get3A_998, %eq3A_1146 : vector<16xi32>
    %convert_element_type3A_1148 = arith.extui %eq3A_1147 : vector<16xi1> to vector<16xi32>
    %broadcast_in_dim3A_1149 = arith.constant true
    %broadcast_in_dim3A_1150 = vector.broadcast %broadcast_in_dim3A_1149 : i1 to vector<16xi1>
    %masked_cumsum3A_1151 = tpu.scan <sum>, %convert_element_type3A_1148 masked %broadcast_in_dim3A_1150 : vector<16xi32>, vector<16xi1> -> vector<16xi32>
    %sub3A_1152 = arith.constant 1 : i32
    %sub3A_1153 = vector.broadcast %sub3A_1152 : i32 to vector<16xi32>
    %sub3A_1154 = arith.subi %masked_cumsum3A_1151, %sub3A_1153 : vector<16xi32>
    %select_n3A_1155 = arith.select %eq3A_1147, %sub3A_1154, %select_n3A_1131 : vector<16xi1>, vector<16xi32>
    %convert_element_type3A_1156 = arith.extui %eq3A_1147 : vector<16xi1> to vector<16xi32>
    %reduce_sum3A_1157 = arith.constant true
    %reduce_sum3A_1158 = vector.broadcast %reduce_sum3A_1157 : i1 to vector<16xi1>
    %reduce_sum3A_1159 = tpu.scan <sum>, %convert_element_type3A_1156 masked %reduce_sum3A_1158 : vector<16xi32>, vector<16xi1> -> vector<16xi32>
    %reduce_sum3A_1160 = vector.extract %reduce_sum3A_1159[15] : i32 from vector<16xi32>
    %eq3A_1161 = arith.constant 6 : i32
    %eq3A_1162 = vector.broadcast %eq3A_1161 : i32 to vector<16xi32>
    %eq3A_1163 = arith.cmpi eq, %iota3A, %eq3A_1162 : vector<16xi32>
    %jit3A_1164 = arith.constant 0 : i32
    %broadcast_in_dim3A_1165 = vector.broadcast %reduce_sum3A_1160 : i32 to vector<16xi32>
    %broadcast_in_dim3A_1166 = vector.broadcast %jit3A_1164 : i32 to vector<16xi32>
    %select_n3A_1167 = arith.select %eq3A_1163, %broadcast_in_dim3A_1165, %broadcast_in_dim3A_1166 : vector<16xi1>, vector<16xi32>
    %add3A_1168 = arith.addi %add3A_1144, %select_n3A_1167 : vector<16xi32>
    %eq3A_1169 = arith.constant 7 : i32
    %eq3A_1170 = vector.broadcast %eq3A_1169 : i32 to vector<16xi32>
    %eq3A_1171 = arith.cmpi eq, %get3A_998, %eq3A_1170 : vector<16xi32>
    %convert_element_type3A_1172 = arith.extui %eq3A_1171 : vector<16xi1> to vector<16xi32>
    %broadcast_in_dim3A_1173 = arith.constant true
    %broadcast_in_dim3A_1174 = vector.broadcast %broadcast_in_dim3A_1173 : i1 to vector<16xi1>
    %masked_cumsum3A_1175 = tpu.scan <sum>, %convert_element_type3A_1172 masked %broadcast_in_dim3A_1174 : vector<16xi32>, vector<16xi1> -> vector<16xi32>
    %sub3A_1176 = arith.constant 1 : i32
    %sub3A_1177 = vector.broadcast %sub3A_1176 : i32 to vector<16xi32>
    %sub3A_1178 = arith.subi %masked_cumsum3A_1175, %sub3A_1177 : vector<16xi32>
    %select_n3A_1179 = arith.select %eq3A_1171, %sub3A_1178, %select_n3A_1155 : vector<16xi1>, vector<16xi32>
    %convert_element_type3A_1180 = arith.extui %eq3A_1171 : vector<16xi1> to vector<16xi32>
    %reduce_sum3A_1181 = arith.constant true
    %reduce_sum3A_1182 = vector.broadcast %reduce_sum3A_1181 : i1 to vector<16xi1>
    %reduce_sum3A_1183 = tpu.scan <sum>, %convert_element_type3A_1180 masked %reduce_sum3A_1182 : vector<16xi32>, vector<16xi1> -> vector<16xi32>
    %reduce_sum3A_1184 = vector.extract %reduce_sum3A_1183[15] : i32 from vector<16xi32>
    %eq3A_1185 = arith.constant 7 : i32
    %eq3A_1186 = vector.broadcast %eq3A_1185 : i32 to vector<16xi32>
    %eq3A_1187 = arith.cmpi eq, %iota3A, %eq3A_1186 : vector<16xi32>
    %jit3A_1188 = arith.constant 0 : i32
    %broadcast_in_dim3A_1189 = vector.broadcast %reduce_sum3A_1184 : i32 to vector<16xi32>
    %broadcast_in_dim3A_1190 = vector.broadcast %jit3A_1188 : i32 to vector<16xi32>
    %select_n3A_1191 = arith.select %eq3A_1187, %broadcast_in_dim3A_1189, %broadcast_in_dim3A_1190 : vector<16xi1>, vector<16xi32>
    %add3A_1192 = arith.addi %add3A_1168, %select_n3A_1191 : vector<16xi32>
    %gather3A_1193 = tpu.vector_load_idx %arg12[%get3A_998] : memref<16xi32, #tpu.memory_space<vmem>>[vector<16xi32>], vector<16xi32>,
    %add3A_1194 = arith.addi %gather3A_1193, %select_n3A_1179 : vector<16xi32>
    %swap3A_1195 = arith.constant 48 : index
    %swap3A_1196 = tpu.vector_load %arg10[%swap3A_1195] {strides = array<i32>} : memref<64xi32, #tpu.memory_space<vmem>>, vector<16xi32>,
    tpu.vector_store %arg10[%swap3A_1195], %add3A_1194 {strides = array<i32>} : memref<64xi32, #tpu.memory_space<vmem>>, vector<16xi32>,
    %add3A_1197 = arith.addi %add3A_388, %add3A_1192 : vector<16xi32>
    %swap3A_1198 = arith.constant 0 : index
    %swap3A_1199 = tpu.vector_load %arg12[%swap3A_1198] {strides = array<i32>} : memref<16xi32, #tpu.memory_space<vmem>>, vector<16xi32>,
    tpu.vector_store %arg12[%swap3A_1198], %add3A_1197 {strides = array<i32>} : memref<16xi32, #tpu.memory_space<vmem>>, vector<16xi32>,
    "tpu.region"() ({
      %run_scoped3A = tpu.sem_alloc : memref<!tpu.dma_semaphore, #tpu.memory_space<semaphore_mem>>
      %dma_start3A_1208 = tpu.memref_slice %arg6[%mul3A_2] : memref<2048xi32, #tpu.memory_space<hbm>> -> memref<64xi32, #tpu.memory_space<hbm>>
      %dma_start3A_1209 = tpu.memref_slice %arg6[%mul3A_2] : memref<2048xi32, #tpu.memory_space<hbm>> -> memref<64xi32, #tpu.memory_space<hbm>>
      tpu.enqueue_dma source(%arg10 : memref<64xi32, #tpu.memory_space<vmem>>) target(%dma_start3A_1209 : memref<64xi32, #tpu.memory_space<hbm>>) target_semaphore(%run_scoped3A : memref<!tpu.dma_semaphore, #tpu.memory_space<semaphore_mem>>)
      %dma_wait3A_1210 = tpu.memref_slice %arg6[%mul3A_2] : memref<2048xi32, #tpu.memory_space<hbm>> -> memref<64xi32, #tpu.memory_space<hbm>>
      %dma_wait3A_1211 = tpu.memref_slice %arg6[%mul3A_2] : memref<2048xi32, #tpu.memory_space<hbm>> -> memref<64xi32, #tpu.memory_space<hbm>>
      tpu.wait_dma2 semaphore(%run_scoped3A : memref<!tpu.dma_semaphore, #tpu.memory_space<semaphore_mem>>) src(%arg10 : memref<64xi32, #tpu.memory_space<vmem>>) dst(%dma_wait3A_1211 : memref<64xi32, #tpu.memory_space<hbm>>)
      tpu.yield
    }) : () -> ()
    "tpu.region"() ({
      %run_scoped3A = tpu.sem_alloc : memref<!tpu.dma_semaphore, #tpu.memory_space<semaphore_mem>>
      %dma_start3A_1208 = arith.constant 0 : i32
      %dma_start3A_1209 = tpu.memref_slice %arg2[%mul3A_2, %dma_start3A_1208] : memref<2048x1024xf32, #tpu.memory_space<hbm>> -> memref<64x1024xf32, #tpu.memory_space<hbm>>
      %dma_start3A_1210 = arith.constant 0 : i32
      %dma_start3A_1211 = tpu.memref_slice %arg2[%mul3A_2, %dma_start3A_1210] : memref<2048x1024xf32, #tpu.memory_space<hbm>> -> memref<64x1024xf32, #tpu.memory_space<hbm>>
      tpu.enqueue_dma source(%dma_start3A_1211 : memref<64x1024xf32, #tpu.memory_space<hbm>>) target(%arg11 : memref<64x1024xf32, #tpu.memory_space<vmem>>) target_semaphore(%run_scoped3A : memref<!tpu.dma_semaphore, #tpu.memory_space<semaphore_mem>>)
      %dma_wait3A_1212 = arith.constant 0 : i32
      %dma_wait3A_1213 = tpu.memref_slice %arg2[%mul3A_2, %dma_wait3A_1212] : memref<2048x1024xf32, #tpu.memory_space<hbm>> -> memref<64x1024xf32, #tpu.memory_space<hbm>>
      %dma_wait3A_1214 = arith.constant 0 : i32
      %dma_wait3A_1215 = tpu.memref_slice %arg2[%mul3A_2, %dma_wait3A_1214] : memref<2048x1024xf32, #tpu.memory_space<hbm>> -> memref<64x1024xf32, #tpu.memory_space<hbm>>
      tpu.wait_dma2 semaphore(%run_scoped3A : memref<!tpu.dma_semaphore, #tpu.memory_space<semaphore_mem>>) src(%dma_wait3A_1215 : memref<64x1024xf32, #tpu.memory_space<hbm>>) dst(%arg11 : memref<64x1024xf32, #tpu.memory_space<vmem>>)
      tpu.yield
    }) : () -> ()
    %dma_start3A = arith.constant 0 : i32
    %dma_start3A_1200 = arith.constant 0 : i32
    %dma_start3A_1201 = tpu.memref_slice %arg5[%dma_start3A, %dma_start3A_1200] : memref<3840x1024xf32, #tpu.memory_space<hbm>> -> memref<3840x1024xf32, #tpu.memory_space<hbm>>
    tpu.enqueue_indirect_dma source(%arg11 : memref<64x1024xf32, #tpu.memory_space<vmem>>) target(%dma_start3A_1201 : memref<3840x1024xf32, #tpu.memory_space<hbm>>) offsets(%arg10 : memref<64xi32, #tpu.memory_space<vmem>>) semaphore(%arg14 : memref<!tpu.dma_semaphore, #tpu.memory_space<semaphore_mem>>)
    %dma_wait3A = arith.constant 0 : i32
    %dma_wait3A_1202 = arith.constant 0 : i32
    %dma_wait3A_1203 = tpu.memref_slice %arg5[%dma_wait3A, %dma_wait3A_1202] : memref<3840x1024xf32, #tpu.memory_space<hbm>> -> memref<3840x1024xf32, #tpu.memory_space<hbm>>
    tpu.wait_indirect_dma semaphore(%arg14 : memref<!tpu.dma_semaphore, #tpu.memory_space<semaphore_mem>>) src(%arg11 : memref<64x1024xf32, #tpu.memory_space<vmem>>) dst(%dma_wait3A_1203 : memref<3840x1024xf32, #tpu.memory_space<hbm>>)
    %eq3A_1204 = arith.constant 0 : i32
    %eq3A_1205 = arith.cmpi eq, %add3A, %eq3A_1204 : i32
    %convert_element_type3A_1206 = arith.extui %eq3A_1205 : i1 to i32
    %cond3A = arith.constant 0 : i32
    %cond3A_1207 = arith.cmpi ne, %convert_element_type3A_1206, %cond3A : i32
    scf.if %cond3A_1207 {
      %broadcast_in_dim3A_1208 = arith.constant 0 : i32
      %broadcast_in_dim3A_1209 = vector.broadcast %broadcast_in_dim3A_1208 : i32 to vector<16xi32>
      %mul3A_1210 = arith.constant 256 : i32
      %mul3A_1211 = vector.broadcast %mul3A_1210 : i32 to vector<16xi32>
      %mul3A_1212 = arith.muli %iota3A, %mul3A_1211 : vector<16xi32>
      %eq3A_1213 = arith.constant 0 : i32
      %eq3A_1214 = vector.broadcast %eq3A_1213 : i32 to vector<16xi32>
      %eq3A_1215 = arith.cmpi eq, %iota3A, %eq3A_1214 : vector<16xi32>
      %jit3A_1216 = arith.constant 0 : i32
      %broadcast_in_dim3A_1217 = vector.broadcast %jit3A_1216 : i32 to vector<16xi32>
      %select_n3A_1218 = arith.select %eq3A_1215, %masked_cumsum3A, %broadcast_in_dim3A_1217 : vector<16xi1>, vector<16xi32>
      %reduce_sum3A_1219 = arith.constant true
      %reduce_sum3A_1220 = vector.broadcast %reduce_sum3A_1219 : i1 to vector<16xi1>
      %reduce_sum3A_1221 = tpu.scan <sum>, %select_n3A_1218 masked %reduce_sum3A_1220 : vector<16xi32>, vector<16xi1> -> vector<16xi32>
      %reduce_sum3A_1222 = vector.extract %reduce_sum3A_1221[15] : i32 from vector<16xi32>
      %ge3A = vector.broadcast %reduce_sum3A_1222 : i32 to vector<16xi32>
      %ge3A_1223 = arith.cmpi sge, %mul3A_1212, %ge3A : vector<16xi32>
      %jit3A_1224 = arith.constant 1 : i32
      %jit3A_1225 = arith.constant 0 : i32
      %broadcast_in_dim3A_1226 = vector.broadcast %jit3A_1224 : i32 to vector<16xi32>
      %broadcast_in_dim3A_1227 = vector.broadcast %jit3A_1225 : i32 to vector<16xi32>
      %select_n3A_1228 = arith.select %ge3A_1223, %broadcast_in_dim3A_1226, %broadcast_in_dim3A_1227 : vector<16xi1>, vector<16xi32>
      %add3A_1229 = arith.addi %broadcast_in_dim3A_1209, %select_n3A_1228 : vector<16xi32>
      %eq3A_1230 = arith.constant 1 : i32
      %eq3A_1231 = vector.broadcast %eq3A_1230 : i32 to vector<16xi32>
      %eq3A_1232 = arith.cmpi eq, %iota3A, %eq3A_1231 : vector<16xi32>
      %jit3A_1233 = arith.constant 0 : i32
      %broadcast_in_dim3A_1234 = vector.broadcast %jit3A_1233 : i32 to vector<16xi32>
      %select_n3A_1235 = arith.select %eq3A_1232, %masked_cumsum3A, %broadcast_in_dim3A_1234 : vector<16xi1>, vector<16xi32>
      %reduce_sum3A_1236 = arith.constant true
      %reduce_sum3A_1237 = vector.broadcast %reduce_sum3A_1236 : i1 to vector<16xi1>
      %reduce_sum3A_1238 = tpu.scan <sum>, %select_n3A_1235 masked %reduce_sum3A_1237 : vector<16xi32>, vector<16xi1> -> vector<16xi32>
      %reduce_sum3A_1239 = vector.extract %reduce_sum3A_1238[15] : i32 from vector<16xi32>
      %ge3A_1240 = vector.broadcast %reduce_sum3A_1239 : i32 to vector<16xi32>
      %ge3A_1241 = arith.cmpi sge, %mul3A_1212, %ge3A_1240 : vector<16xi32>
      %jit3A_1242 = arith.constant 1 : i32
      %jit3A_1243 = arith.constant 0 : i32
      %broadcast_in_dim3A_1244 = vector.broadcast %jit3A_1242 : i32 to vector<16xi32>
      %broadcast_in_dim3A_1245 = vector.broadcast %jit3A_1243 : i32 to vector<16xi32>
      %select_n3A_1246 = arith.select %ge3A_1241, %broadcast_in_dim3A_1244, %broadcast_in_dim3A_1245 : vector<16xi1>, vector<16xi32>
      %add3A_1247 = arith.addi %add3A_1229, %select_n3A_1246 : vector<16xi32>
      %eq3A_1248 = arith.constant 2 : i32
      %eq3A_1249 = vector.broadcast %eq3A_1248 : i32 to vector<16xi32>
      %eq3A_1250 = arith.cmpi eq, %iota3A, %eq3A_1249 : vector<16xi32>
      %jit3A_1251 = arith.constant 0 : i32
      %broadcast_in_dim3A_1252 = vector.broadcast %jit3A_1251 : i32 to vector<16xi32>
      %select_n3A_1253 = arith.select %eq3A_1250, %masked_cumsum3A, %broadcast_in_dim3A_1252 : vector<16xi1>, vector<16xi32>
      %reduce_sum3A_1254 = arith.constant true
      %reduce_sum3A_1255 = vector.broadcast %reduce_sum3A_1254 : i1 to vector<16xi1>
      %reduce_sum3A_1256 = tpu.scan <sum>, %select_n3A_1253 masked %reduce_sum3A_1255 : vector<16xi32>, vector<16xi1> -> vector<16xi32>
      %reduce_sum3A_1257 = vector.extract %reduce_sum3A_1256[15] : i32 from vector<16xi32>
      %ge3A_1258 = vector.broadcast %reduce_sum3A_1257 : i32 to vector<16xi32>
      %ge3A_1259 = arith.cmpi sge, %mul3A_1212, %ge3A_1258 : vector<16xi32>
      %jit3A_1260 = arith.constant 1 : i32
      %jit3A_1261 = arith.constant 0 : i32
      %broadcast_in_dim3A_1262 = vector.broadcast %jit3A_1260 : i32 to vector<16xi32>
      %broadcast_in_dim3A_1263 = vector.broadcast %jit3A_1261 : i32 to vector<16xi32>
      %select_n3A_1264 = arith.select %ge3A_1259, %broadcast_in_dim3A_1262, %broadcast_in_dim3A_1263 : vector<16xi1>, vector<16xi32>
      %add3A_1265 = arith.addi %add3A_1247, %select_n3A_1264 : vector<16xi32>
      %eq3A_1266 = arith.constant 3 : i32
      %eq3A_1267 = vector.broadcast %eq3A_1266 : i32 to vector<16xi32>
      %eq3A_1268 = arith.cmpi eq, %iota3A, %eq3A_1267 : vector<16xi32>
      %jit3A_1269 = arith.constant 0 : i32
      %broadcast_in_dim3A_1270 = vector.broadcast %jit3A_1269 : i32 to vector<16xi32>
      %select_n3A_1271 = arith.select %eq3A_1268, %masked_cumsum3A, %broadcast_in_dim3A_1270 : vector<16xi1>, vector<16xi32>
      %reduce_sum3A_1272 = arith.constant true
      %reduce_sum3A_1273 = vector.broadcast %reduce_sum3A_1272 : i1 to vector<16xi1>
      %reduce_sum3A_1274 = tpu.scan <sum>, %select_n3A_1271 masked %reduce_sum3A_1273 : vector<16xi32>, vector<16xi1> -> vector<16xi32>
      %reduce_sum3A_1275 = vector.extract %reduce_sum3A_1274[15] : i32 from vector<16xi32>
      %ge3A_1276 = vector.broadcast %reduce_sum3A_1275 : i32 to vector<16xi32>
      %ge3A_1277 = arith.cmpi sge, %mul3A_1212, %ge3A_1276 : vector<16xi32>
      %jit3A_1278 = arith.constant 1 : i32
      %jit3A_1279 = arith.constant 0 : i32
      %broadcast_in_dim3A_1280 = vector.broadcast %jit3A_1278 : i32 to vector<16xi32>
      %broadcast_in_dim3A_1281 = vector.broadcast %jit3A_1279 : i32 to vector<16xi32>
      %select_n3A_1282 = arith.select %ge3A_1277, %broadcast_in_dim3A_1280, %broadcast_in_dim3A_1281 : vector<16xi1>, vector<16xi32>
      %add3A_1283 = arith.addi %add3A_1265, %select_n3A_1282 : vector<16xi32>
      %eq3A_1284 = arith.constant 4 : i32
      %eq3A_1285 = vector.broadcast %eq3A_1284 : i32 to vector<16xi32>
      %eq3A_1286 = arith.cmpi eq, %iota3A, %eq3A_1285 : vector<16xi32>
      %jit3A_1287 = arith.constant 0 : i32
      %broadcast_in_dim3A_1288 = vector.broadcast %jit3A_1287 : i32 to vector<16xi32>
      %select_n3A_1289 = arith.select %eq3A_1286, %masked_cumsum3A, %broadcast_in_dim3A_1288 : vector<16xi1>, vector<16xi32>
      %reduce_sum3A_1290 = arith.constant true
      %reduce_sum3A_1291 = vector.broadcast %reduce_sum3A_1290 : i1 to vector<16xi1>
      %reduce_sum3A_1292 = tpu.scan <sum>, %select_n3A_1289 masked %reduce_sum3A_1291 : vector<16xi32>, vector<16xi1> -> vector<16xi32>
      %reduce_sum3A_1293 = vector.extract %reduce_sum3A_1292[15] : i32 from vector<16xi32>
      %ge3A_1294 = vector.broadcast %reduce_sum3A_1293 : i32 to vector<16xi32>
      %ge3A_1295 = arith.cmpi sge, %mul3A_1212, %ge3A_1294 : vector<16xi32>
      %jit3A_1296 = arith.constant 1 : i32
      %jit3A_1297 = arith.constant 0 : i32
      %broadcast_in_dim3A_1298 = vector.broadcast %jit3A_1296 : i32 to vector<16xi32>
      %broadcast_in_dim3A_1299 = vector.broadcast %jit3A_1297 : i32 to vector<16xi32>
      %select_n3A_1300 = arith.select %ge3A_1295, %broadcast_in_dim3A_1298, %broadcast_in_dim3A_1299 : vector<16xi1>, vector<16xi32>
      %add3A_1301 = arith.addi %add3A_1283, %select_n3A_1300 : vector<16xi32>
      %eq3A_1302 = arith.constant 5 : i32
      %eq3A_1303 = vector.broadcast %eq3A_1302 : i32 to vector<16xi32>
      %eq3A_1304 = arith.cmpi eq, %iota3A, %eq3A_1303 : vector<16xi32>
      %jit3A_1305 = arith.constant 0 : i32
      %broadcast_in_dim3A_1306 = vector.broadcast %jit3A_1305 : i32 to vector<16xi32>
      %select_n3A_1307 = arith.select %eq3A_1304, %masked_cumsum3A, %broadcast_in_dim3A_1306 : vector<16xi1>, vector<16xi32>
      %reduce_sum3A_1308 = arith.constant true
      %reduce_sum3A_1309 = vector.broadcast %reduce_sum3A_1308 : i1 to vector<16xi1>
      %reduce_sum3A_1310 = tpu.scan <sum>, %select_n3A_1307 masked %reduce_sum3A_1309 : vector<16xi32>, vector<16xi1> -> vector<16xi32>
      %reduce_sum3A_1311 = vector.extract %reduce_sum3A_1310[15] : i32 from vector<16xi32>
      %ge3A_1312 = vector.broadcast %reduce_sum3A_1311 : i32 to vector<16xi32>
      %ge3A_1313 = arith.cmpi sge, %mul3A_1212, %ge3A_1312 : vector<16xi32>
      %jit3A_1314 = arith.constant 1 : i32
      %jit3A_1315 = arith.constant 0 : i32
      %broadcast_in_dim3A_1316 = vector.broadcast %jit3A_1314 : i32 to vector<16xi32>
      %broadcast_in_dim3A_1317 = vector.broadcast %jit3A_1315 : i32 to vector<16xi32>
      %select_n3A_1318 = arith.select %ge3A_1313, %broadcast_in_dim3A_1316, %broadcast_in_dim3A_1317 : vector<16xi1>, vector<16xi32>
      %add3A_1319 = arith.addi %add3A_1301, %select_n3A_1318 : vector<16xi32>
      %eq3A_1320 = arith.constant 6 : i32
      %eq3A_1321 = vector.broadcast %eq3A_1320 : i32 to vector<16xi32>
      %eq3A_1322 = arith.cmpi eq, %iota3A, %eq3A_1321 : vector<16xi32>
      %jit3A_1323 = arith.constant 0 : i32
      %broadcast_in_dim3A_1324 = vector.broadcast %jit3A_1323 : i32 to vector<16xi32>
      %select_n3A_1325 = arith.select %eq3A_1322, %masked_cumsum3A, %broadcast_in_dim3A_1324 : vector<16xi1>, vector<16xi32>
      %reduce_sum3A_1326 = arith.constant true
      %reduce_sum3A_1327 = vector.broadcast %reduce_sum3A_1326 : i1 to vector<16xi1>
      %reduce_sum3A_1328 = tpu.scan <sum>, %select_n3A_1325 masked %reduce_sum3A_1327 : vector<16xi32>, vector<16xi1> -> vector<16xi32>
      %reduce_sum3A_1329 = vector.extract %reduce_sum3A_1328[15] : i32 from vector<16xi32>
      %ge3A_1330 = vector.broadcast %reduce_sum3A_1329 : i32 to vector<16xi32>
      %ge3A_1331 = arith.cmpi sge, %mul3A_1212, %ge3A_1330 : vector<16xi32>
      %jit3A_1332 = arith.constant 1 : i32
      %jit3A_1333 = arith.constant 0 : i32
      %broadcast_in_dim3A_1334 = vector.broadcast %jit3A_1332 : i32 to vector<16xi32>
      %broadcast_in_dim3A_1335 = vector.broadcast %jit3A_1333 : i32 to vector<16xi32>
      %select_n3A_1336 = arith.select %ge3A_1331, %broadcast_in_dim3A_1334, %broadcast_in_dim3A_1335 : vector<16xi1>, vector<16xi32>
      %add3A_1337 = arith.addi %add3A_1319, %select_n3A_1336 : vector<16xi32>
      %eq3A_1338 = arith.constant 7 : i32
      %eq3A_1339 = vector.broadcast %eq3A_1338 : i32 to vector<16xi32>
      %eq3A_1340 = arith.cmpi eq, %iota3A, %eq3A_1339 : vector<16xi32>
      %jit3A_1341 = arith.constant 0 : i32
      %broadcast_in_dim3A_1342 = vector.broadcast %jit3A_1341 : i32 to vector<16xi32>
      %select_n3A_1343 = arith.select %eq3A_1340, %masked_cumsum3A, %broadcast_in_dim3A_1342 : vector<16xi1>, vector<16xi32>
      %reduce_sum3A_1344 = arith.constant true
      %reduce_sum3A_1345 = vector.broadcast %reduce_sum3A_1344 : i1 to vector<16xi1>
      %reduce_sum3A_1346 = tpu.scan <sum>, %select_n3A_1343 masked %reduce_sum3A_1345 : vector<16xi32>, vector<16xi1> -> vector<16xi32>
      %reduce_sum3A_1347 = vector.extract %reduce_sum3A_1346[15] : i32 from vector<16xi32>
      %ge3A_1348 = vector.broadcast %reduce_sum3A_1347 : i32 to vector<16xi32>
      %ge3A_1349 = arith.cmpi sge, %mul3A_1212, %ge3A_1348 : vector<16xi32>
      %jit3A_1350 = arith.constant 1 : i32
      %jit3A_1351 = arith.constant 0 : i32
      %broadcast_in_dim3A_1352 = vector.broadcast %jit3A_1350 : i32 to vector<16xi32>
      %broadcast_in_dim3A_1353 = vector.broadcast %jit3A_1351 : i32 to vector<16xi32>
      %select_n3A_1354 = arith.select %ge3A_1349, %broadcast_in_dim3A_1352, %broadcast_in_dim3A_1353 : vector<16xi1>, vector<16xi32>
      %add3A_1355 = arith.addi %add3A_1337, %select_n3A_1354 : vector<16xi32>
      %min3A = arith.constant 7 : i32
      %min3A_1356 = vector.broadcast %min3A : i32 to vector<16xi32>
      %min3A_1357 = arith.minsi %add3A_1355, %min3A_1356 : vector<16xi32>
      %reduce_sum3A_1358 = arith.constant true
      %reduce_sum3A_1359 = vector.broadcast %reduce_sum3A_1358 : i1 to vector<16xi1>
      %reduce_sum3A_1360 = tpu.scan <sum>, %mul3A_384 masked %reduce_sum3A_1359 : vector<16xi32>, vector<16xi1> -> vector<16xi32>
      %reduce_sum3A_1361 = vector.extract %reduce_sum3A_1360[15] : i32 from vector<16xi32>
      %jit3A_1362 = arith.constant 256 : i32
      %div3A_1363 = arith.divsi %reduce_sum3A_1361, %jit3A_1362 : i32
      %sign3A_1364 = arith.constant 0 : i32
      %sign3A_1365 = arith.cmpi sgt, %reduce_sum3A_1361, %sign3A_1364 : i32
      %sign3A_1366 = arith.extui %sign3A_1365 : i1 to i32
      %sign3A_1367 = arith.constant 0 : i32
      %sign3A_1368 = arith.cmpi slt, %reduce_sum3A_1361, %sign3A_1367 : i32
      %sign3A_1369 = arith.extui %sign3A_1368 : i1 to i32
      %sign3A_1370 = arith.subi %sign3A_1366, %sign3A_1369 : i32
      %sign3A_1371 = arith.constant 0 : i32
      %sign3A_1372 = arith.cmpi sgt, %jit3A_1362, %sign3A_1371 : i32
      %sign3A_1373 = arith.extui %sign3A_1372 : i1 to i32
      %sign3A_1374 = arith.constant 0 : i32
      %sign3A_1375 = arith.cmpi slt, %jit3A_1362, %sign3A_1374 : i32
      %sign3A_1376 = arith.extui %sign3A_1375 : i1 to i32
      %sign3A_1377 = arith.subi %sign3A_1373, %sign3A_1376 : i32
      %ne3A_1378 = arith.cmpi ne, %sign3A_1370, %sign3A_1377 : i32
      %rem3A_1379 = arith.remsi %reduce_sum3A_1361, %jit3A_1362 : i32
      %ne3A_1380 = arith.constant 0 : i32
      %ne3A_1381 = arith.cmpi ne, %rem3A_1379, %ne3A_1380 : i32
      %and3A_1382 = arith.andi %ne3A_1378, %ne3A_1381 : i1
      %sub3A_1383 = arith.constant 1 : i32
      %sub3A_1384 = arith.subi %div3A_1363, %sub3A_1383 : i32
      %select_n3A_1385 = arith.select %and3A_1382, %sub3A_1384, %div3A_1363 : i32
      %eq3A_1386 = arith.constant 15 : i32
      %eq3A_1387 = vector.broadcast %eq3A_1386 : i32 to vector<16xi32>
      %eq3A_1388 = arith.cmpi eq, %iota3A, %eq3A_1387 : vector<16xi32>
      %broadcast_in_dim3A_1389 = vector.broadcast %select_n3A_1385 : i32 to vector<16xi32>
      %select_n3A_1390 = arith.select %eq3A_1388, %broadcast_in_dim3A_1389, %min3A_1357 : vector<16xi1>, vector<16xi32>
      %swap3A_1391 = arith.constant 0 : index
      %swap3A_1392 = tpu.vector_load %arg13[%swap3A_1391] {strides = array<i32>} : memref<16xi32, #tpu.memory_space<vmem>>, vector<16xi32>,
      tpu.vector_store %arg13[%swap3A_1391], %select_n3A_1390 {strides = array<i32>} : memref<16xi32, #tpu.memory_space<vmem>>, vector<16xi32>,
      "tpu.region"() ({
        %run_scoped3A = tpu.sem_alloc : memref<!tpu.dma_semaphore, #tpu.memory_space<semaphore_mem>>
        tpu.enqueue_dma source(%arg13 : memref<16xi32, #tpu.memory_space<vmem>>) target(%arg7 : memref<16xi32, #tpu.memory_space<hbm>>) target_semaphore(%run_scoped3A : memref<!tpu.dma_semaphore, #tpu.memory_space<semaphore_mem>>)
        tpu.wait_dma2 semaphore(%run_scoped3A : memref<!tpu.dma_semaphore, #tpu.memory_space<semaphore_mem>>) src(%arg13 : memref<16xi32, #tpu.memory_space<vmem>>) dst(%arg7 : memref<16xi32, #tpu.memory_space<hbm>>)
        tpu.yield
      }) : () -> ()
    } else {
    }
    return
  }
}

module attributes {stable_mosaic.version = 14 : i64} {
  func.func @_router_body(%arg0: i32, %arg1: memref<128x1024xf32, #tpu.memory_space<vmem>>, %arg2: memref<1024x128xf32, #tpu.memory_space<vmem>>, %arg3: memref<128x1024xf32, #tpu.memory_space<vmem>>, %arg4: memref<1x1x128xi32, #tpu.memory_space<vmem>>, %arg5: memref<1x2x128xi32, #tpu.memory_space<vmem>>) attributes {dimension_semantics = [#tpu.dimension_semantics<arbitrary>], iteration_bounds = array<i64: 16>, scalar_prefetch = 0 : i64, scratch_operands = 0 : i64, tpu.core_type = #tpu.core_type<tc>, window_params = [{transform_indices = @transform_0, window_bounds = array<i64: 128, 1024>}, {pipeline_mode = #tpu.pipeline_mode<synchronous>, transform_indices = @transform_1, window_bounds = array<i64: 1024, 128>}, {transform_indices = @transform_2, window_bounds = array<i64: 128, 1024>}, {transform_indices = @transform_3, window_bounds = array<i64: 1, 1, 128>}, {transform_indices = @transform_4, window_bounds = array<i64: 1, 2, 128>}]} {
    %get3A = arith.constant 0 : index
    %get3A_0 = arith.constant 0 : index
    %get3A_1 = vector.load %arg1[%get3A, %get3A_0] : memref<128x1024xf32, #tpu.memory_space<vmem>>, vector<128x1024xf32>
    %get3A_2 = arith.constant 0 : index
    %get3A_3 = arith.constant 0 : index
    %get3A_4 = vector.load %arg2[%get3A_2, %get3A_3] : memref<1024x128xf32, #tpu.memory_space<vmem>>, vector<1024x128xf32>
    %dot_general3A = arith.constant dense<0.000000e+00> : vector<128x128xf32>
    %dot_general3A_5 = tpu.matmul %get3A_1, %get3A_4, %dot_general3A {dimension_numbers = #tpu.dot_dimension_numbers<[1], [0], [0], [1], [0, 0, 1, 1], [], []>, transpose_lhs_hint = false} : vector<128x1024xf32>, vector<1024x128xf32>, vector<128x128xf32> -> vector<128x128xf32>
    %iota3A = tpu.iota {dimensions = array<i32: 1>} : vector<128x128xi32>
    %broadcast_in_dim3A = arith.constant 0xFF800000 : f32
    %broadcast_in_dim3A_6 = vector.broadcast %broadcast_in_dim3A : f32 to vector<128x128xf32>
    %lt3A = arith.constant 8 : i32
    %lt3A_7 = vector.broadcast %lt3A : i32 to vector<128x128xi32>
    %lt3A_8 = arith.cmpi slt, %iota3A, %lt3A_7 : vector<128x128xi32>
    %select_n3A = arith.select %lt3A_8, %dot_general3A_5, %broadcast_in_dim3A_6 : vector<128x128xi1>, vector<128x128xf32>
    %reduce_max3A = arith.constant dense<0xFF800000> : vector<128xf32>
    %reduce_max3A_9 = vector.multi_reduction <maximumf>, %select_n3A, %reduce_max3A [1] : vector<128x128xf32> to vector<128xf32>
    %broadcast_in_dim3A_10 = vector.shape_cast %reduce_max3A_9 : vector<128xf32> to vector<128x1xf32>
    %eq3A = vector.broadcast %broadcast_in_dim3A_10 : vector<128x1xf32> to vector<128x128xf32>
    %eq3A_11 = arith.cmpf oeq, %select_n3A, %eq3A : vector<128x128xf32>
    %lt3A_12 = arith.constant 8 : i32
    %lt3A_13 = vector.broadcast %lt3A_12 : i32 to vector<128x128xi32>
    %lt3A_14 = arith.cmpi slt, %iota3A, %lt3A_13 : vector<128x128xi32>
    %and3A = arith.andi %eq3A_11, %lt3A_14 : vector<128x128xi1>
    %jit3A = arith.constant 127 : i32
    %broadcast_in_dim3A_15 = vector.broadcast %jit3A : i32 to vector<128x128xi32>
    %select_n3A_16 = arith.select %and3A, %iota3A, %broadcast_in_dim3A_15 : vector<128x128xi1>, vector<128x128xi32>
    %reduce_min3A = arith.constant dense<2147483647> : vector<128xi32>
    %reduce_min3A_17 = vector.multi_reduction <minsi>, %select_n3A_16, %reduce_min3A [1] : vector<128x128xi32> to vector<128xi32>
    %squeeze3A = vector.shape_cast %broadcast_in_dim3A_10 : vector<128x1xf32> to vector<128xf32>
    %logistic3A = arith.negf %squeeze3A : vector<128xf32>
    %logistic3A_18 = math.exp %logistic3A : vector<128xf32>
    %logistic3A_19 = arith.constant 1.000000e+00 : f32
    %logistic3A_20 = vector.broadcast %logistic3A_19 : f32 to vector<128xf32>
    %logistic3A_21 = arith.addf %logistic3A_20, %logistic3A_18 : vector<128xf32>
    %logistic3A_22 = arith.divf %logistic3A_20, %logistic3A_21 : vector<128xf32>
    %broadcast_in_dim3A_23 = vector.shape_cast %logistic3A_22 : vector<128xf32> to vector<128x1xf32>
    %mul3A = vector.broadcast %broadcast_in_dim3A_23 : vector<128x1xf32> to vector<128x1024xf32>
    %mul3A_24 = arith.mulf %get3A_1, %mul3A : vector<128x1024xf32>
    %swap3A = arith.constant 0 : index
    %swap3A_25 = arith.constant 0 : index
    %swap3A_26 = vector.load %arg3[%swap3A, %swap3A_25] : memref<128x1024xf32, #tpu.memory_space<vmem>>, vector<128x1024xf32>
    tpu.vector_store %arg3[%swap3A, %swap3A_25], %mul3A_24 {strides = array<i32>} : memref<128x1024xf32, #tpu.memory_space<vmem>>, vector<128x1024xf32>,
    %swap3A_27 = arith.constant 0 : index
    %swap3A_28 = arith.constant 0 : index
    %swap3A_29 = arith.constant 0 : index
    %swap3A_30 = vector.load %arg4[%swap3A_27, %swap3A_28, %swap3A_29] : memref<1x1x128xi32, #tpu.memory_space<vmem>>, vector<1x1x128xi32>
    %swap3A_31 = vector.shape_cast %swap3A_30 : vector<1x1x128xi32> to vector<128xi32>
    %swap3A_32 = vector.shape_cast %reduce_min3A_17 : vector<128xi32> to vector<1x1x128xi32>
    tpu.vector_store %arg4[%swap3A_27, %swap3A_28, %swap3A_29], %swap3A_32 {strides = array<i32>} : memref<1x1x128xi32, #tpu.memory_space<vmem>>, vector<1x1x128xi32>,
    %broadcast_in_dim3A_33 = vector.shape_cast %reduce_min3A_17 : vector<128xi32> to vector<128x1xi32>
    %eq3A_34 = vector.broadcast %broadcast_in_dim3A_33 : vector<128x1xi32> to vector<128x128xi32>
    %eq3A_35 = arith.cmpi eq, %iota3A, %eq3A_34 : vector<128x128xi32>
    %convert_element_type3A = arith.extui %eq3A_35 : vector<128x128xi1> to vector<128x128xi32>
    %slice3A = vector.extract_strided_slice %convert_element_type3A {offsets = [0, 0], sizes = [64, 128], strides = [1, 1]} : vector<128x128xi32> to vector<64x128xi32>
    %reduce_sum3A = arith.constant dense<0> : vector<128xi32>
    %reduce_sum3A_36 = vector.multi_reduction <add>, %slice3A, %reduce_sum3A [0] : vector<64x128xi32> to vector<128xi32>
    %swap3A_37 = arith.constant 0 : index
    %swap3A_38 = arith.constant 0 : index
    %swap3A_39 = arith.constant 0 : index
    %swap3A_40 = vector.load %arg5[%swap3A_37, %swap3A_38, %swap3A_39] : memref<1x2x128xi32, #tpu.memory_space<vmem>>, vector<1x1x128xi32>
    %swap3A_41 = vector.shape_cast %swap3A_40 : vector<1x1x128xi32> to vector<128xi32>
    %swap3A_42 = vector.shape_cast %reduce_sum3A_36 : vector<128xi32> to vector<1x1x128xi32>
    tpu.vector_store %arg5[%swap3A_37, %swap3A_38, %swap3A_39], %swap3A_42 {strides = array<i32>} : memref<1x2x128xi32, #tpu.memory_space<vmem>>, vector<1x1x128xi32>,
    %slice3A_43 = vector.extract_strided_slice %convert_element_type3A {offsets = [64, 0], sizes = [64, 128], strides = [1, 1]} : vector<128x128xi32> to vector<64x128xi32>
    %reduce_sum3A_44 = arith.constant dense<0> : vector<128xi32>
    %reduce_sum3A_45 = vector.multi_reduction <add>, %slice3A_43, %reduce_sum3A_44 [0] : vector<64x128xi32> to vector<128xi32>
    %swap3A_46 = arith.constant 0 : index
    %swap3A_47 = arith.constant 1 : index
    %swap3A_48 = arith.constant 0 : index
    %swap3A_49 = vector.load %arg5[%swap3A_46, %swap3A_47, %swap3A_48] : memref<1x2x128xi32, #tpu.memory_space<vmem>>, vector<1x1x128xi32>
    %swap3A_50 = vector.shape_cast %swap3A_49 : vector<1x1x128xi32> to vector<128xi32>
    %swap3A_51 = vector.shape_cast %reduce_sum3A_45 : vector<128xi32> to vector<1x1x128xi32>
    tpu.vector_store %arg5[%swap3A_46, %swap3A_47, %swap3A_48], %swap3A_51 {strides = array<i32>} : memref<1x2x128xi32, #tpu.memory_space<vmem>>, vector<1x1x128xi32>,
    return
  }
  func.func @transform_0(%arg0: i32) -> (i32, i32) {
    %c0_i32 = arith.constant 0 : i32
    %c0_i32_0 = arith.constant 0 : i32
    return %arg0, %c0_i32 : i32, i32
  }
  func.func @transform_1(%arg0: i32) -> (i32, i32) {
    %c0_i32 = arith.constant 0 : i32
    %c0_i32_0 = arith.constant 0 : i32
    %c0_i32_1 = arith.constant 0 : i32
    return %c0_i32, %c0_i32_0 : i32, i32
  }
  func.func @transform_2(%arg0: i32) -> (i32, i32) {
    %c0_i32 = arith.constant 0 : i32
    %c0_i32_0 = arith.constant 0 : i32
    return %arg0, %c0_i32 : i32, i32
  }
  func.func @transform_3(%arg0: i32) -> (i32, i32, i32) {
    %c0_i32 = arith.constant 0 : i32
    %c0_i32_0 = arith.constant 0 : i32
    %c0_i32_1 = arith.constant 0 : i32
    return %arg0, %c0_i32, %c0_i32_0 : i32, i32, i32
  }
  func.func @transform_4(%arg0: i32) -> (i32, i32, i32) {
    %c0_i32 = arith.constant 0 : i32
    %c0_i32_0 = arith.constant 0 : i32
    %c0_i32_1 = arith.constant 0 : i32
    return %arg0, %c0_i32, %c0_i32_0 : i32, i32, i32
  }
}

module attributes {stable_mosaic.version = 14 : i64} {
  func.func @_experts_body(%arg0: i32, %arg1: i32, %arg2: memref<16xi32, #tpu.memory_space<smem>>, %arg3: memref<3840x1024xf32, #tpu.memory_space<vmem>>, %arg4: memref<1x1024x512xf32, #tpu.memory_space<vmem>>, %arg5: memref<1x1024x512xf32, #tpu.memory_space<vmem>>, %arg6: memref<1x512x1024xf32, #tpu.memory_space<vmem>>, %arg7: memref<3840x1024xf32, #tpu.memory_space<vmem>>) attributes {dimension_semantics = [#tpu.dimension_semantics<arbitrary>, #tpu.dimension_semantics<arbitrary>], iteration_bounds = array<i64: 8, 15>, scalar_prefetch = 1 : i64, scratch_operands = 0 : i64, tpu.core_type = #tpu.core_type<tc>, window_params = [{pipeline_mode = #tpu.pipeline_mode<synchronous>, transform_indices = @transform_0, window_bounds = array<i64: 3840, 1024>}, {transform_indices = @transform_1, window_bounds = array<i64: 1, 1024, 512>}, {transform_indices = @transform_2, window_bounds = array<i64: 1, 1024, 512>}, {transform_indices = @transform_3, window_bounds = array<i64: 1, 512, 1024>}, {pipeline_mode = #tpu.pipeline_mode<synchronous>, transform_indices = @transform_4, window_bounds = array<i64: 3840, 1024>}]} {
    %get3A = arith.constant 15 : index
    %get3A_0 = memref.load %arg2[%get3A] : memref<16xi32, #tpu.memory_space<smem>>
    %lt3A = arith.cmpi slt, %arg1, %get3A_0 : i32
    %convert_element_type3A = arith.extui %lt3A : i1 to i32
    %cond3A = arith.constant 0 : i32
    %cond3A_1 = arith.cmpi ne, %convert_element_type3A, %cond3A : i32
    scf.if %cond3A_1 {
      %mul3A = arith.constant 256 : i32
      %mul3A_2 = arith.muli %arg1, %mul3A : i32
      %get3A_3 = arith.index_cast %mul3A_2 : i32 to index
      %get3A_4 = arith.constant 0 : index
      %get3A_5 = vector.load %arg3[%get3A_3, %get3A_4] : memref<3840x1024xf32, #tpu.memory_space<vmem>>, vector<256x1024xf32>
      %convert_element_type3A_6 = arith.truncf %get3A_5 : vector<256x1024xf32> to vector<256x1024xbf16>
      %get3A_7 = arith.constant 0 : index
      %get3A_8 = arith.constant 0 : index
      %get3A_9 = arith.constant 0 : index
      %get3A_10 = vector.load %arg4[%get3A_7, %get3A_8, %get3A_9] : memref<1x1024x512xf32, #tpu.memory_space<vmem>>, vector<1x1024x512xf32>
      %get3A_11 = vector.shape_cast %get3A_10 : vector<1x1024x512xf32> to vector<1024x512xf32>
      %convert_element_type3A_12 = arith.truncf %get3A_11 : vector<1024x512xf32> to vector<1024x512xbf16>
      %get3A_13 = arith.constant 0 : index
      %get3A_14 = arith.constant 0 : index
      %get3A_15 = arith.constant 0 : index
      %get3A_16 = vector.load %arg5[%get3A_13, %get3A_14, %get3A_15] : memref<1x1024x512xf32, #tpu.memory_space<vmem>>, vector<1x1024x512xf32>
      %get3A_17 = vector.shape_cast %get3A_16 : vector<1x1024x512xf32> to vector<1024x512xf32>
      %convert_element_type3A_18 = arith.truncf %get3A_17 : vector<1024x512xf32> to vector<1024x512xbf16>
      %dot_general3A = arith.constant dense<0.000000e+00> : vector<256x512xf32>
      %dot_general3A_19 = tpu.matmul %convert_element_type3A_6, %convert_element_type3A_12, %dot_general3A {dimension_numbers = #tpu.dot_dimension_numbers<[1], [0], [0], [1], [0, 0, 1, 1], [], []>, transpose_lhs_hint = false} : vector<256x1024xbf16>, vector<1024x512xbf16>, vector<256x512xf32> -> vector<256x512xf32>
      %dot_general3A_20 = arith.constant dense<0.000000e+00> : vector<256x512xf32>
      %dot_general3A_21 = tpu.matmul %convert_element_type3A_6, %convert_element_type3A_18, %dot_general3A_20 {dimension_numbers = #tpu.dot_dimension_numbers<[1], [0], [0], [1], [0, 0, 1, 1], [], []>, transpose_lhs_hint = false} : vector<256x1024xbf16>, vector<1024x512xbf16>, vector<256x512xf32> -> vector<256x512xf32>
      %logistic3A = arith.negf %dot_general3A_19 : vector<256x512xf32>
      %logistic3A_22 = math.exp %logistic3A : vector<256x512xf32>
      %logistic3A_23 = arith.constant 1.000000e+00 : f32
      %logistic3A_24 = vector.broadcast %logistic3A_23 : f32 to vector<256x512xf32>
      %logistic3A_25 = arith.addf %logistic3A_24, %logistic3A_22 : vector<256x512xf32>
      %logistic3A_26 = arith.divf %logistic3A_24, %logistic3A_25 : vector<256x512xf32>
      %mul3A_27 = arith.mulf %dot_general3A_19, %logistic3A_26 : vector<256x512xf32>
      %mul3A_28 = arith.mulf %mul3A_27, %dot_general3A_21 : vector<256x512xf32>
      %convert_element_type3A_29 = arith.truncf %mul3A_28 : vector<256x512xf32> to vector<256x512xbf16>
      %get3A_30 = arith.constant 0 : index
      %get3A_31 = arith.constant 0 : index
      %get3A_32 = arith.constant 0 : index
      %get3A_33 = vector.load %arg6[%get3A_30, %get3A_31, %get3A_32] : memref<1x512x1024xf32, #tpu.memory_space<vmem>>, vector<1x512x1024xf32>
      %get3A_34 = vector.shape_cast %get3A_33 : vector<1x512x1024xf32> to vector<512x1024xf32>
      %convert_element_type3A_35 = arith.truncf %get3A_34 : vector<512x1024xf32> to vector<512x1024xbf16>
      %dot_general3A_36 = arith.constant dense<0.000000e+00> : vector<256x1024xf32>
      %dot_general3A_37 = tpu.matmul %convert_element_type3A_29, %convert_element_type3A_35, %dot_general3A_36 {dimension_numbers = #tpu.dot_dimension_numbers<[1], [0], [0], [1], [0, 0, 1, 1], [], []>, transpose_lhs_hint = false} : vector<256x512xbf16>, vector<512x1024xbf16>, vector<256x1024xf32> -> vector<256x1024xf32>
      %eq3A = arith.constant 0 : i32
      %eq3A_38 = arith.cmpi eq, %arg0, %eq3A : i32
      %convert_element_type3A_39 = arith.extui %eq3A_38 : i1 to i32
      %cond3A_40 = arith.constant 0 : i32
      %cond3A_41 = arith.cmpi ne, %convert_element_type3A_39, %cond3A_40 : i32
      scf.if %cond3A_41 {
        %swap3A = arith.index_cast %mul3A_2 : i32 to index
        %swap3A_46 = arith.constant 0 : index
        %swap3A_47 = vector.load %arg7[%swap3A, %swap3A_46] : memref<3840x1024xf32, #tpu.memory_space<vmem>>, vector<256x1024xf32>
        tpu.vector_store %arg7[%swap3A, %swap3A_46], %dot_general3A_37 {strides = array<i32>} : memref<3840x1024xf32, #tpu.memory_space<vmem>>, vector<256x1024xf32>,
      } else {
      }
      %gt3A = arith.constant 0 : i32
      %gt3A_42 = arith.cmpi sgt, %arg0, %gt3A : i32
      %convert_element_type3A_43 = arith.extui %gt3A_42 : i1 to i32
      %cond3A_44 = arith.constant 0 : i32
      %cond3A_45 = arith.cmpi ne, %convert_element_type3A_43, %cond3A_44 : i32
      scf.if %cond3A_45 {
        %get3A_46 = arith.index_cast %mul3A_2 : i32 to index
        %get3A_47 = arith.constant 0 : index
        %get3A_48 = vector.load %arg7[%get3A_46, %get3A_47] : memref<3840x1024xf32, #tpu.memory_space<vmem>>, vector<256x1024xf32>
        %add3A = arith.addf %get3A_48, %dot_general3A_37 : vector<256x1024xf32>
        %swap3A = arith.index_cast %mul3A_2 : i32 to index
        %swap3A_49 = arith.constant 0 : index
        %swap3A_50 = vector.load %arg7[%swap3A, %swap3A_49] : memref<3840x1024xf32, #tpu.memory_space<vmem>>, vector<256x1024xf32>
        tpu.vector_store %arg7[%swap3A, %swap3A_49], %add3A {strides = array<i32>} : memref<3840x1024xf32, #tpu.memory_space<vmem>>, vector<256x1024xf32>,
      } else {
      }
    } else {
    }
    return
  }
  func.func @transform_0(%arg0: i32, %arg1: i32, %arg2: memref<16xi32, #tpu.memory_space<smem>>) -> (i32, i32) {
    %c0_i32 = arith.constant 0 : i32
    %c0_i32_0 = arith.constant 0 : i32
    %c0_i32_1 = arith.constant 0 : i32
    return %c0_i32, %c0_i32_0 : i32, i32
  }
  func.func @transform_1(%arg0: i32, %arg1: i32, %arg2: memref<16xi32, #tpu.memory_space<smem>>) -> (i32, i32, i32) {
    %get3A = arith.index_cast %arg1 : i32 to index
    %get3A_0 = memref.load %arg2[%get3A] : memref<16xi32, #tpu.memory_space<smem>>
    %c0_i32 = arith.constant 0 : i32
    %c0_i32_1 = arith.constant 0 : i32
    return %get3A_0, %c0_i32, %arg0 : i32, i32, i32
  }
  func.func @transform_2(%arg0: i32, %arg1: i32, %arg2: memref<16xi32, #tpu.memory_space<smem>>) -> (i32, i32, i32) {
    %get3A = arith.index_cast %arg1 : i32 to index
    %get3A_0 = memref.load %arg2[%get3A] : memref<16xi32, #tpu.memory_space<smem>>
    %c0_i32 = arith.constant 0 : i32
    %c0_i32_1 = arith.constant 0 : i32
    return %get3A_0, %c0_i32, %arg0 : i32, i32, i32
  }
  func.func @transform_3(%arg0: i32, %arg1: i32, %arg2: memref<16xi32, #tpu.memory_space<smem>>) -> (i32, i32, i32) {
    %get3A = arith.index_cast %arg1 : i32 to index
    %get3A_0 = memref.load %arg2[%get3A] : memref<16xi32, #tpu.memory_space<smem>>
    %c0_i32 = arith.constant 0 : i32
    %c0_i32_1 = arith.constant 0 : i32
    return %get3A_0, %arg0, %c0_i32 : i32, i32, i32
  }
  func.func @transform_4(%arg0: i32, %arg1: i32, %arg2: memref<16xi32, #tpu.memory_space<smem>>) -> (i32, i32) {
    %c0_i32 = arith.constant 0 : i32
    %c0_i32_0 = arith.constant 0 : i32
    %c0_i32_1 = arith.constant 0 : i32
    return %c0_i32, %c0_i32_0 : i32, i32
  }
}

module attributes {stable_mosaic.version = 14 : i64} {
  func.func @_shared_body(%arg0: i32, %arg1: memref<2048x1024xf32, #tpu.memory_space<vmem>>, %arg2: memref<1024x512xf32, #tpu.memory_space<vmem>>, %arg3: memref<1024x512xf32, #tpu.memory_space<vmem>>, %arg4: memref<512x1024xf32, #tpu.memory_space<vmem>>, %arg5: memref<2048x1024xf32, #tpu.memory_space<vmem>>, %arg6: memref<2048x1024xf32, #tpu.memory_space<vmem>>) attributes {dimension_semantics = [#tpu.dimension_semantics<arbitrary>], iteration_bounds = array<i64: 8>, scalar_prefetch = 0 : i64, scratch_operands = 0 : i64, tpu.core_type = #tpu.core_type<tc>, window_params = [{pipeline_mode = #tpu.pipeline_mode<synchronous>, transform_indices = @transform_0, window_bounds = array<i64: 2048, 1024>}, {transform_indices = @transform_1, window_bounds = array<i64: 1024, 512>}, {transform_indices = @transform_2, window_bounds = array<i64: 1024, 512>}, {transform_indices = @transform_3, window_bounds = array<i64: 512, 1024>}, {pipeline_mode = #tpu.pipeline_mode<synchronous>, transform_indices = @transform_4, window_bounds = array<i64: 2048, 1024>}, {pipeline_mode = #tpu.pipeline_mode<synchronous>, transform_indices = @transform_5, window_bounds = array<i64: 2048, 1024>}]} {
    %get3A = arith.constant 0 : index
    %get3A_0 = arith.constant 0 : index
    %get3A_1 = vector.load %arg1[%get3A, %get3A_0] : memref<2048x1024xf32, #tpu.memory_space<vmem>>, vector<2048x1024xf32>
    %convert_element_type3A = arith.truncf %get3A_1 : vector<2048x1024xf32> to vector<2048x1024xbf16>
    %get3A_2 = arith.constant 0 : index
    %get3A_3 = arith.constant 0 : index
    %get3A_4 = vector.load %arg2[%get3A_2, %get3A_3] : memref<1024x512xf32, #tpu.memory_space<vmem>>, vector<1024x512xf32>
    %convert_element_type3A_5 = arith.truncf %get3A_4 : vector<1024x512xf32> to vector<1024x512xbf16>
    %get3A_6 = arith.constant 0 : index
    %get3A_7 = arith.constant 0 : index
    %get3A_8 = vector.load %arg3[%get3A_6, %get3A_7] : memref<1024x512xf32, #tpu.memory_space<vmem>>, vector<1024x512xf32>
    %convert_element_type3A_9 = arith.truncf %get3A_8 : vector<1024x512xf32> to vector<1024x512xbf16>
    %dot_general3A = arith.constant dense<0.000000e+00> : vector<2048x512xf32>
    %dot_general3A_10 = tpu.matmul %convert_element_type3A, %convert_element_type3A_5, %dot_general3A {dimension_numbers = #tpu.dot_dimension_numbers<[1], [0], [0], [1], [0, 0, 1, 1], [], []>, transpose_lhs_hint = false} : vector<2048x1024xbf16>, vector<1024x512xbf16>, vector<2048x512xf32> -> vector<2048x512xf32>
    %dot_general3A_11 = arith.constant dense<0.000000e+00> : vector<2048x512xf32>
    %dot_general3A_12 = tpu.matmul %convert_element_type3A, %convert_element_type3A_9, %dot_general3A_11 {dimension_numbers = #tpu.dot_dimension_numbers<[1], [0], [0], [1], [0, 0, 1, 1], [], []>, transpose_lhs_hint = false} : vector<2048x1024xbf16>, vector<1024x512xbf16>, vector<2048x512xf32> -> vector<2048x512xf32>
    %logistic3A = arith.negf %dot_general3A_10 : vector<2048x512xf32>
    %logistic3A_13 = math.exp %logistic3A : vector<2048x512xf32>
    %logistic3A_14 = arith.constant 1.000000e+00 : f32
    %logistic3A_15 = vector.broadcast %logistic3A_14 : f32 to vector<2048x512xf32>
    %logistic3A_16 = arith.addf %logistic3A_15, %logistic3A_13 : vector<2048x512xf32>
    %logistic3A_17 = arith.divf %logistic3A_15, %logistic3A_16 : vector<2048x512xf32>
    %mul3A = arith.mulf %dot_general3A_10, %logistic3A_17 : vector<2048x512xf32>
    %mul3A_18 = arith.mulf %mul3A, %dot_general3A_12 : vector<2048x512xf32>
    %convert_element_type3A_19 = arith.truncf %mul3A_18 : vector<2048x512xf32> to vector<2048x512xbf16>
    %get3A_20 = arith.constant 0 : index
    %get3A_21 = arith.constant 0 : index
    %get3A_22 = vector.load %arg4[%get3A_20, %get3A_21] : memref<512x1024xf32, #tpu.memory_space<vmem>>, vector<512x1024xf32>
    %convert_element_type3A_23 = arith.truncf %get3A_22 : vector<512x1024xf32> to vector<512x1024xbf16>
    %dot_general3A_24 = arith.constant dense<0.000000e+00> : vector<2048x1024xf32>
    %dot_general3A_25 = tpu.matmul %convert_element_type3A_19, %convert_element_type3A_23, %dot_general3A_24 {dimension_numbers = #tpu.dot_dimension_numbers<[1], [0], [0], [1], [0, 0, 1, 1], [], []>, transpose_lhs_hint = false} : vector<2048x512xbf16>, vector<512x1024xbf16>, vector<2048x1024xf32> -> vector<2048x1024xf32>
    %eq3A = arith.constant 0 : i32
    %eq3A_26 = arith.cmpi eq, %arg0, %eq3A : i32
    %convert_element_type3A_27 = arith.extui %eq3A_26 : i1 to i32
    %cond3A = arith.constant 0 : i32
    %cond3A_28 = arith.cmpi ne, %convert_element_type3A_27, %cond3A : i32
    scf.if %cond3A_28 {
      %get3A_33 = arith.constant 0 : index
      %get3A_34 = arith.constant 0 : index
      %get3A_35 = vector.load %arg5[%get3A_33, %get3A_34] : memref<2048x1024xf32, #tpu.memory_space<vmem>>, vector<2048x1024xf32>
      %add3A = arith.addf %dot_general3A_25, %get3A_35 : vector<2048x1024xf32>
      %swap3A = arith.constant 0 : index
      %swap3A_36 = arith.constant 0 : index
      %swap3A_37 = vector.load %arg6[%swap3A, %swap3A_36] : memref<2048x1024xf32, #tpu.memory_space<vmem>>, vector<2048x1024xf32>
      tpu.vector_store %arg6[%swap3A, %swap3A_36], %add3A {strides = array<i32>} : memref<2048x1024xf32, #tpu.memory_space<vmem>>, vector<2048x1024xf32>,
    } else {
    }
    %gt3A = arith.constant 0 : i32
    %gt3A_29 = arith.cmpi sgt, %arg0, %gt3A : i32
    %convert_element_type3A_30 = arith.extui %gt3A_29 : i1 to i32
    %cond3A_31 = arith.constant 0 : i32
    %cond3A_32 = arith.cmpi ne, %convert_element_type3A_30, %cond3A_31 : i32
    scf.if %cond3A_32 {
      %get3A_33 = arith.constant 0 : index
      %get3A_34 = arith.constant 0 : index
      %get3A_35 = vector.load %arg6[%get3A_33, %get3A_34] : memref<2048x1024xf32, #tpu.memory_space<vmem>>, vector<2048x1024xf32>
      %add3A = arith.addf %get3A_35, %dot_general3A_25 : vector<2048x1024xf32>
      %swap3A = arith.constant 0 : index
      %swap3A_36 = arith.constant 0 : index
      %swap3A_37 = vector.load %arg6[%swap3A, %swap3A_36] : memref<2048x1024xf32, #tpu.memory_space<vmem>>, vector<2048x1024xf32>
      tpu.vector_store %arg6[%swap3A, %swap3A_36], %add3A {strides = array<i32>} : memref<2048x1024xf32, #tpu.memory_space<vmem>>, vector<2048x1024xf32>,
    } else {
    }
    return
  }
  func.func @transform_0(%arg0: i32) -> (i32, i32) {
    %c0_i32 = arith.constant 0 : i32
    %c0_i32_0 = arith.constant 0 : i32
    %c0_i32_1 = arith.constant 0 : i32
    return %c0_i32, %c0_i32_0 : i32, i32
  }
  func.func @transform_1(%arg0: i32) -> (i32, i32) {
    %c0_i32 = arith.constant 0 : i32
    %c0_i32_0 = arith.constant 0 : i32
    return %c0_i32, %arg0 : i32, i32
  }
  func.func @transform_2(%arg0: i32) -> (i32, i32) {
    %c0_i32 = arith.constant 0 : i32
    %c0_i32_0 = arith.constant 0 : i32
    return %c0_i32, %arg0 : i32, i32
  }
  func.func @transform_3(%arg0: i32) -> (i32, i32) {
    %c0_i32 = arith.constant 0 : i32
    %c0_i32_0 = arith.constant 0 : i32
    return %arg0, %c0_i32 : i32, i32
  }
  func.func @transform_4(%arg0: i32) -> (i32, i32) {
    %c0_i32 = arith.constant 0 : i32
    %c0_i32_0 = arith.constant 0 : i32
    %c0_i32_1 = arith.constant 0 : i32
    return %c0_i32, %c0_i32_0 : i32, i32
  }
  func.func @transform_5(%arg0: i32) -> (i32, i32) {
    %c0_i32 = arith.constant 0 : i32
    %c0_i32_0 = arith.constant 0 : i32
    %c0_i32_1 = arith.constant 0 : i32
    return %c0_i32, %c0_i32_0 : i32, i32
  }
}

</mosaic_0001>

<sc_bundles>
// kernel: kernel.10.cloned.1.call-start
scs
__scs_entry_jumppad:
0x0: {  	(pc) =	sbr.rel $0x88, $3  }
0x1: {  	(tag) =	ssettag $0x0;
	lr =	simm.s32 $0x1  }
0x2: {  	[smem:$0x3F99] =	sst lr;
	_ =	strace $0xD0000000  }
0x3: {  	_ = 	snop  }
0x4: {  	_ = 	snop  }
0x5: {  	_ = 	snop  }
0x6: {  	_ = 	snop  }
0x7: {  	_ = 	snop  }
__scs_overlays_trampoline_lowered:
0x8: {  	[smem:$0x3FA8] =	sst s0  }
0x9: {  	[smem:$0x3FA9] =	sst s1  }
0xa: {  	[smem:$0x3FAA] =	sst s2  }
0xb: {  	[smem:$0x3FAB] =	sst s3  }
0xc: {  	[smem:$0x3FAC] =	sst s4  }
0xd: {  	[smem:$0x3FAD] =	sst s5  }
0xe: {  	[smem:$0x3FAE] =	sst s6  }
0xf: {  	[smem:$0x3FAF] =	sst s7  }
0x10: {  	[smem:$0x3FB0] =	sst s8  }
0x11: {  	[smem:$0x3FB1] =	sst s9;
	s0 =	simm.s32 @!p0 $0x0  }
0x12: {  	s1 =	sld [smem:$0x3F97];
	s0 =	simm.s32 @p0 $0x1  }
0x13: {  	[smem:$0x3FB2] =	sst s0;
	s0 =	simm.s32 @!p1 $0x0  }
0x14: {  	s2 =	sld [smem:$0x3F96];
	s0 =	simm.s32 @p1 $0x1  }
0x15: {  	[smem:$0x3FB3] =	sst s0;
	s0 =	simm.s32 @!p2 $0x0  }
0x16: {  	s3 =	sld [smem:$0x3FDB];
	s0 =	simm.s32 @p2 $0x1  }
0x17: {  	s4 =	simm.s32 $0x1BF5;
	[smem:$0x3FB5] =	sst s0  }
0x18: {  	s0 =	sld [smem:$0x3F98];
	_ =	swait.ge [sflag:s4], $0x0  }
0x19: {  	s7 =	sld [smem:$0x3F99]  }
0x1a: {  	s8 =	sadd.s32 $0xFFFFE003, lr  }
0x1b: {  	s9 =	sadd.s32 $0xFFFFFEF7, lr;
	s5 =	simm.s32 $0xFFFFFFFF;
	p2 =	slt.u32 s8, $0xFFFFF086  }
0x1c: {  	p1 =	slt.u32 s9, $0xF7A;
	s5 =	simm.s32 @!p2 $0x0  }
0x1d: {  	s5 =	simm.s32 @p1 $0x1;
	p0 =	seq.s32 s7, s2  }
0x1e: {  	s7 =	smul.u32 @!p0 $0xF7A, s2;
	p2 =	seq.s32 @!p0 s5, $0x0  }
0x1f: {  	s9 =	smul.u32 $0xF7A, s1;
	s8 =	simm.s32 @!p0 $0x1BF5;
	p2 =	por !p2, p0  }
0x20: {  	[sflag:s8] =	ssyncset.s32 @!p0 $0xFFFFF086;
	s6 =	sadd.s32 @!p0 s3, s7;
	s7 =	simm.s32 @!p0 $0x108  }
0x21: {  	s3 =	sadd.s32 s3, s9;
	s6 =	sadd.s32 @!p0 $0x88, s6;
	s7 =	simm.s32 @p2 $0x1082  }
0x22: {  	[simem:s7], [sflag:s8] =	dma.local @!p0 [hbm:s6], $0xF7A  }
0x23: {  	s9 =	sor.u32 $0xD0000000, s2;
	s6 =	simm.s32 $0x108;
	_ =	swait.ge @!p0 [sflag:s8], $0x0  }
0x24: {  	s3 =	sadd.s32 $0x88, s3;
	s6 =	simm.s32 @!p1 $0x1082;
	[sflag:s4] =	ssyncset.s32 $0xFFFFF086  }
0x25: {  	[simem:s6], [sflag:s4] =	dma.local [hbm:s3], $0xF7A  }
0x26: {  	[smem:$0x3F99] =	sst s1;
	(tag) =	ssettag s2;
	_ =	strace s9  }
0x27: {  	s1 =	sld [smem:$0x3FA9]  }
0x28: {  	s2 =	sld [smem:$0x3FAA]  }
0x29: {  	s4 =	sld [smem:$0x3FAC]  }
0x2a: {  	p0 =	seq.s32 s5, $0x0;
	s5 =	sld [smem:$0x3FAD]  }
0x2b: {  	s6 =	sld [smem:$0x3FAE]  }
0x2c: {  	s7 =	sld [smem:$0x3FAF]  }
0x2d: {  	s3 =	simm.s32 $0x108;
	s8 =	sld [smem:$0x3FB0]  }
0x2e: {  	s3 =	simm.s32 @!p0 $0x1082;
	s9 =	sld [smem:$0x3FB1]  }
0x2f: {  	lr =	sadd.s32 s0, s3;
	s0 =	sld [smem:$0x3FA8]  }
0x30: {  	s3 =	sld [smem:$0x3FAB]  }
0x31: {  	[smem:$0x3FB4] =	sst s10  }
0x32: {  	s10 =	sld [smem:$0x3FB2];
	_ =	sdelay $0x3  }
0x33: {  	p0 =	seq.s32 s10, $0x1;
	s10 =	sld [smem:$0x3FB4];
	_ =	sdelay $0x3  }
0x34: {  	[smem:$0x3FB4] =	sst s10  }
0x35: {  	s10 =	sld [smem:$0x3FB3];
	_ =	sdelay $0x3  }
0x36: {  	p1 =	seq.s32 s10, $0x1;
	s10 =	sld [smem:$0x3FB4];
	_ =	sdelay $0x3  }
0x37: {  	[smem:$0x3FB4] =	sst s10  }
0x38: {  	s10 =	sld [smem:$0x3FB5]  }
0x39: {  	_ = 	snop;
	(pc) =	sbr.ind lr, $3  }
0x3a: {  	_ = 	snop  }
0x3b: {  	_ = 	snop  }
0x3c: {  	p2 =	seq.s32 s10, $0x1;
	s10 =	sld [smem:$0x3FB4]  }
0x3d: {  	_ =	shalt  }
0x3e: {  	_ =	shalt  }
0x3f: {  	_ =	shalt  }
0x40: {  	_ =	shalt  }
0x41: {  	_ =	shalt  }
0x42: {  	_ =	shalt  }
0x43: {  	_ =	shalt  }
0x44: {  	_ =	shalt  }
0x45: {  	_ =	shalt  }
0x46: {  	_ =	shalt  }
0x47: {  	_ =	shalt  }
0x48: {  	_ =	shalt  }
0x49: {  	_ =	shalt  }
0x4a: {  	_ =	shalt  }
0x4b: {  	_ =	shalt  }
0x4c: {  	_ =	shalt  }
0x4d: {  	_ =	shalt  }
0x4e: {  	_ =	shalt  }
0x4f: {  	_ =	shalt  }
0x50: {  	_ =	shalt  }
0x51: {  	_ =	shalt  }
0x52: {  	_ =	shalt  }
0x53: {  	_ =	shalt  }
0x54: {  	_ =	shalt  }
0x55: {  	_ =	shalt  }
0x56: {  	_ =	shalt  }
0x57: {  	_ =	shalt  }
0x58: {  	_ =	shalt  }
0x59: {  	_ =	shalt  }
0x5a: {  	_ =	shalt  }
0x5b: {  	_ =	shalt  }
0x5c: {  	_ =	shalt  }
0x5d: {  	_ =	shalt  }
0x5e: {  	_ =	shalt  }
0x5f: {  	_ =	shalt  }
0x60: {  	_ =	shalt  }
0x61: {  	_ =	shalt  }
0x62: {  	_ =	shalt  }
0x63: {  	_ =	shalt  }
0x64: {  	_ =	shalt  }
0x65: {  	_ =	shalt  }
0x66: {  	_ =	shalt  }
0x67: {  	_ =	shalt  }
0x68: {  	_ =	shalt  }
0x69: {  	_ =	shalt  }
0x6a: {  	_ =	shalt  }
0x6b: {  	_ =	shalt  }
0x6c: {  	_ =	shalt  }
0x6d: {  	_ =	shalt  }
0x6e: {  	_ =	shalt  }
0x6f: {  	_ =	shalt  }
0x70: {  	_ =	shalt  }
0x71: {  	_ =	shalt  }
0x72: {  	_ =	shalt  }
0x73: {  	_ =	shalt  }
0x74: {  	_ =	shalt  }
0x75: {  	_ =	shalt  }
0x76: {  	_ =	shalt  }
0x77: {  	_ =	shalt  }
0x78: {  	_ =	shalt  }
0x79: {  	_ =	shalt  }
0x7a: {  	_ =	shalt  }
0x7b: {  	_ =	shalt  }
0x7c: {  	_ =	shalt  }
0x7d: {  	_ =	shalt  }
0x7e: {  	_ =	shalt  }
0x7f: {  	_ =	shalt  }
0x80: {  	_ =	shalt  }
0x81: {  	_ =	shalt  }
0x82: {  	_ =	shalt  }
0x83: {  	_ =	shalt  }
0x84: {  	_ =	shalt  }
0x85: {  	_ =	shalt  }
0x86: {  	_ =	shalt  }
0x87: {  	_ =	shalt  }
.Lfunc_end0:
.L_simem_size_0:
called_computation.1_lowered:
.L_overlay_start_0:
0x88: {  	s2 =	sld [smem:$0x3FD9]  }
0x89: {  	s3 =	sld [smem:$0x3FFE];
	_ =	sdelay $0x1  }
0x8a: {  	s1 =	srdreg.scid  }
0x8b: {  	s0 =	sand.u32 $0x1, s1  }
0x8c: {  	s16 =	sshll.u32 s0, $0xA;
	s2 =	sadd.s32 s3, s2  }
0x8d: {  	s2 =	sadd.s32 s2, s16  }
0x8e: {  	[smem:$0x3FC0] =	sst s2  }
0x8f: {  	_ = 	snop  }
0x90: {  	(tm) =	ssettm $0x1  }
0x91: {  	s17 =	sld [smem:$0x3FFB];
	_ =	sdelay $0x3  }
0x92: {  	_ =	strace s17  }
0x93: {  	s2 =	sld [smem:$0x3FFC];
	_ =	sdelay $0x3  }
0x94: {  	_ =	strace s2  }
0x95: {  	s2 =	sld [smem:$0x3FFD];
	_ =	sdelay $0x3  }
0x96: {  	_ =	strace s2  }
0x97: {  	_ =	strace $0x8FFFFFFF  }
0x98: {  	s18 =	sld [smem:$0x3FDB];
	_ =	sdelay $0x1  }
0x99: {  	s19 =	simm.s32 $_scs_section_size  }
0x9a: {  	s4 =	simm.s32 $_size__tile_overlayer_lowered;
	s5 =	simm.s32 $_tile_overlayer_lowered  }
0x9b: {  	s22 =	simm.s32 $0x1BFF;
	s21 =	sshll.u32 s5, $0x1;
	s2 =	sadd.s32 s19, s18  }
0x9c: {  	s6 =	simm.s32 $0x0;
	s20 =	sshll.u32 s4, $0x1;
	s4 =	sadd.s32 s21, s2  }
0x9d: {  	[timem:s6], [sflag:s22] =	dma.local [hbm:s4], s20  }
0x9e: {  	_ =	swait.ge [sflag:s22], s20  }
0x9f: {  	s3 =	ssub.s32 $0x0, s20;
	[sflag:s22] =	ssyncset.done $0x0  }
0xa0: {  	[sflag:s22] =	ssyncadd.s32 s3;
	_ =	sdelay $0x1  }
0xa1: {  	s23 =	simm.s32 $0x1B8B  }
0xa2: {  	_ =	swait.ge [sflag:s23], $0x1  }
0xa3: {  	[sflag:s23] =	ssyncset.done $0x0  }
0xa4: {  	s25 =	simm.s32 $0x1B8E;
	s24 =	sld [smem:$0x3FFE];
	[sflag:s23] =	ssyncadd.s32 $0xFFFFFFFF  }
0xa5: {  	s26 =	simm.s32 $execute0_lowered;
	[smem:$0x3FD2] =	sst s25  }
0xa6: {  	s4 =	sshll.u32 s26, $0x1;
	_ =	strace $0x80000049;
	[dreg:$0x1] =	wrdreg $0xFFFFFFFF  }
0xa7: {  	s28 =	simm.s32 $_size_execute0_lowered;
	s2 =	sadd.s32 s2, s4;
	[dreg:$0x0] =	wrdreg $0x0  }
0xa8: {  	s4 =	sshll.u32 s28, $0x1;
	[dreg:$0x2] =	wrdreg s2  }
0xa9: {  	[dreg:$0x3] =	wrdreg s4  }
0xaa: {  	[dreg:$0x4] =	wrdreg $0xC0  }
0xab: {  	_ =	task [dreg:s6], $0x5FFFF  }
0xac: {  	[dreg:$0x1] =	wrdreg $0xFFFFFFFF  }
0xad: {  	[dreg:$0x0] =	wrdreg $0x60  }
0xae: {  	[dreg:$0x2] =	wrdreg s24  }
0xaf: {  	[dreg:$0x3] =	wrdreg $0x9  }
0xb0: {  	_ =	task.clear_ibuf [dreg:s6], $0x4FFFF;
	_ =	strace $0x90000049  }
0xb1: {  	s29 =	simm.s32 $0x9;
	_ =	strace $0x8000004B  }
0xb2: {  	_ =	swait.ge [sflag:s29], $0x1  }
0xb3: {  	[sflag:s29] =	ssyncadd.s32 $0xFFFFFFFF  }
0xb4: {  	_ =	strace $0x9000004B  }
0xb5: {  	_ =	sfence  }
0xb6: {  	s30 =	sld [smem:$0x0];
	_ =	sdelay $0x2  }
0xb7: {  	s31 =	sshll.u32 s1, $0xD;
	s1 =	sshrl.u32 s1, $0x2  }
0xb8: {  	s3 =	sand.u32 $0x4000, s31;
	s1 =	sadd.s32 s1, s30  }
0xb9: {  	s0 =	sor.u32 s3, s0;
	s1 =	sshll.u32 s1, $0x11  }
0xba: {  	s0 =	sor.u32 s1, s0  }
0xbb: {  	s0 =	sadd.s32 $0x8F2B, s0  }
0xbc: {  	[sflag:s0] =	ssyncadd.remote.s32 $0x1  }
0xbd: {  	_ =	sfence.sel $0xFFFF  }
0xbe: {  	[dreg:$0x0] =	wrdreg $0xFFFFFFFF;
	(pc) =	sbr.abs _section_cstart, $3  }
0xbf: {  	[dreg:$0x1] =	wrdreg $0xFFFFFFFF  }
0xc0: {  	_ =	task.clear_ibuf [dreg:s6], $0x2FFFF;
	_ =	strace $0x9FFFFFFF  }
0xc1: {  	(tm) =	ssettm $0x7FFFFFFF  }
tec
execute0_lowered:
.L_overlay_start_1:
0x0: {  	(tag) =	ssettag $0x1  }
0x1: {  	s1 =	srdreg.scid  }
0x2: {  	s0 =	stileid.u32;
	s6 =	rddreg [dreg:$0x0]  }
0x3: {  	s19 =	simm.s32 $0x880;
	s20 =	simm.s32 $0x1080;
	s21 =	simm.s32 $0x1880  }
0x4: {  	s22 =	simm.s32 $0x2080;
	s23 =	simm.s32 $0x2880;
	s7 =	simm.s32 $0x3080  }
0x5: {  	s24 =	simm.s32 $0x3880;
	s8 =	simm.s32 $0x4080;
	s25 =	simm.s32 $0x4880  }
0x6: {  	s26 =	simm.s32 $0x5080;
	s9 =	simm.s32 $0x80;
	s1 =	sand.u32 $0x1, s1  }
0x7: {  	s11 =	simm.s32 $0x6080;
	s2 =	sshll.u32 s0, $0x7;
	s3 =	sshll.u32 s1, $0x6  }
0x8: {  	s12 =	simm.s32 $0x6880;
	s3 =	sor.u32 s3, s2;
	s2 =	simm.s32 $0x0  }
0x9: {  	s13 =	simm.s32 $0x7080;
	s14 =	simm.s32 $0x7880;
	[smem:$0x7FF] =	sst s2  }
0xa: {  	s15 =	simm.s32 $0x8080;
	_ =	strace $0x8000004A;
	[dreg:$0x4] =	wrdreg s19  }
0xb: {  	s16 =	simm.s32 $0x8880;
	s17 =	simm.s32 $0x9080;
	[dreg:$0x5] =	wrdreg s20  }
0xc: {  	s18 =	simm.s32 $0x9880;
	s28 =	simm.s32 $0xE080;
	[dreg:$0x6] =	wrdreg s21  }
0xd: {  	s29 =	simm.s32 $0xE880;
	s30 =	simm.s32 $0xF080;
	[dreg:$0x7] =	wrdreg s22  }
0xe: {  	s31 =	simm.s32 $0xF880;
	s1 =	ssub.s32 $0x2, s1;
	[dreg:$0x8] =	wrdreg s23  }
0xf: {  	s5 =	sshrl.u32 s1, $0x1;
	s4 =	sshrl.u32 s3, $0x3;
	[dreg:$0x9] =	wrdreg s7  }
0x10: {  	s3 =	sshll.u32 s3, $0x7;
	s1 =	ssub.s32 s1, s5;
	[dreg:$0xa] =	wrdreg s24  }
0x11: {  	s5 =	sadd.s32 $0x1A00, s6;
	s4 =	sadd.s32 s4, s6;
	[dreg:$0xb] =	wrdreg s8  }
0x12: {  	s3 =	sadd.s32 s3, s6;
	s7 =	smax.u32 s1, $0x1;
	[dreg:$0xc] =	wrdreg s25  }
0x13: {  	s8 =	simm.s32 $0x2;
	[dreg:$0xd] =	wrdreg s26;
	s19 =	simm.s32 $0xA080  }
0x14: {  	s20 =	simm.s32 $0xA880;
	s21 =	simm.s32 $0xB080;
	s22 =	simm.s32 $0xB880  }
0x15: {  	s23 =	simm.s32 $0xC080;
	s24 =	simm.s32 $0xC880;
	s4 =	sadd.s32 $0xB9E00, s4  }
0x16: {  	v2 =	vlaneseq.u32;
	s25 =	simm.s32 $0xD080;
	s3 =	sadd.s32 $0x79800, s3;
	[dreg:$0x2] =	wrdreg s4  }
0x17: {  	vm0 =	vmmov $0xffff;
	v1 =	vshrl.u32 v2, $0x3;
	s26 =	simm.s32 $0xD880;
	s1 =	simm.s32 $0x1;
	[dreg:$0x3] =	wrdreg s3  }
0x18: {  	v0 =	vand.u32 $0x7, v2;
	v2 =	vor.u32 $0x8, v2;
	v1 =	vmul.u32 $0x8, v1;
	s3 =	sadd.s32 $0x1800, s6;
	s4 =	sadd.s32 $0x1900, s6;
	s6 =	sadd.s32 $0x1B00, s6  }
.LBB2_1:
0x19: {  	s0 =	rddreg [dreg:$0x2]  }
0x1a: {  	[tilespmem:s2], [sflag:$0x2] =	stream.linear.gather [hbm4b:s0+s2], $0x40, $0x38;
	[tilespmem:$0x10080] =	vst v63  }
0x1b: {  	_ =	swait.ge [sflag:s8], $0x40  }
0x1c: {  	[sflag:s8] =	ssyncset.done $0x0  }
0x1d: {  	[sflag:s8] =	ssyncadd.s32 $0xFFFFFFC0  }
0x1e: {  	v3 =	vld [tilespmem:$0x0];
	_ =	sdelay $0x4  }
0x1f: {  	v4 =	vshll.u32 v3, $0x3  }
0x20: {  	v3 =	vand.u32 $0x7, v3;
	v4 =	vand.u32 $0xFFFFFFC0, v4  }
0x21: {  	v3 =	vor.u32 v3, v4  }
0x22: {  	v4 =	vperm.xlane v3, v0;
	_ =	sdelay $0x1  }
0x23: {  	v4 =	vadd.s32 v1, v4;
	_ =	sdelay $0x4  }
0x24: {  	[tilespmem:s9], [sflag:$0x1] =	stream.indirect_vreg.gather [hbm4b:s3+s2], $0x80, v4, vm0, $0xb8;
	[tilespmem:$0x10080] =	vst v63  }
0x25: {  	s0 =	rddreg [dreg:$0x4];
	v3 =	vperm.xlane v3, v2  }
0x26: {  	[tilespmem:s0], [sflag:$0x1] =	stream.indirect_vreg.gather [hbm4b:s4+s2], $0x80, v4, vm0, $0xb8;
	[tilespmem:$0x10080] =	vst v63  }
0x27: {  	s10 =	rddreg [dreg:$0x5];
	v3 =	vadd.s32 v1, v3  }
0x28: {  	[tilespmem:s10], [sflag:$0x1] =	stream.indirect_vreg.gather [hbm4b:s5+s2], $0x80, v4, vm0, $0xb8;
	[tilespmem:$0x10080] =	vst v63  }
0x29: {  	s0 =	rddreg [dreg:$0x6]  }
0x2a: {  	[tilespmem:s0], [sflag:$0x1] =	stream.indirect_vreg.gather [hbm4b:s6+s2], $0x80, v4, vm0, $0xb8;
	[tilespmem:$0x10080] =	vst v63  }
0x2b: {  	s10 =	rddreg [dreg:$0x7]  }
0x2c: {  	[tilespmem:s10], [sflag:$0x1] =	stream.indirect_vreg.gather [hbm4b:s3+s2], $0x80, v3, vm0, $0xb8;
	[tilespmem:$0x10080] =	vst v63  }
0x2d: {  	s0 =	rddreg [dreg:$0x8]  }
0x2e: {  	[tilespmem:s0], [sflag:$0x1] =	stream.indirect_vreg.gather [hbm4b:s4+s2], $0x80, v3, vm0, $0xb8;
	[tilespmem:$0x10080] =	vst v63  }
0x2f: {  	s10 =	rddreg [dreg:$0x9]  }
0x30: {  	[tilespmem:s10], [sflag:$0x1] =	stream.indirect_vreg.gather [hbm4b:s5+s2], $0x80, v3, vm0, $0xb8;
	[tilespmem:$0x10080] =	vst v63  }
0x31: {  	s0 =	rddreg [dreg:$0xa]  }
0x32: {  	[tilespmem:s0], [sflag:$0x1] =	stream.indirect_vreg.gather [hbm4b:s6+s2], $0x80, v3, vm0, $0xb8;
	[tilespmem:$0x10080] =	vst v63  }
0x33: {  	v3 =	vld [tilespmem:$0x10];
	_ =	sdelay $0x4  }
0x34: {  	v61 =	vshll.u32 v3, $0x3  }
0x35: {  	v3 =	vand.u32 $0x7, v3;
	v4 =	vand.u32 $0xFFFFFFC0, v61  }
0x36: {  	v3 =	vor.u32 v3, v4  }
0x37: {  	v4 =	vperm.xlane v3, v0;
	_ =	sdelay $0x1  }
0x38: {  	v4 =	vadd.s32 v1, v4;
	_ =	sdelay $0x3  }
0x39: {  	s0 =	rddreg [dreg:$0xb]  }
0x3a: {  	[tilespmem:s0], [sflag:$0x1] =	stream.indirect_vreg.gather [hbm4b:s3+s2], $0x80, v4, vm0, $0xb8;
	[tilespmem:$0x10080] =	vst v63  }
0x3b: {  	s10 =	rddreg [dreg:$0xc];
	v3 =	vperm.xlane v3, v2  }
0x3c: {  	[tilespmem:s10], [sflag:$0x1] =	stream.indirect_vreg.gather [hbm4b:s4+s2], $0x80, v4, vm0, $0xb8;
	[tilespmem:$0x10080] =	vst v63  }
0x3d: {  	v3 =	vadd.s32 v1, v3;
	s0 =	rddreg [dreg:$0xd]  }
0x3e: {  	[tilespmem:s0], [sflag:$0x1] =	stream.indirect_vreg.gather [hbm4b:s5+s2], $0x80, v4, vm0, $0xb8;
	[tilespmem:$0x10080] =	vst v63  }
0x3f: {  	s10 =	simm.s32 $0x5880  }
0x40: {  	[tilespmem:s10], [sflag:$0x1] =	stream.indirect_vreg.gather [hbm4b:s6+s2], $0x80, v4, vm0, $0xb8;
	[tilespmem:$0x10080] =	vst v63  }
0x41: {  	_ = 	snop  }
0x42: {  	[tilespmem:s11], [sflag:$0x1] =	stream.indirect_vreg.gather [hbm4b:s3+s2], $0x80, v3, vm0, $0xb8;
	[tilespmem:$0x10080] =	vst v63  }
0x43: {  	_ = 	snop  }
0x44: {  	[tilespmem:s12], [sflag:$0x1] =	stream.indirect_vreg.gather [hbm4b:s4+s2], $0x80, v3, vm0, $0xb8;
	[tilespmem:$0x10080] =	vst v63  }
0x45: {  	_ = 	snop  }
0x46: {  	[tilespmem:s13], [sflag:$0x1] =	stream.indirect_vreg.gather [hbm4b:s5+s2], $0x80, v3, vm0, $0xb8;
	[tilespmem:$0x10080] =	vst v63  }
0x47: {  	_ = 	snop  }
0x48: {  	[tilespmem:s14], [sflag:$0x1] =	stream.indirect_vreg.gather [hbm4b:s6+s2], $0x80, v3, vm0, $0xb8;
	[tilespmem:$0x10080] =	vst v63  }
0x49: {  	v3 =	vld [tilespmem:$0x20];
	_ =	sdelay $0x4  }
0x4a: {  	v62 =	vshll.u32 v3, $0x3  }
0x4b: {  	v3 =	vand.u32 $0x7, v3;
	v4 =	vand.u32 $0xFFFFFFC0, v62  }
0x4c: {  	v3 =	vor.u32 v3, v4  }
0x4d: {  	v4 =	vperm.xlane v3, v0;
	_ =	sdelay $0x1  }
0x4e: {  	v4 =	vadd.s32 v1, v4;
	_ =	sdelay $0x4  }
0x4f: {  	[tilespmem:s15], [sflag:$0x1] =	stream.indirect_vreg.gather [hbm4b:s3+s2], $0x80, v4, vm0, $0xb8;
	[tilespmem:$0x10080] =	vst v63  }
0x50: {  	v3 =	vperm.xlane v3, v2  }
0x51: {  	[tilespmem:s16], [sflag:$0x1] =	stream.indirect_vreg.gather [hbm4b:s4+s2], $0x80, v4, vm0, $0xb8;
	[tilespmem:$0x10080] =	vst v63  }
0x52: {  	v3 =	vadd.s32 v1, v3  }
0x53: {  	[tilespmem:s17], [sflag:$0x1] =	stream.indirect_vreg.gather [hbm4b:s5+s2], $0x80, v4, vm0, $0xb8;
	[tilespmem:$0x10080] =	vst v63  }
0x54: {  	_ = 	snop  }
0x55: {  	[tilespmem:s18], [sflag:$0x1] =	stream.indirect_vreg.gather [hbm4b:s6+s2], $0x80, v4, vm0, $0xb8;
	[tilespmem:$0x10080] =	vst v63  }
0x56: {  	_ = 	snop  }
0x57: {  	[tilespmem:s19], [sflag:$0x1] =	stream.indirect_vreg.gather [hbm4b:s3+s2], $0x80, v3, vm0, $0xb8;
	[tilespmem:$0x10080] =	vst v63  }
0x58: {  	_ = 	snop  }
0x59: {  	[tilespmem:s20], [sflag:$0x1] =	stream.indirect_vreg.gather [hbm4b:s4+s2], $0x80, v3, vm0, $0xb8;
	[tilespmem:$0x10080] =	vst v63  }
0x5a: {  	_ = 	snop  }
0x5b: {  	[tilespmem:s21], [sflag:$0x1] =	stream.indirect_vreg.gather [hbm4b:s5+s2], $0x80, v3, vm0, $0xb8;
	[tilespmem:$0x10080] =	vst v63  }
0x5c: {  	_ = 	snop  }
0x5d: {  	[tilespmem:s22], [sflag:$0x1] =	stream.indirect_vreg.gather [hbm4b:s6+s2], $0x80, v3, vm0, $0xb8;
	[tilespmem:$0x10080] =	vst v63  }
0x5e: {  	v3 =	vld [tilespmem:$0x30];
	_ =	sdelay $0x4  }
0x5f: {  	v63 =	vshll.u32 v3, $0x3  }
0x60: {  	v3 =	vand.u32 $0x7, v3;
	v4 =	vand.u32 $0xFFFFFFC0, v63  }
0x61: {  	v3 =	vor.u32 v3, v4  }
0x62: {  	v4 =	vperm.xlane v3, v0;
	_ =	sdelay $0x1  }
0x63: {  	v4 =	vadd.s32 v1, v4;
	_ =	sdelay $0x4  }
0x64: {  	[tilespmem:s23], [sflag:$0x1] =	stream.indirect_vreg.gather [hbm4b:s3+s2], $0x80, v4, vm0, $0xb8;
	[tilespmem:$0x10080] =	vst v63  }
0x65: {  	v3 =	vperm.xlane v3, v2  }
0x66: {  	[tilespmem:s24], [sflag:$0x1] =	stream.indirect_vreg.gather [hbm4b:s4+s2], $0x80, v4, vm0, $0xb8;
	[tilespmem:$0x10080] =	vst v63  }
0x67: {  	v3 =	vadd.s32 v1, v3  }
0x68: {  	[tilespmem:s25], [sflag:$0x1] =	stream.indirect_vreg.gather [hbm4b:s5+s2], $0x80, v4, vm0, $0xb8;
	[tilespmem:$0x10080] =	vst v63  }
0x69: {  	_ = 	snop  }
0x6a: {  	[tilespmem:s26], [sflag:$0x1] =	stream.indirect_vreg.gather [hbm4b:s6+s2], $0x80, v4, vm0, $0xb8;
	[tilespmem:$0x10080] =	vst v63  }
0x6b: {  	_ = 	snop  }
0x6c: {  	[tilespmem:s28], [sflag:$0x1] =	stream.indirect_vreg.gather [hbm4b:s3+s2], $0x80, v3, vm0, $0xb8;
	[tilespmem:$0x10080] =	vst v63  }
0x6d: {  	_ = 	snop  }
0x6e: {  	[tilespmem:s29], [sflag:$0x1] =	stream.indirect_vreg.gather [hbm4b:s4+s2], $0x80, v3, vm0, $0xb8;
	[tilespmem:$0x10080] =	vst v63  }
0x6f: {  	_ = 	snop  }
0x70: {  	[tilespmem:s30], [sflag:$0x1] =	stream.indirect_vreg.gather [hbm4b:s5+s2], $0x80, v3, vm0, $0xb8;
	[tilespmem:$0x10080] =	vst v63  }
0x71: {  	_ = 	snop  }
0x72: {  	[tilespmem:s31], [sflag:$0x1] =	stream.indirect_vreg.gather [hbm4b:s6+s2], $0x80, v3, vm0, $0xb8;
	[tilespmem:$0x10080] =	vst v63  }
0x73: {  	_ =	swait.ge [sflag:s1], $0x10000  }
0x74: {  	p0 =	sne.s32 s7, $0x1;
	[sflag:s1] =	ssyncset.done $0x0  }
.Ltmp0:
0x75: {  	s10 =	rddreg [dreg:$0x3];
	[sflag:s1] =	ssyncadd.s32 $0xFFFF0000;
	(pc) =	sbr.rel @p0 .LBB2_1-.Ltmp0, $4  }
0x76: {  	[hbm4b:s10+s2] =	stream.linear.scatter [tilespmem:s9], [sflag:$0x2], $0x10000, $0x38;
	[tilespmem:$0x10080] =	vst v63  }
0x77: {  	_ =	swait.ge [sflag:s8], $0x10000  }
0x78: {  	[sflag:s8] =	ssyncset.done $0x0  }
0x79: {  	s7 =	sadd.s32 $0xFFFFFFFF, s7;
	[sflag:s8] =	ssyncadd.s32 $0xFFFF0000  }
0x7a: {  	_ =	sfence.sel $0x180000  }
0x7b: {  	[bflag:$0x0] =	sbarrier.arrive $0xFFFF  }
0x7c: {  	_ =	strace $0x9000004A  }
0x7d: {  	s0 =	stileid.u32;
	[bflag:$0x2] =	sbarrier.arrive $0xFFFF  }
0x7e: {  	p0 =	sne.s32 s0, $0x0;
	s0 =	rddreg [dreg:$0x1]  }
0x7f: {  	s0 =	sadd.s32 @!p0 $0x100000, s0  }
0x80: {  	[sflag:s0] =	ssyncadd.tile.s32 @!p0 $0x1;
	_ =	shalt  }
.Lfunc_end2:
_tile_overlayer_lowered:
.L_overlay_start_2:
0x81: {  	(tag) =	ssettag $0x2  }
0x82: {  	s0 =	rddreg [dreg:$0x0];
	s2 =	stileid.u32  }
0x83: {  	s1 =	rddreg [dreg:$0x1];
	p0 =	sne.s32 s2, $0x0  }
0x84: {  	s3 =	rddreg [dreg:$0x2];
	[bflag:$0x3] =	sbarrier.arrive $0xFFFF;
	s2 =	simm.s32 @!p0 $0x1C02  }
0x85: {  	[timem:s3], [sflag:s2] =	dma.local @!p0 [hbm:s0], s1  }
0x86: {  	s0 =	simm.s32 @!p0 $0x2  }
0x87: {  	_ =	swait.ge @!p0 [sflag:s0], s1  }
0x88: {  	s1 =	ssub.s32 @!p0 $0x0, s1;
	[sflag:s0] =	ssyncset.done @!p0 $0x0  }
0x89: {  	[sflag:s0] =	ssyncadd.s32 @!p0 s1  }
0x8a: {  	[bflag:$0x3] =	sbarrier.arrive $0xFFFF  }
0x8b: {  	_ =	shalt  }

// kernel: kernel.7.cloned.1.call-start
scs
__scs_entry_jumppad:
0x0: {  	(pc) =	sbr.rel $0x88, $3  }
0x1: {  	(tag) =	ssettag $0x0;
	lr =	simm.s32 $0x1  }
0x2: {  	[smem:$0x3F99] =	sst lr;
	_ =	strace $0xD0000000  }
0x3: {  	_ = 	snop  }
0x4: {  	_ = 	snop  }
0x5: {  	_ = 	snop  }
0x6: {  	_ = 	snop  }
0x7: {  	_ = 	snop  }
__scs_overlays_trampoline_lowered:
0x8: {  	[smem:$0x3FA8] =	sst s0  }
0x9: {  	[smem:$0x3FA9] =	sst s1  }
0xa: {  	[smem:$0x3FAA] =	sst s2  }
0xb: {  	[smem:$0x3FAB] =	sst s3  }
0xc: {  	[smem:$0x3FAC] =	sst s4  }
0xd: {  	[smem:$0x3FAD] =	sst s5  }
0xe: {  	[smem:$0x3FAE] =	sst s6  }
0xf: {  	[smem:$0x3FAF] =	sst s7  }
0x10: {  	[smem:$0x3FB0] =	sst s8  }
0x11: {  	[smem:$0x3FB1] =	sst s9;
	s0 =	simm.s32 @!p0 $0x0  }
0x12: {  	s1 =	sld [smem:$0x3F97];
	s0 =	simm.s32 @p0 $0x1  }
0x13: {  	[smem:$0x3FB2] =	sst s0;
	s0 =	simm.s32 @!p1 $0x0  }
0x14: {  	s2 =	sld [smem:$0x3F96];
	s0 =	simm.s32 @p1 $0x1  }
0x15: {  	[smem:$0x3FB3] =	sst s0;
	s0 =	simm.s32 @!p2 $0x0  }
0x16: {  	s3 =	sld [smem:$0x3FDB];
	s0 =	simm.s32 @p2 $0x1  }
0x17: {  	s4 =	simm.s32 $0x1BF5;
	[smem:$0x3FB5] =	sst s0  }
0x18: {  	s0 =	sld [smem:$0x3F98];
	_ =	swait.ge [sflag:s4], $0x0  }
0x19: {  	s7 =	sld [smem:$0x3F99]  }
0x1a: {  	s8 =	sadd.s32 $0xFFFFE003, lr  }
0x1b: {  	s9 =	sadd.s32 $0xFFFFFEF7, lr;
	s5 =	simm.s32 $0xFFFFFFFF;
	p2 =	slt.u32 s8, $0xFFFFF086  }
0x1c: {  	p1 =	slt.u32 s9, $0xF7A;
	s5 =	simm.s32 @!p2 $0x0  }
0x1d: {  	s5 =	simm.s32 @p1 $0x1;
	p0 =	seq.s32 s7, s2  }
0x1e: {  	s7 =	smul.u32 @!p0 $0xF7A, s2;
	p2 =	seq.s32 @!p0 s5, $0x0  }
0x1f: {  	s9 =	smul.u32 $0xF7A, s1;
	s8 =	simm.s32 @!p0 $0x1BF5;
	p2 =	por !p2, p0  }
0x20: {  	[sflag:s8] =	ssyncset.s32 @!p0 $0xFFFFF086;
	s6 =	sadd.s32 @!p0 s3, s7;
	s7 =	simm.s32 @!p0 $0x108  }
0x21: {  	s3 =	sadd.s32 s3, s9;
	s6 =	sadd.s32 @!p0 $0x88, s6;
	s7 =	simm.s32 @p2 $0x1082  }
0x22: {  	[simem:s7], [sflag:s8] =	dma.local @!p0 [hbm:s6], $0xF7A  }
0x23: {  	s9 =	sor.u32 $0xD0000000, s2;
	s6 =	simm.s32 $0x108;
	_ =	swait.ge @!p0 [sflag:s8], $0x0  }
0x24: {  	s3 =	sadd.s32 $0x88, s3;
	s6 =	simm.s32 @!p1 $0x1082;
	[sflag:s4] =	ssyncset.s32 $0xFFFFF086  }
0x25: {  	[simem:s6], [sflag:s4] =	dma.local [hbm:s3], $0xF7A  }
0x26: {  	[smem:$0x3F99] =	sst s1;
	(tag) =	ssettag s2;
	_ =	strace s9  }
0x27: {  	s1 =	sld [smem:$0x3FA9]  }
0x28: {  	s2 =	sld [smem:$0x3FAA]  }
0x29: {  	s4 =	sld [smem:$0x3FAC]  }
0x2a: {  	p0 =	seq.s32 s5, $0x0;
	s5 =	sld [smem:$0x3FAD]  }
0x2b: {  	s6 =	sld [smem:$0x3FAE]  }
0x2c: {  	s7 =	sld [smem:$0x3FAF]  }
0x2d: {  	s3 =	simm.s32 $0x108;
	s8 =	sld [smem:$0x3FB0]  }
0x2e: {  	s3 =	simm.s32 @!p0 $0x1082;
	s9 =	sld [smem:$0x3FB1]  }
0x2f: {  	lr =	sadd.s32 s0, s3;
	s0 =	sld [smem:$0x3FA8]  }
0x30: {  	s3 =	sld [smem:$0x3FAB]  }
0x31: {  	[smem:$0x3FB4] =	sst s10  }
0x32: {  	s10 =	sld [smem:$0x3FB2];
	_ =	sdelay $0x3  }
0x33: {  	p0 =	seq.s32 s10, $0x1;
	s10 =	sld [smem:$0x3FB4];
	_ =	sdelay $0x3  }
0x34: {  	[smem:$0x3FB4] =	sst s10  }
0x35: {  	s10 =	sld [smem:$0x3FB3];
	_ =	sdelay $0x3  }
0x36: {  	p1 =	seq.s32 s10, $0x1;
	s10 =	sld [smem:$0x3FB4];
	_ =	sdelay $0x3  }
0x37: {  	[smem:$0x3FB4] =	sst s10  }
0x38: {  	s10 =	sld [smem:$0x3FB5]  }
0x39: {  	_ = 	snop;
	(pc) =	sbr.ind lr, $3  }
0x3a: {  	_ = 	snop  }
0x3b: {  	_ = 	snop  }
0x3c: {  	p2 =	seq.s32 s10, $0x1;
	s10 =	sld [smem:$0x3FB4]  }
0x3d: {  	_ =	shalt  }
0x3e: {  	_ =	shalt  }
0x3f: {  	_ =	shalt  }
0x40: {  	_ =	shalt  }
0x41: {  	_ =	shalt  }
0x42: {  	_ =	shalt  }
0x43: {  	_ =	shalt  }
0x44: {  	_ =	shalt  }
0x45: {  	_ =	shalt  }
0x46: {  	_ =	shalt  }
0x47: {  	_ =	shalt  }
0x48: {  	_ =	shalt  }
0x49: {  	_ =	shalt  }
0x4a: {  	_ =	shalt  }
0x4b: {  	_ =	shalt  }
0x4c: {  	_ =	shalt  }
0x4d: {  	_ =	shalt  }
0x4e: {  	_ =	shalt  }
0x4f: {  	_ =	shalt  }
0x50: {  	_ =	shalt  }
0x51: {  	_ =	shalt  }
0x52: {  	_ =	shalt  }
0x53: {  	_ =	shalt  }
0x54: {  	_ =	shalt  }
0x55: {  	_ =	shalt  }
0x56: {  	_ =	shalt  }
0x57: {  	_ =	shalt  }
0x58: {  	_ =	shalt  }
0x59: {  	_ =	shalt  }
0x5a: {  	_ =	shalt  }
0x5b: {  	_ =	shalt  }
0x5c: {  	_ =	shalt  }
0x5d: {  	_ =	shalt  }
0x5e: {  	_ =	shalt  }
0x5f: {  	_ =	shalt  }
0x60: {  	_ =	shalt  }
0x61: {  	_ =	shalt  }
0x62: {  	_ =	shalt  }
0x63: {  	_ =	shalt  }
0x64: {  	_ =	shalt  }
0x65: {  	_ =	shalt  }
0x66: {  	_ =	shalt  }
0x67: {  	_ =	shalt  }
0x68: {  	_ =	shalt  }
0x69: {  	_ =	shalt  }
0x6a: {  	_ =	shalt  }
0x6b: {  	_ =	shalt  }
0x6c: {  	_ =	shalt  }
0x6d: {  	_ =	shalt  }
0x6e: {  	_ =	shalt  }
0x6f: {  	_ =	shalt  }
0x70: {  	_ =	shalt  }
0x71: {  	_ =	shalt  }
0x72: {  	_ =	shalt  }
0x73: {  	_ =	shalt  }
0x74: {  	_ =	shalt  }
0x75: {  	_ =	shalt  }
0x76: {  	_ =	shalt  }
0x77: {  	_ =	shalt  }
0x78: {  	_ =	shalt  }
0x79: {  	_ =	shalt  }
0x7a: {  	_ =	shalt  }
0x7b: {  	_ =	shalt  }
0x7c: {  	_ =	shalt  }
0x7d: {  	_ =	shalt  }
0x7e: {  	_ =	shalt  }
0x7f: {  	_ =	shalt  }
0x80: {  	_ =	shalt  }
0x81: {  	_ =	shalt  }
0x82: {  	_ =	shalt  }
0x83: {  	_ =	shalt  }
0x84: {  	_ =	shalt  }
0x85: {  	_ =	shalt  }
0x86: {  	_ =	shalt  }
0x87: {  	_ =	shalt  }
.Lfunc_end0:
.L_simem_size_0:
called_computation_lowered:
.L_overlay_start_0:
0x88: {  	s2 =	sld [smem:$0x3FD9]  }
0x89: {  	s3 =	sld [smem:$0x3FFE];
	_ =	sdelay $0x1  }
0x8a: {  	s1 =	srdreg.scid  }
0x8b: {  	s0 =	sand.u32 $0x1, s1  }
0x8c: {  	s16 =	sshll.u32 s0, $0xA;
	s2 =	sadd.s32 s3, s2  }
0x8d: {  	s2 =	sadd.s32 s2, s16  }
0x8e: {  	[smem:$0x3FC0] =	sst s2  }
0x8f: {  	_ = 	snop  }
0x90: {  	(tm) =	ssettm $0x1  }
0x91: {  	s17 =	sld [smem:$0x3FFB];
	_ =	sdelay $0x3  }
0x92: {  	_ =	strace s17  }
0x93: {  	s2 =	sld [smem:$0x3FFC];
	_ =	sdelay $0x3  }
0x94: {  	_ =	strace s2  }
0x95: {  	s2 =	sld [smem:$0x3FFD];
	_ =	sdelay $0x3  }
0x96: {  	_ =	strace s2  }
0x97: {  	_ =	strace $0x8FFFFFFF  }
0x98: {  	s18 =	sld [smem:$0x3FDB];
	_ =	sdelay $0x1  }
0x99: {  	s19 =	simm.s32 $_scs_section_size  }
0x9a: {  	s4 =	simm.s32 $_size__tile_overlayer_lowered;
	s5 =	simm.s32 $_tile_overlayer_lowered  }
0x9b: {  	s22 =	simm.s32 $0x1BFF;
	s21 =	sshll.u32 s5, $0x1;
	s2 =	sadd.s32 s19, s18  }
0x9c: {  	s6 =	simm.s32 $0x0;
	s20 =	sshll.u32 s4, $0x1;
	s4 =	sadd.s32 s21, s2  }
0x9d: {  	[timem:s6], [sflag:s22] =	dma.local [hbm:s4], s20  }
0x9e: {  	_ =	swait.ge [sflag:s22], s20  }
0x9f: {  	s3 =	ssub.s32 $0x0, s20;
	[sflag:s22] =	ssyncset.done $0x0  }
0xa0: {  	[sflag:s22] =	ssyncadd.s32 s3;
	_ =	sdelay $0x1  }
0xa1: {  	s23 =	simm.s32 $0x1B8B  }
0xa2: {  	_ =	swait.ge [sflag:s23], $0x1  }
0xa3: {  	[sflag:s23] =	ssyncset.done $0x0  }
0xa4: {  	s25 =	simm.s32 $0x1B8E;
	s24 =	sld [smem:$0x3FFE];
	[sflag:s23] =	ssyncadd.s32 $0xFFFFFFFF  }
0xa5: {  	s26 =	simm.s32 $execute0_lowered;
	[smem:$0x3FD2] =	sst s25  }
0xa6: {  	s4 =	sshll.u32 s26, $0x1;
	_ =	strace $0x80000046;
	[dreg:$0x1] =	wrdreg $0xFFFFFFFF  }
0xa7: {  	s28 =	simm.s32 $_size_execute0_lowered;
	s2 =	sadd.s32 s2, s4;
	[dreg:$0x0] =	wrdreg $0x0  }
0xa8: {  	s4 =	sshll.u32 s28, $0x1;
	[dreg:$0x2] =	wrdreg s2  }
0xa9: {  	[dreg:$0x3] =	wrdreg s4  }
0xaa: {  	[dreg:$0x4] =	wrdreg $0xC0  }
0xab: {  	_ =	task [dreg:s6], $0x5FFFF  }
0xac: {  	[dreg:$0x1] =	wrdreg $0xFFFFFFFF  }
0xad: {  	[dreg:$0x0] =	wrdreg $0x60  }
0xae: {  	[dreg:$0x2] =	wrdreg s24  }
0xaf: {  	[dreg:$0x3] =	wrdreg $0x9  }
0xb0: {  	_ =	task.clear_ibuf [dreg:s6], $0x4FFFF;
	_ =	strace $0x90000046  }
0xb1: {  	s29 =	simm.s32 $0x9;
	_ =	strace $0x80000048  }
0xb2: {  	_ =	swait.ge [sflag:s29], $0x1  }
0xb3: {  	[sflag:s29] =	ssyncadd.s32 $0xFFFFFFFF  }
0xb4: {  	_ =	strace $0x90000048  }
0xb5: {  	_ =	sfence  }
0xb6: {  	s30 =	sld [smem:$0x0];
	_ =	sdelay $0x2  }
0xb7: {  	s31 =	sshll.u32 s1, $0xD;
	s1 =	sshrl.u32 s1, $0x2  }
0xb8: {  	s3 =	sand.u32 $0x4000, s31;
	s1 =	sadd.s32 s1, s30  }
0xb9: {  	s0 =	sor.u32 s3, s0;
	s1 =	sshll.u32 s1, $0x11  }
0xba: {  	s0 =	sor.u32 s1, s0  }
0xbb: {  	s0 =	sadd.s32 $0x8F2B, s0  }
0xbc: {  	[sflag:s0] =	ssyncadd.remote.s32 $0x1  }
0xbd: {  	_ =	sfence.sel $0xFFFF  }
0xbe: {  	[dreg:$0x0] =	wrdreg $0xFFFFFFFF;
	(pc) =	sbr.abs _section_cstart, $3  }
0xbf: {  	[dreg:$0x1] =	wrdreg $0xFFFFFFFF  }
0xc0: {  	_ =	task.clear_ibuf [dreg:s6], $0x2FFFF;
	_ =	strace $0x9FFFFFFF  }
0xc1: {  	(tm) =	ssettm $0x7FFFFFFF  }
tec
execute0_lowered:
.L_overlay_start_1:
0x0: {  	(tag) =	ssettag $0x1  }
0x1: {  	s0 =	srdreg.scid;
	s2 =	stileid.u32  }
0x2: {  	s0 =	sand.u32 $0x1, s0;
	s3 =	sshll.u32 s2, $0x1  }
0x3: {  	s5 =	sor.u32 s0, s3  }
0x4: {  	v5 =	vmov s5  }
0x5: {  	v0 =	vimm.s32 $0x0;
	s2 =	simm.s32 $0x0;
	vm0 =	veq.s32 v5, $0x1F  }
0x6: {  	[smem:$0x7FF] =	sst s2;
	v0 =	vsel vm0, $0xFFFFFFFF, v0  }
0x7: {  	s1 =	rddreg [dreg:$0x0];
	_ =	strace $0x80000047;
	vm0 =	vgt.u32 v5, $0x1D;
	[tilespmem:$0x1FE10] =	vst v0;
	v0 =	vimm.s32 $0x0  }
0x8: {  	v0 =	vsel vm0, $0xFFFFFFFF, v0  }
0x9: {  	vm0 =	vgt.u32 v5, $0x1C;
	[tilespmem:$0x1FE20] =	vst v0;
	v0 =	vimm.s32 $0x0  }
0xa: {  	v0 =	vsel vm0, $0xFFFFFFFF, v0  }
0xb: {  	vm0 =	vgt.u32 v5, $0x1B;
	[tilespmem:$0x1FE30] =	vst v0;
	v0 =	vimm.s32 $0x0  }
0xc: {  	v0 =	vsel vm0, $0xFFFFFFFF, v0  }
0xd: {  	vm0 =	vgt.u32 v5, $0x1A;
	[tilespmem:$0x1FE40] =	vst v0;
	v0 =	vimm.s32 $0x0  }
0xe: {  	v0 =	vsel vm0, $0xFFFFFFFF, v0  }
0xf: {  	vm0 =	vgt.u32 v5, $0x19;
	[tilespmem:$0x1FE50] =	vst v0;
	v0 =	vimm.s32 $0x0  }
0x10: {  	v0 =	vsel vm0, $0xFFFFFFFF, v0  }
0x11: {  	vm0 =	vgt.u32 v5, $0x18;
	[tilespmem:$0x1FE60] =	vst v0;
	v0 =	vimm.s32 $0x0  }
0x12: {  	v0 =	vsel vm0, $0xFFFFFFFF, v0  }
0x13: {  	vm0 =	vgt.u32 v5, $0x17;
	[tilespmem:$0x1FE70] =	vst v0;
	v0 =	vimm.s32 $0x0  }
0x14: {  	v0 =	vsel vm0, $0xFFFFFFFF, v0  }
0x15: {  	vm0 =	vgt.u32 v5, $0x16;
	[tilespmem:$0x1FE80] =	vst v0;
	v0 =	vimm.s32 $0x0  }
0x16: {  	v0 =	vsel vm0, $0xFFFFFFFF, v0  }
0x17: {  	vm0 =	vgt.u32 v5, $0x15;
	[tilespmem:$0x1FE90] =	vst v0;
	v0 =	vimm.s32 $0x0  }
0x18: {  	v0 =	vsel vm0, $0xFFFFFFFF, v0  }
0x19: {  	vm0 =	vgt.u32 v5, $0x14;
	[tilespmem:$0x1FEA0] =	vst v0;
	v0 =	vimm.s32 $0x0  }
0x1a: {  	v0 =	vsel vm0, $0xFFFFFFFF, v0  }
0x1b: {  	vm0 =	vgt.u32 v5, $0x13;
	[tilespmem:$0x1FEB0] =	vst v0;
	v0 =	vimm.s32 $0x0  }
0x1c: {  	v0 =	vsel vm0, $0xFFFFFFFF, v0  }
0x1d: {  	vm0 =	vgt.u32 v5, $0x12;
	[tilespmem:$0x1FEC0] =	vst v0;
	v0 =	vimm.s32 $0x0  }
0x1e: {  	v0 =	vsel vm0, $0xFFFFFFFF, v0  }
0x1f: {  	vm0 =	vgt.u32 v5, $0x11;
	[tilespmem:$0x1FED0] =	vst v0;
	v0 =	vimm.s32 $0x0  }
0x20: {  	v0 =	vsel vm0, $0xFFFFFFFF, v0  }
0x21: {  	vm0 =	vgt.u32 v5, $0x10;
	[tilespmem:$0x1FEE0] =	vst v0;
	v0 =	vimm.s32 $0x0  }
0x22: {  	v1 =	vimm.s32 $0x0;
	v0 =	vsel vm0, $0xFFFFFFFF, v0;
	vm0 =	vgt.u32 v5, $0xF  }
0x23: {  	v6 =	vimm.s32 $0x0;
	v1 =	vsel vm0, $0xFFFFFFFF, v1;
	vm0 =	vgt.u32 v5, $0xE  }
0x24: {  	v6 =	vsel vm0, $0xFFFFFFFF, v6  }
0x25: {  	vm0 =	vgt.u32 v5, $0xD;
	[tilespmem:$0x1FF10] =	vst v6;
	v6 =	vimm.s32 $0x0  }
0x26: {  	v6 =	vsel vm0, $0xFFFFFFFF, v6  }
0x27: {  	vm0 =	vgt.u32 v5, $0xC;
	[tilespmem:$0x1FF20] =	vst v6;
	v6 =	vimm.s32 $0x0  }
0x28: {  	v6 =	vsel vm0, $0xFFFFFFFF, v6  }
0x29: {  	vm0 =	vgt.u32 v5, $0xB;
	[tilespmem:$0x1FF30] =	vst v6;
	v6 =	vimm.s32 $0x0  }
0x2a: {  	v6 =	vsel vm0, $0xFFFFFFFF, v6  }
0x2b: {  	vm0 =	vgt.u32 v5, $0xA;
	[tilespmem:$0x1FF40] =	vst v6;
	v6 =	vimm.s32 $0x0  }
0x2c: {  	v6 =	vsel vm0, $0xFFFFFFFF, v6  }
0x2d: {  	vm0 =	vgt.u32 v5, $0x9;
	[tilespmem:$0x1FF50] =	vst v6;
	v6 =	vimm.s32 $0x0  }
0x2e: {  	v6 =	vsel vm0, $0xFFFFFFFF, v6  }
0x2f: {  	vm0 =	vgt.u32 v5, $0x8;
	[tilespmem:$0x1FF60] =	vst v6;
	v6 =	vimm.s32 $0x0  }
0x30: {  	v6 =	vsel vm0, $0xFFFFFFFF, v6  }
0x31: {  	vm0 =	vgt.u32 v5, $0x7;
	[tilespmem:$0x1FF70] =	vst v6;
	v6 =	vimm.s32 $0x0  }
0x32: {  	v6 =	vsel vm0, $0xFFFFFFFF, v6  }
0x33: {  	s13 =	simm.s32 $0x2;
	vm0 =	vgt.u32 v5, $0x6;
	[tilespmem:$0x1FF80] =	vst v6;
	v6 =	vimm.s32 $0x0  }
0x34: {  	s15 =	simm.s32 $0x11100;
	s17 =	simm.s32 $0x1100;
	s16 =	simm.s32 $0xA100;
	v6 =	vsel vm0, $0xFFFFFFFF, v6  }
0x35: {  	s18 =	simm.s32 $0xA900;
	s19 =	simm.s32 $0xB100;
	s20 =	simm.s32 $0xB900;
	vm0 =	vgt.u32 v5, $0x5;
	[tilespmem:$0x1FF90] =	vst v6;
	v6 =	vimm.s32 $0x0  }
0x36: {  	s21 =	simm.s32 $0xC100;
	s22 =	simm.s32 $0xC900;
	s23 =	simm.s32 $0xD100;
	v6 =	vsel vm0, $0xFFFFFFFF, v6  }
0x37: {  	s24 =	simm.s32 $0xD900;
	s25 =	simm.s32 $0xE100;
	s28 =	simm.s32 $0xF100;
	vm0 =	vgt.u32 v5, $0x4;
	[tilespmem:$0x1FFA0] =	vst v6;
	v6 =	vimm.s32 $0x0  }
0x38: {  	vm15 =	vmmov $0xffff;
	vm1 =	vcmask $0xB08;
	s29 =	simm.s32 $0xF900;
	s30 =	simm.s32 $0x10100;
	s31 =	simm.s32 $0x10900;
	v6 =	vsel vm0, $0xFFFFFFFF, v6  }
0x39: {  	vm2 =	vcmask $0xF0C;
	s4 =	sadd.s32 $0x41E00, s1;
	s9 =	sadd.s32 $0x41C00, s1;
	s10 =	sadd.s32 $0x42000, s1;
	vm0 =	vgt.u32 v5, $0x3;
	[tilespmem:$0x1FFB0] =	vst v6;
	v6 =	vimm.s32 $0x0  }
0x3a: {  	vm3 =	vcmask $0x1310;
	vm4 =	vcmask $0x1714;
	s11 =	sadd.s32 $0x42100, s1;
	s0 =	ssub.s32 $0x2, s0;
	s3 =	sshll.u32 s5, $0xD;
	[tilespmem:$0x1FEF0] =	vst v0;
	v6 =	vsel vm0, $0xFFFFFFFF, v6  }
0x3b: {  	vm5 =	vcmask $0x1B18;
	s6 =	sshll.u32 s5, $0x3;
	s26 =	sshrl.u32 s0, $0x1;
	[dreg:$0x2] =	wrdreg s9;
	vm0 =	vgt.u32 v5, $0x2;
	[tilespmem:$0x1FFC0] =	vst v6;
	v6 =	vimm.s32 $0x0  }
.Ltmp0:
0x3c: {  	vm6 =	vcmask $0x1F1C;
	s9 =	sadd.s32 $0x41F00, s1;
	p0 =	sne.s32 s5, $0x0;
	v0 =	vlaneseq.u32;
	[tilespmem:$0x1FF00] =	vst v1;
	v6 =	vsel vm0, $0xFFFFFFFF, v6;
	(pc) =	sbr.rel .LBB2_1-.Ltmp0, $4  }
0x3d: {  	s5 =	simm.s32 $0x1080;
	s8 =	sadd.s32 s3, s1;
	s3 =	sadd.s32 $0x41800, s1;
	v1 =	vimm.s32 $0x0;
	vm0 =	vgt.u32 v5, $0x1;
	[tilespmem:$0x1FFD0] =	vst v6;
	v6 =	vimm.s32 $0x0  }
0x3e: {  	s7 =	sadd.s32 s6, s1;
	s0 =	ssub.s32 s0, s26;
	s26 =	simm.s32 $0xE900;
	v6 =	vsel vm0, $0xFFFFFFFF, v6;
	vm0 =	veq.s32 v5, $0x0;
	v5 =	vimm.s32 $0x0  }
0x3f: {  	s1 =	simm.s32 $0x1;
	s6 =	sadd.s32 $0x41A00, s7;
	s7 =	sadd.s32 $0xB9E00, s7;
	v3 =	vshrl.u32 v0, $0x3;
	v2 =	vand.u32 $0x7, v0;
	[tilespmem:$0x1FFE0] =	vst v6;
	v5 =	vsel vm0, $0xFFFFFFFF, v5  }
0x40: {  	s8 =	sadd.s32 $0x1800, s8;
	s12 =	smax.u32 s0, $0x1;
	s0 =	simm.s32 $0x80;
	v4 =	vor.u32 $0x8, v0;
	v3 =	vmul.u32 $0x8, v3;
	vm0 =	vcmask $0x704;
	[tilespmem:$0x1FFF0] =	vst v5  }
.LBB2_3:
0x41: {  	s12 =	sadd.s32 $0xFFFFFFFF, s12  }
0x42: {  	p1 =	sne.s32 s12, $0x0  }
.Ltmp1:
0x43: {  	_ = 	snop;
	(pc) =	sbr.rel @!p1 .LBB2_4-.Ltmp1, $1  }
0x44: {  	_ =	sdelay $0x3  }
.LBB2_1:
0x45: {  	[tilespmem:s2], [sflag:$0x2] =	stream.linear.gather [hbm4b:s6+s2], $0x40, $0x38;
	[tilespmem:$0x11200] =	vst v63  }
0x46: {  	_ =	swait.ge [sflag:s13], $0x40  }
0x47: {  	[sflag:s13] =	ssyncset.done $0x0  }
0x48: {  	[sflag:s13] =	ssyncadd.s32 $0xFFFFFFC0  }
0x49: {  	[tilespmem:s0], [sflag:$0x2] =	stream.linear.gather [hbm4b:s3+s2], $0x1000, $0x38;
	[tilespmem:$0x11200] =	vst v63  }
0x4a: {  	_ =	swait.ge [sflag:s13], $0x1000  }
0x4b: {  	[sflag:s13] =	ssyncset.done $0x0;
	v25 =	vld [tilespmem:$0x1FFF0]  }
0x4c: {  	v51 =	vld [tilespmem:$0x1FFE0];
	[sflag:s13] =	ssyncadd.s32 $0xFFFFF000  }
0x4d: {  	v5 =	vld [tilespmem:$0x80]  }
0x4e: {  	v6 =	vld [tilespmem:$0x100];
	_ =	sdelay $0x3  }
0x4f: {  	vm7 =	vnez.u8 v25  }
0x50: {  	v12 =	vadd.s32 v6, v5;
	v5 =	vsel vm7, $0x0, v5;
	vm7 =	vnez.u8 v51  }
0x51: {  	v6 =	vnsel vm7, $0x0, v6  }
0x52: {  	v5 =	vadd.s32 v5, v6;
	v6 =	vld [tilespmem:$0x1FFD0]  }
0x53: {  	v7 =	vld [tilespmem:$0x180];
	_ =	sdelay $0x3  }
0x54: {  	vm7 =	vnez.u8 v6  }
0x55: {  	v6 =	vnsel vm7, $0x0, v7  }
0x56: {  	v5 =	vadd.s32 v6, v5;
	v6 =	vld [tilespmem:$0x1FFC0]  }
0x57: {  	v8 =	vld [tilespmem:$0x200];
	_ =	sdelay $0x3  }
0x58: {  	vm7 =	vnez.u8 v6  }
0x59: {  	v6 =	vnsel vm7, $0x0, v8  }
0x5a: {  	v5 =	vadd.s32 v6, v5;
	v6 =	vld [tilespmem:$0x1FFB0]  }
0x5b: {  	v9 =	vld [tilespmem:$0x280];
	_ =	sdelay $0x3  }
0x5c: {  	vm7 =	vnez.u8 v6  }
0x5d: {  	v6 =	vnsel vm7, $0x0, v9  }
0x5e: {  	v5 =	vadd.s32 v6, v5;
	v6 =	vld [tilespmem:$0x1FFA0]  }
0x5f: {  	v10 =	vld [tilespmem:$0x300];
	_ =	sdelay $0x3  }
0x60: {  	vm7 =	vnez.u8 v6  }
0x61: {  	v6 =	vnsel vm7, $0x0, v10  }
0x62: {  	v5 =	vadd.s32 v6, v5;
	v6 =	vld [tilespmem:$0x1FF90]  }
0x63: {  	v11 =	vld [tilespmem:$0x380];
	_ =	sdelay $0x3  }
0x64: {  	vm7 =	vnez.u8 v6  }
0x65: {  	v6 =	vnsel vm7, $0x0, v11  }
0x66: {  	v5 =	vadd.s32 v6, v5;
	v6 =	vld [tilespmem:$0x1FF80]  }
0x67: {  	v13 =	vld [tilespmem:$0x400];
	_ =	sdelay $0x3  }
0x68: {  	vm7 =	vnez.u8 v6  }
0x69: {  	v6 =	vnsel vm7, $0x0, v13  }
0x6a: {  	v5 =	vadd.s32 v6, v5;
	v6 =	vld [tilespmem:$0x1FF70]  }
0x6b: {  	v14 =	vld [tilespmem:$0x480];
	_ =	sdelay $0x3  }
0x6c: {  	vm7 =	vnez.u8 v6  }
0x6d: {  	v6 =	vnsel vm7, $0x0, v14  }
0x6e: {  	v5 =	vadd.s32 v6, v5;
	v6 =	vld [tilespmem:$0x1FF60]  }
0x6f: {  	v15 =	vld [tilespmem:$0x500];
	_ =	sdelay $0x3  }
0x70: {  	vm7 =	vnez.u8 v6  }
0x71: {  	v6 =	vnsel vm7, $0x0, v15  }
0x72: {  	v5 =	vadd.s32 v6, v5;
	v6 =	vld [tilespmem:$0x1FF50]  }
0x73: {  	v16 =	vld [tilespmem:$0x580];
	_ =	sdelay $0x3  }
0x74: {  	vm7 =	vnez.u8 v6  }
0x75: {  	v6 =	vnsel vm7, $0x0, v16  }
0x76: {  	v5 =	vadd.s32 v6, v5;
	v6 =	vld [tilespmem:$0x1FF40]  }
0x77: {  	v17 =	vld [tilespmem:$0x600];
	_ =	sdelay $0x3  }
0x78: {  	vm7 =	vnez.u8 v6  }
0x79: {  	v6 =	vnsel vm7, $0x0, v17  }
0x7a: {  	v5 =	vadd.s32 v6, v5;
	v6 =	vld [tilespmem:$0x1FF30]  }
0x7b: {  	v18 =	vld [tilespmem:$0x680];
	_ =	sdelay $0x3  }
0x7c: {  	vm7 =	vnez.u8 v6  }
0x7d: {  	v6 =	vnsel vm7, $0x0, v18  }
0x7e: {  	v5 =	vadd.s32 v6, v5;
	v6 =	vld [tilespmem:$0x1FF20]  }
0x7f: {  	v19 =	vld [tilespmem:$0x700];
	_ =	sdelay $0x3  }
0x80: {  	vm7 =	vnez.u8 v6  }
0x81: {  	v6 =	vnsel vm7, $0x0, v19  }
0x82: {  	v5 =	vadd.s32 v6, v5;
	v6 =	vld [tilespmem:$0x1FF10]  }
0x83: {  	v20 =	vld [tilespmem:$0x780];
	_ =	sdelay $0x3  }
0x84: {  	vm7 =	vnez.u8 v6  }
0x85: {  	v6 =	vnsel vm7, $0x0, v20  }
0x86: {  	v5 =	vadd.s32 v6, v5;
	v6 =	vld [tilespmem:$0x1FF00]  }
0x87: {  	v21 =	vld [tilespmem:$0x800];
	v12 =	vadd.s32 v7, v12  }
0x88: {  	v12 =	vadd.s32 v8, v12  }
0x89: {  	v12 =	vadd.s32 v9, v12  }
0x8a: {  	v12 =	vadd.s32 v10, v12  }
0x8b: {  	v12 =	vadd.s32 v11, v12;
	vm7 =	vnez.u8 v6  }
0x8c: {  	v12 =	vadd.s32 v13, v12;
	v6 =	vnsel vm7, $0x0, v21  }
0x8d: {  	v12 =	vadd.s32 v14, v12;
	v5 =	vadd.s32 v6, v5;
	v6 =	vld [tilespmem:$0x1FEF0]  }
0x8e: {  	v22 =	vld [tilespmem:$0x880];
	v12 =	vadd.s32 v15, v12  }
0x8f: {  	v23 =	vld [tilespmem:$0x900];
	v12 =	vadd.s32 v16, v12  }
0x90: {  	v24 =	vld [tilespmem:$0x980];
	v12 =	vadd.s32 v17, v12  }
0x91: {  	v52 =	vld [tilespmem:$0xA00];
	v12 =	vadd.s32 v18, v12  }
0x92: {  	v53 =	vld [tilespmem:$0xB00];
	v12 =	vadd.s32 v19, v12;
	vm7 =	vnez.u8 v6  }
0x93: {  	v7 =	vld [tilespmem:$0xA80];
	v12 =	vadd.s32 v20, v12;
	v6 =	vnsel vm7, $0x0, v22  }
0x94: {  	v12 =	vadd.s32 v21, v12;
	v5 =	vadd.s32 v6, v5;
	v6 =	vld [tilespmem:$0x1FEE0]  }
0x95: {  	v54 =	vld [tilespmem:$0xB80];
	v12 =	vadd.s32 v22, v12  }
0x96: {  	v55 =	vld [tilespmem:$0xC00];
	v12 =	vadd.s32 v23, v12  }
0x97: {  	v56 =	vld [tilespmem:$0xC80];
	v12 =	vadd.s32 v24, v12  }
0x98: {  	v57 =	vld [tilespmem:$0xD00];
	v12 =	vadd.s32 v52, v12  }
0x99: {  	v58 =	vld [tilespmem:$0xD80];
	v12 =	vadd.s32 v7, v12;
	vm7 =	vnez.u8 v6  }
0x9a: {  	v59 =	vld [tilespmem:$0xE00];
	v12 =	vadd.s32 v53, v12;
	v6 =	vnsel vm7, $0x0, v23  }
0x9b: {  	v12 =	vadd.s32 v54, v12;
	v5 =	vadd.s32 v6, v5;
	v6 =	vld [tilespmem:$0x1FED0]  }
0x9c: {  	v60 =	vld [tilespmem:$0xE80];
	v12 =	vadd.s32 v55, v12  }
0x9d: {  	v61 =	vld [tilespmem:$0xF00];
	v12 =	vadd.s32 v56, v12  }
0x9e: {  	v62 =	vld [tilespmem:$0xF80];
	v12 =	vadd.s32 v57, v12  }
0x9f: {  	v63 =	vld [tilespmem:$0x1000];
	v12 =	vadd.s32 v58, v12  }
0xa0: {  	v12 =	vadd.s32 v59, v12;
	vm7 =	vnez.u8 v6  }
0xa1: {  	v12 =	vadd.s32 v60, v12;
	v6 =	vnsel vm7, $0x0, v24;
	v24 =	vld [tilespmem:$0x1FEC0]  }
0xa2: {  	v12 =	vadd.s32 v61, v12  }
0xa3: {  	v28 =	vld [tilespmem:$0x1FEB0];
	v12 =	vadd.s32 v62, v12  }
0xa4: {  	v12 =	vadd.s32 v63, v12  }
0xa5: {  	v5 =	vadd.s32 v6, v5;
	v6 =	vadd.s32 $0xFF, v12  }
0xa6: {  	v26 =	vand.u32 $0xFF, v6;
	vm7 =	vnez.u8 v24  }
0xa7: {  	vm8 =	vne.s32 v26, $0x0;
	v12 =	vnsel vm7, $0x0, v52;
	vm7 =	vlt.s32 v6, $0x1  }
0xa8: {  	vm7 =	vmand vm7, vm8;
	vm8 =	vnez.u8 v28  }
0xa9: {  	v5 =	vadd.s32 v12, v5;
	v7 =	vnsel vm8, $0x0, v7  }
0xaa: {  	v5 =	vadd.s32 v7, v5;
	v7 =	vld [tilespmem:$0x1FEA0];
	_ =	sdelay $0x4  }
0xab: {  	v29 =	vsel vm7, $0xFFFFFFFF, v1;
	vm7 =	vnez.u8 v7  }
0xac: {  	v7 =	vnsel vm7, $0x0, v53  }
0xad: {  	v5 =	vadd.s32 v7, v5;
	v7 =	vld [tilespmem:$0x1FE90];
	_ =	sdelay $0x4  }
0xae: {  	vm8 =	vnez.u8 v7  }
0xaf: {  	v7 =	vnsel vm8, $0x0, v54  }
0xb0: {  	v5 =	vadd.s32 v7, v5;
	v7 =	vld [tilespmem:$0x1FE80];
	_ =	sdelay $0x4  }
0xb1: {  	vm8 =	vnez.u8 v7  }
0xb2: {  	v7 =	vnsel vm8, $0x0, v55  }
0xb3: {  	v5 =	vadd.s32 v7, v5;
	v7 =	vld [tilespmem:$0x1FE70];
	_ =	sdelay $0x4  }
0xb4: {  	vm8 =	vnez.u8 v7  }
0xb5: {  	v7 =	vnsel vm8, $0x0, v56  }
0xb6: {  	v5 =	vadd.s32 v7, v5;
	v7 =	vld [tilespmem:$0x1FE60];
	_ =	sdelay $0x4  }
0xb7: {  	vm8 =	vnez.u8 v7  }
0xb8: {  	v7 =	vnsel vm8, $0x0, v57  }
0xb9: {  	v5 =	vadd.s32 v7, v5;
	v7 =	vld [tilespmem:$0x1FE50];
	_ =	sdelay $0x4  }
0xba: {  	vm8 =	vnez.u8 v7  }
0xbb: {  	v7 =	vnsel vm8, $0x0, v58  }
0xbc: {  	v5 =	vadd.s32 v7, v5;
	v7 =	vld [tilespmem:$0x1FE40]  }
0xbd: {  	v27 =	vld [tilespmem:$0x0];
	v25 =	vshra.s32 v6, $0x1F  }
0xbe: {  	v19 =	vshrl.u32 v25, $0x18  }
0xbf: {  	v6 =	vadd.s32 v19, v6  }
0xc0: {  	v6 =	vshrl.u32 v6, $0x8  }
0xc1: {  	v6 =	vadd.s32 v29, v6;
	vm9 =	vnez.u8 v7  }
0xc2: {  	v34 =	vld [tilespmem:$0x1FE20];
	v6 =	vshll.u32 v6, $0x8;
	vm7 =	veq.s32 v27, $0x0;
	v7 =	vnsel vm9, $0x0, v59  }
0xc3: {  	vm10 =	veq.s32 v27, $0x1;
	(xrf0) =	vadd.scan.msk.s32 $0xffff, v6;
	v30 =	vsel vm7, $0x1, v1;
	v7 =	vadd.s32 v7, v5;
	v5 =	vld [tilespmem:$0x1FE30]  }
0xc4: {  	v31 =	vsel vm10, $0x1, v1;
	(xrf0) =	vadd.scan.msk.s32 $0xffff, v30  }
0xc5: {  	v37 =	vld [tilespmem:$0x1FE10];
	(xrf0) =	vadd.scan.msk.s32 $0xffff, v31  }
0xc6: {  	vm8 =	veq.s32 v27, $0x2  }
0xc7: {  	v32 =	vsel vm8, $0x1, v1  }
0xc8: {  	vm11 =	vnez.u8 v34;
	vm14 =	veq.s32 v27, $0x4;
	(xrf0) =	vadd.scan.msk.s32 $0xffff, v32;
	vm9 =	vnez.u8 v5  }
0xc9: {  	v41 =	vsel vm14, $0x1, v1;
	v8 =	vnsel vm11, $0x0, v61;
	v5, _, _ =	vpop (xrf0);
	v33 =	vnsel vm9, $0x0, v60  }
0xca: {  	vm11 =	vnez.u8 v37;
	vm9 =	veq.s32 v27, $0x3;
	v35, _, _ =	vpop (xrf0);
	v7 =	vadd.s32 v33, v7  }
0xcb: {  	v36 =	vsel vm9, $0x1, v1;
	v38 =	vadd.s32 $0xFFFFFFFF, v35;
	v9 =	vbroadcast v35, $0xF;
	v39, _, _ =	vpop (xrf0)  }
0xcc: {  	v7 =	vadd.s32 v8, v7;
	v8 =	vnsel vm11, $0x0, v62;
	(xrf0) =	vadd.scan.msk.s32 $0xffff, v36;
	v40 =	vbroadcast v39, $0xF  }
0xcd: {  	vm11 =	veq.s32 v27, $0x5;
	v10 =	vadd.s32 $0xFFFFFFFF, v39;
	v8 =	vadd.s32 v8, v7  }
0xce: {  	v42, _, _ =	vpop (xrf0);
	v7 =	vnsel vm7, $0x0, v38;
	vm7 =	vmmov $0x1;
	(xrf0) =	vadd.scan.msk.s32 $0xffff, v41;
	v43 =	vsel vm11, $0x1, v1  }
0xcf: {  	v9 =	vnsel vm7, $0x0, v9;
	v10 =	vsel vm10, v10, v7;
	v7 =	vnsel vm0, $0x0, v40  }
0xd0: {  	vm12 =	veq.s32 v27, $0x6;
	vm13 =	veq.s32 v27, $0x7;
	(xrf0) =	vadd.scan.msk.s32 $0xffff, v43;
	v9 =	vadd.s32 v7, v9;
	v7 =	vld [tilespmem:$0x10]  }
0xd1: {  	v48 =	vsel vm12, $0x1, v1;
	v6 =	vsub.s32 v5, v6;
	v44 =	vbroadcast v42, $0xF  }
0xd2: {  	v51 =	vsel vm13, $0x1, v1;
	v45 =	vadd.s32 $0xFFFFFFFF, v42;
	v8 =	vadd.s32 v6, v8;
	v46, _, _ =	vpop (xrf0)  }
0xd3: {  	v11 =	vnsel vm1, $0x0, v44;
	v10 =	vsel vm8, v45, v10;
	v49 =	vadd.s32 $0xFFFFFFFF, v46  }
0xd4: {  	v9 =	vadd.s32 v11, v9;
	(xrf0) =	vadd.scan.msk.s32 $0xffff, v48;
	v47 =	vbroadcast v46, $0xF;
	v52, _, _ =	vpop (xrf0);
	v6 =	vsel vm9, v49, v10  }
0xd5: {  	(xrf0) =	vadd.scan.msk.s32 $0xffff, v51;
	v53 =	vadd.s32 $0xFFFFFFFF, v52;
	v10 =	vbroadcast v52, $0xF;
	vm9 =	veq.s32 v7, $0x0  }
0xd6: {  	v54, _, _ =	vpop (xrf0);
	vm8 =	veq.s32 v7, $0x1;
	vm10 =	veq.s32 v7, $0x2;
	v50 =	vnsel vm2, $0x0, v47  }
0xd7: {  	v6 =	vsel vm14, v53, v6;
	v55 =	vadd.s32 $0xFFFFFFFF, v54;
	v56 =	vsel vm9, $0x1, v1  }
0xd8: {  	[tilespmem:$0x11100] =	vst v8;
	v57 =	vbroadcast v54, $0xF;
	v59 =	vsel vm8, $0x1, v1;
	v61 =	vsel vm10, $0x1, v1  }
0xd9: {  	v9 =	vadd.s32 v50, v9;
	v10 =	vnsel vm3, $0x0, v10;
	v6 =	vsel vm11, v55, v6;
	(xrf0) =	vadd.scan.msk.s32 $0xffff, v56  }
0xda: {  	v18 =	vld.idx.msk [tilespmem:v27+s15+$0x0], $0xffff;
	vm11 =	veq.s32 v7, $0x3;
	v9 =	vadd.s32 v10, v9;
	v11 =	vnsel vm4, $0x0, v57;
	v58, _, _ =	vpop (xrf0)  }
0xdb: {  	v19 =	vsel vm11, $0x1, v1;
	(xrf0) =	vadd.scan.msk.s32 $0xffff, v59;
	v9 =	vadd.s32 v11, v9;
	v60 =	vadd.s32 $0xFFFFFFFF, v58;
	v62, _, _ =	vpop (xrf0)  }
0xdc: {  	v12 =	vbroadcast v58, $0xF;
	v6 =	vsel vm12, v60, v6;
	v63 =	vadd.s32 $0xFFFFFFFF, v62  }
0xdd: {  	(xrf0) =	vadd.scan.msk.s32 $0xffff, v61;
	vm12 =	veq.s32 v7, $0x4;
	v13 =	vsel vm13, v63, v6;
	v6 =	vbroadcast v62, $0xF  }
0xde: {  	(xrf0) =	vadd.scan.msk.s32 $0xffff, v19;
	v20 =	vnsel vm5, $0x0, v12;
	v22 =	vsel vm12, $0x1, v1;
	vm13 =	veq.s32 v7, $0x7  }
0xdf: {  	v21, _, _ =	vpop (xrf0);
	v9 =	vadd.s32 v20, v9;
	v13 =	vadd.s32 v18, v13;
	v32 =	vsel vm13, $0x1, v1  }
0xe0: {  	v6 =	vnsel vm6, $0x0, v6;
	v23 =	vadd.s32 $0xFFFFFFFF, v21;
	v11 =	vbroadcast v21, $0xF  }
0xe1: {  	(xrf0) =	vadd.scan.msk.s32 $0xffff, v22;
	v9 =	vadd.s32 v6, v9;
	v10 =	vnsel vm9, $0x0, v23;
	v24, _, _ =	vpop (xrf0);
	vm9 =	veq.s32 v7, $0x5  }
0xe2: {  	v6 =	vld [tilespmem:$0x20];
	v25 =	vadd.s32 $0xFFFFFFFF, v24;
	v27 =	vsel vm9, $0x1, v1;
	v8 =	vadd.s32 v8, v9  }
0xe3: {  	v26, _, _ =	vpop (xrf0);
	v12 =	vbroadcast v24, $0xF;
	v11 =	vnsel vm7, $0x0, v11;
	v10 =	vsel vm8, v25, v10  }
0xe4: {  	v28 =	vadd.s32 $0xFFFFFFFF, v26;
	vm8 =	veq.s32 v7, $0x6;
	v29, _, _ =	vpop (xrf0);
	v15 =	vbroadcast v26, $0xF  }
0xe5: {  	(xrf0) =	vadd.scan.msk.s32 $0xffff, v27;
	v10 =	vsel vm10, v28, v10;
	v30 =	vsel vm8, $0x1, v1;
	v31 =	vadd.s32 $0xFFFFFFFF, v29  }
0xe6: {  	v14 =	vbroadcast v29, $0xF;
	v12 =	vnsel vm0, $0x0, v12;
	v9 =	vsel vm11, v31, v10  }
0xe7: {  	(xrf0) =	vadd.scan.msk.s32 $0xffff, v30;
	v33, _, _ =	vpop (xrf0);
	v15 =	vnsel vm1, $0x0, v15;
	v11 =	vadd.s32 v11, v12;
	vm14 =	veq.s32 v6, $0x0  }
0xe8: {  	v34 =	vadd.s32 $0xFFFFFFFF, v33;
	vm10 =	veq.s32 v6, $0x1;
	v14 =	vnsel vm2, $0x0, v14  }
0xe9: {  	(xrf0) =	vadd.scan.msk.s32 $0xffff, v32;
	vm11 =	veq.s32 v6, $0x2;
	v10 =	vbroadcast v33, $0xF;
	v11 =	vadd.s32 v15, v11  }
0xea: {  	v35 =	vsel vm14, $0x1, v1;
	v9 =	vsel vm12, v34, v9;
	v37 =	vsel vm10, $0x1, v1  }
0xeb: {  	v42 =	vsel vm11, $0x1, v1;
	vm12 =	veq.s32 v6, $0x3;
	v11 =	vadd.s32 v14, v11;
	(xrf0) =	vadd.scan.msk.s32 $0xffff, v35;
	v36, _, _ =	vpop (xrf0)  }
0xec: {  	v45 =	vsel vm12, $0x1, v1;
	v10 =	vnsel vm3, $0x0, v10;
	(xrf0) =	vadd.scan.msk.s32 $0xffff, v37;
	v38 =	vadd.s32 $0xFFFFFFFF, v36  }
0xed: {  	v10 =	vadd.s32 v10, v11;
	v16 =	vbroadcast v36, $0xF;
	v9 =	vsel vm9, v38, v9;
	v39, _, _ =	vpop (xrf0)  }
0xee: {  	[tilespmem:$0x1080] =	vst v13;
	vm9 =	veq.s32 v6, $0x5;
	v40 =	vadd.s32 $0xFFFFFFFF, v39;
	v17 =	vbroadcast v39, $0xF  }
0xef: {  	[tilespmem:$0x11100] =	vst v8;
	v41, _, _ =	vpop (xrf0);
	v50 =	vsel vm9, $0x1, v1;
	v16 =	vnsel vm4, $0x0, v16;
	v9 =	vsel vm8, v40, v9  }
0xf0: {  	(xrf0) =	vadd.scan.msk.s32 $0xffff, v42;
	v43 =	vadd.s32 $0xFFFFFFFF, v41;
	vm8 =	veq.s32 v6, $0x4;
	v19 =	vbroadcast v41, $0xF  }
0xf1: {  	v7 =	vld.idx.msk [tilespmem:v7+s15+$0x0], $0xffff;
	(xrf0) =	vadd.scan.msk.s32 $0xffff, v45;
	v10 =	vadd.s32 v16, v10;
	v9 =	vsel vm13, v43, v9;
	v44, _, _ =	vpop (xrf0);
	v47 =	vsel vm8, $0x1, v1  }
0xf2: {  	v17 =	vnsel vm5, $0x0, v17;
	v46 =	vadd.s32 $0xFFFFFFFF, v44;
	v48, _, _ =	vpop (xrf0);
	v19 =	vnsel vm6, $0x0, v19  }
0xf3: {  	v10 =	vadd.s32 v17, v10;
	v21 =	vnsel vm14, $0x0, v46;
	v49 =	vadd.s32 $0xFFFFFFFF, v48  }
0xf4: {  	(xrf0) =	vadd.scan.msk.s32 $0xffff, v47;
	v30 =	vbroadcast v44, $0xF;
	v20 =	vsel vm10, v49, v21;
	vm10 =	veq.s32 v6, $0x6;
	v21 =	vld [tilespmem:$0x30]  }
0xf5: {  	(xrf0) =	vadd.scan.msk.s32 $0xffff, v50;
	v10 =	vadd.s32 v19, v10;
	v31 =	vbroadcast v48, $0xF;
	v52 =	vsel vm10, $0x1, v1  }
0xf6: {  	v7 =	vadd.s32 v7, v9;
	v51, _, _ =	vpop (xrf0);
	v8 =	vadd.s32 v10, v8;
	v16 =	vnsel vm7, $0x0, v30;
	(xrf0) =	vadd.scan.msk.s32 $0xffff, v52  }
0xf7: {  	v53 =	vadd.s32 $0xFFFFFFFF, v51;
	v54, _, _ =	vpop (xrf0);
	v33 =	vbroadcast v51, $0xF;
	v9 =	vnsel vm0, $0x0, v31  }
0xf8: {  	v12 =	vsel vm11, v53, v20;
	vm11 =	veq.s32 v6, $0x7;
	v55 =	vadd.s32 $0xFFFFFFFF, v54  }
0xf9: {  	v57 =	vsel vm11, $0x1, v1;
	v12 =	vsel vm12, v55, v12;
	vm12 =	veq.s32 v21, $0x0  }
0xfa: {  	v13 =	vbroadcast v54, $0xF;
	v56, _, _ =	vpop (xrf0);
	(xrf0) =	vadd.scan.msk.s32 $0xffff, v57;
	vm13 =	veq.s32 v21, $0x1;
	v60 =	vsel vm12, $0x1, v1  }
0xfb: {  	v9 =	vadd.s32 v16, v9;
	v17 =	vnsel vm1, $0x0, v33;
	v59, _, _ =	vpop (xrf0);
	v62 =	vsel vm13, $0x1, v1;
	(xrf0) =	vadd.scan.msk.s32 $0xffff, v60  }
0xfc: {  	v13 =	vnsel vm2, $0x0, v13;
	v9 =	vadd.s32 v17, v9;
	v58 =	vadd.s32 $0xFFFFFFFF, v56;
	v63, _, _ =	vpop (xrf0);
	(xrf0) =	vadd.scan.msk.s32 $0xffff, v62  }
0xfd: {  	vm14 =	veq.s32 v21, $0x2;
	v15 =	vbroadcast v56, $0xF;
	v9 =	vadd.s32 v13, v9  }
0xfe: {  	v12 =	vsel vm8, v58, v12;
	v61 =	vadd.s32 $0xFFFFFFFF, v59;
	v29 =	vsel vm14, $0x1, v1  }
0xff: {  	[tilespmem:$0x1090] =	vst v7;
	v14 =	vbroadcast v59, $0xF;
	v11 =	vsel vm9, v61, v12;
	vm9 =	veq.s32 v21, $0x3  }
0x100: {  	vm8 =	veq.s32 v21, $0x4;
	v15 =	vnsel vm3, $0x0, v15;
	v37 =	vsel vm9, $0x1, v1;
	(xrf0) =	vadd.scan.msk.s32 $0xffff, v29;
	v32, _, _ =	vpop (xrf0)  }
0x101: {  	v40 =	vsel vm8, $0x1, v1;
	v7 =	vnsel vm4, $0x0, v14;
	v9 =	vadd.s32 v15, v9;
	(xrf0) =	vadd.scan.msk.s32 $0xffff, v37;
	v35, _, _ =	vpop (xrf0)  }
0x102: {  	v28 =	vadd.s32 $0xFFFFFFFF, v63;
	v12 =	vbroadcast v63, $0xF;
	v7 =	vadd.s32 v7, v9;
	v20, _, _ =	vpop (xrf0);
	(xrf0) =	vadd.scan.msk.s32 $0xffff, v40  }
0x103: {  	[tilespmem:$0x11100] =	vst v8;
	v11 =	vsel vm10, v28, v11;
	vm10 =	veq.s32 v21, $0x5;
	v34 =	vadd.s32 $0xFFFFFFFF, v32  }
0x104: {  	v6 =	vld.idx.msk [tilespmem:v6+s15+$0x0], $0xffff;
	v42 =	vsel vm10, $0x1, v1;
	v10 =	vbroadcast v32, $0xF;
	v12 =	vnsel vm5, $0x0, v12  }
0x105: {  	v11 =	vsel vm11, v34, v11;
	vm11 =	veq.s32 v21, $0x6;
	v36 =	vadd.s32 $0xFFFFFFFF, v35  }
0x106: {  	v7 =	vadd.s32 v12, v7;
	v19 =	vnsel vm12, $0x0, v36;
	v38 =	vadd.s32 $0xFFFFFFFF, v20;
	v39, _, _ =	vpop (xrf0)  }
0x107: {  	v43 =	vsel vm11, $0x1, v1;
	v19 =	vsel vm13, v38, v19;
	v41 =	vadd.s32 $0xFFFFFFFF, v39;
	v44, _, _ =	vpop (xrf0)  }
0x108: {  	v10 =	vnsel vm6, $0x0, v10;
	v19 =	vsel vm14, v41, v19;
	v45 =	vadd.s32 $0xFFFFFFFF, v44;
	v46, _, _ =	vpop (xrf0)  }
0x109: {  	v6 =	vadd.s32 v6, v11;
	(xrf0) =	vadd.scan.msk.s32 $0xffff, v42;
	v13 =	vsel vm9, v45, v19;
	v48 =	vadd.s32 $0xFFFFFFFF, v46  }
0x10a: {  	v52 =	vbroadcast v35, $0xF;
	(xrf0) =	vadd.scan.msk.s32 $0xffff, v43;
	v12 =	vsel vm8, v48, v13;
	vm8 =	veq.s32 v21, $0x7  }
0x10b: {  	v7 =	vadd.s32 v10, v7;
	[tilespmem:$0x10A0] =	vst v6;
	v53 =	vbroadcast v20, $0xF;
	v51 =	vsel vm8, $0x1, v1  }
0x10c: {  	v7 =	vadd.s32 v7, v8;
	v6 =	vnsel vm7, $0x0, v52;
	v56 =	vbroadcast v39, $0xF;
	(xrf0) =	vadd.scan.msk.s32 $0xffff, v51  }
0x10d: {  	v55 =	vnsel vm0, $0x0, v53;
	v57 =	vbroadcast v44, $0xF;
	v6 =	vadd.s32 v6, v7  }
0x10e: {  	[tilespmem:$0x11100] =	vst v7;
	v7 =	vnsel vm1, $0x0, v56;
	v6 =	vadd.s32 v55, v6  }
0x10f: {  	v59 =	vnsel vm2, $0x0, v57;
	v6 =	vadd.s32 v7, v6;
	v47, _, _ =	vpop (xrf0);
	v14 =	vbroadcast v46, $0xF  }
0x110: {  	v58 =	vld.idx.msk [tilespmem:v21+s15+$0x0], $0xffff;
	v6 =	vadd.s32 v59, v6;
	v49 =	vadd.s32 $0xFFFFFFFF, v47;
	v50, _, _ =	vpop (xrf0);
	v9 =	vbroadcast v47, $0xF  }
0x111: {  	v12 =	vsel vm10, v49, v12;
	v54 =	vadd.s32 $0xFFFFFFFF, v50;
	v60 =	vnsel vm3, $0x0, v14  }
0x112: {  	v61 =	vbroadcast v50, $0xF;
	v12 =	vsel vm11, v54, v12;
	v7 =	vnsel vm4, $0x0, v9;
	v62, _, _ =	vpop (xrf0)  }
0x113: {  	v6 =	vadd.s32 v60, v6;
	v63 =	vadd.s32 $0xFFFFFFFF, v62;
	v10 =	vbroadcast v62, $0xF  }
0x114: {  	v9 =	vnsel vm5, $0x0, v61;
	v6 =	vadd.s32 v7, v6;
	v8 =	vsel vm8, v63, v12  }
0x115: {  	v6 =	vadd.s32 v9, v6;
	v7 =	vnsel vm6, $0x0, v10;
	v8 =	vadd.s32 v58, v8  }
0x116: {  	[tilespmem:$0x10B0] =	vst v8;
	v6 =	vadd.s32 v7, v6  }
0x117: {  	[tilespmem:$0x11100] =	vst v6  }
0x118: {  	[hbm4b:s7+s2] =	stream.linear.scatter [tilespmem:s5], [sflag:$0x2], $0x40, $0x38;
	[tilespmem:$0x11200] =	vst v63  }
0x119: {  	_ =	swait.ge [sflag:s13], $0x40  }
0x11a: {  	[sflag:s13] =	ssyncset.done $0x0  }
0x11b: {  	[sflag:s13] =	ssyncadd.s32 $0xFFFFFFC0  }
0x11c: {  	[tilespmem:s17], [sflag:$0x2] =	stream.linear.gather [hbm4b:s8+s2], $0x10000, $0x38;
	[tilespmem:$0x11200] =	vst v63  }
0x11d: {  	_ =	swait.ge [sflag:s13], $0x10000  }
0x11e: {  	[sflag:s13] =	ssyncset.done $0x0  }
0x11f: {  	[sflag:s13] =	ssyncadd.s32 $0xFFFF0000  }
0x120: {  	v6 =	vld [tilespmem:$0x1080];
	_ =	sdelay $0x4  }
0x121: {  	v7 =	vshll.u32 v6, $0x3  }
0x122: {  	v6 =	vand.u32 $0x7, v6;
	v7 =	vand.u32 $0xFFFFFFC0, v7  }
0x123: {  	v6 =	vor.u32 v6, v7  }
0x124: {  	v7 =	vperm.xlane v6, v2;
	_ =	sdelay $0x1  }
0x125: {  	v7 =	vadd.s32 v3, v7;
	_ =	sdelay $0x4  }
0x126: {  	[hbm4b:s4+s2] =	stream.indirect_vreg.scatter [tilespmem:s17], [sflag:$0x1], $0x80, v7, vm15, $0xb8;
	[tilespmem:$0x11200] =	vst v63  }
0x127: {  	s14 =	simm.s32 $0x1900;
	v6 =	vperm.xlane v6, v4  }
0x128: {  	[hbm4b:s9+s2] =	stream.indirect_vreg.scatter [tilespmem:s14], [sflag:$0x1], $0x80, v7, vm15, $0xb8;
	[tilespmem:$0x11200] =	vst v63  }
0x129: {  	v6 =	vadd.s32 v3, v6;
	s14 =	simm.s32 $0x2100  }
0x12a: {  	[hbm4b:s10+s2] =	stream.indirect_vreg.scatter [tilespmem:s14], [sflag:$0x1], $0x80, v7, vm15, $0xb8;
	[tilespmem:$0x11200] =	vst v63  }
0x12b: {  	s14 =	simm.s32 $0x2900  }
0x12c: {  	[hbm4b:s11+s2] =	stream.indirect_vreg.scatter [tilespmem:s14], [sflag:$0x1], $0x80, v7, vm15, $0xb8;
	[tilespmem:$0x11200] =	vst v63  }
0x12d: {  	s14 =	simm.s32 $0x3100  }
0x12e: {  	[hbm4b:s4+s2] =	stream.indirect_vreg.scatter [tilespmem:s14], [sflag:$0x1], $0x80, v6, vm15, $0xb8;
	[tilespmem:$0x11200] =	vst v63  }
0x12f: {  	s14 =	simm.s32 $0x3900  }
0x130: {  	[hbm4b:s9+s2] =	stream.indirect_vreg.scatter [tilespmem:s14], [sflag:$0x1], $0x80, v6, vm15, $0xb8;
	[tilespmem:$0x11200] =	vst v63  }
0x131: {  	s14 =	simm.s32 $0x4100  }
0x132: {  	[hbm4b:s10+s2] =	stream.indirect_vreg.scatter [tilespmem:s14], [sflag:$0x1], $0x80, v6, vm15, $0xb8;
	[tilespmem:$0x11200] =	vst v63  }
0x133: {  	s14 =	simm.s32 $0x4900  }
0x134: {  	[hbm4b:s11+s2] =	stream.indirect_vreg.scatter [tilespmem:s14], [sflag:$0x1], $0x80, v6, vm15, $0xb8;
	[tilespmem:$0x11200] =	vst v63  }
0x135: {  	v6 =	vld [tilespmem:$0x1090];
	_ =	sdelay $0x4  }
0x136: {  	v7 =	vshll.u32 v6, $0x3  }
0x137: {  	v6 =	vand.u32 $0x7, v6;
	v7 =	vand.u32 $0xFFFFFFC0, v7  }
0x138: {  	v6 =	vor.u32 v6, v7  }
0x139: {  	v7 =	vperm.xlane v6, v2;
	_ =	sdelay $0x1  }
0x13a: {  	v7 =	vadd.s32 v3, v7;
	_ =	sdelay $0x3  }
0x13b: {  	s14 =	simm.s32 $0x5100  }
0x13c: {  	[hbm4b:s4+s2] =	stream.indirect_vreg.scatter [tilespmem:s14], [sflag:$0x1], $0x80, v7, vm15, $0xb8;
	[tilespmem:$0x11200] =	vst v63  }
0x13d: {  	v6 =	vperm.xlane v6, v4;
	s14 =	simm.s32 $0x5900  }
0x13e: {  	[hbm4b:s9+s2] =	stream.indirect_vreg.scatter [tilespmem:s14], [sflag:$0x1], $0x80, v7, vm15, $0xb8;
	[tilespmem:$0x11200] =	vst v63  }
0x13f: {  	v6 =	vadd.s32 v3, v6;
	s14 =	simm.s32 $0x6100  }
0x140: {  	[hbm4b:s10+s2] =	stream.indirect_vreg.scatter [tilespmem:s14], [sflag:$0x1], $0x80, v7, vm15, $0xb8;
	[tilespmem:$0x11200] =	vst v63  }
0x141: {  	s14 =	simm.s32 $0x6900  }
0x142: {  	[hbm4b:s11+s2] =	stream.indirect_vreg.scatter [tilespmem:s14], [sflag:$0x1], $0x80, v7, vm15, $0xb8;
	[tilespmem:$0x11200] =	vst v63  }
0x143: {  	s14 =	simm.s32 $0x7100  }
0x144: {  	[hbm4b:s4+s2] =	stream.indirect_vreg.scatter [tilespmem:s14], [sflag:$0x1], $0x80, v6, vm15, $0xb8;
	[tilespmem:$0x11200] =	vst v63  }
0x145: {  	s14 =	simm.s32 $0x7900  }
0x146: {  	[hbm4b:s9+s2] =	stream.indirect_vreg.scatter [tilespmem:s14], [sflag:$0x1], $0x80, v6, vm15, $0xb8;
	[tilespmem:$0x11200] =	vst v63  }
0x147: {  	s14 =	simm.s32 $0x8100  }
0x148: {  	[hbm4b:s10+s2] =	stream.indirect_vreg.scatter [tilespmem:s14], [sflag:$0x1], $0x80, v6, vm15, $0xb8;
	[tilespmem:$0x11200] =	vst v63  }
0x149: {  	s14 =	simm.s32 $0x8900  }
0x14a: {  	[hbm4b:s11+s2] =	stream.indirect_vreg.scatter [tilespmem:s14], [sflag:$0x1], $0x80, v6, vm15, $0xb8;
	[tilespmem:$0x11200] =	vst v63  }
0x14b: {  	v6 =	vld [tilespmem:$0x10A0];
	_ =	sdelay $0x4  }
0x14c: {  	v7 =	vshll.u32 v6, $0x3  }
0x14d: {  	v6 =	vand.u32 $0x7, v6;
	v7 =	vand.u32 $0xFFFFFFC0, v7  }
0x14e: {  	v6 =	vor.u32 v6, v7  }
0x14f: {  	v7 =	vperm.xlane v6, v2;
	_ =	sdelay $0x1  }
0x150: {  	v7 =	vadd.s32 v3, v7;
	_ =	sdelay $0x3  }
0x151: {  	s14 =	simm.s32 $0x9100  }
0x152: {  	[hbm4b:s4+s2] =	stream.indirect_vreg.scatter [tilespmem:s14], [sflag:$0x1], $0x80, v7, vm15, $0xb8;
	[tilespmem:$0x11200] =	vst v63  }
0x153: {  	v6 =	vperm.xlane v6, v4;
	s14 =	simm.s32 $0x9900  }
0x154: {  	[hbm4b:s9+s2] =	stream.indirect_vreg.scatter [tilespmem:s14], [sflag:$0x1], $0x80, v7, vm15, $0xb8;
	[tilespmem:$0x11200] =	vst v63  }
0x155: {  	v6 =	vadd.s32 v3, v6  }
0x156: {  	[hbm4b:s10+s2] =	stream.indirect_vreg.scatter [tilespmem:s16], [sflag:$0x1], $0x80, v7, vm15, $0xb8;
	[tilespmem:$0x11200] =	vst v63  }
0x157: {  	_ = 	snop  }
0x158: {  	[hbm4b:s11+s2] =	stream.indirect_vreg.scatter [tilespmem:s18], [sflag:$0x1], $0x80, v7, vm15, $0xb8;
	[tilespmem:$0x11200] =	vst v63  }
0x159: {  	_ = 	snop  }
0x15a: {  	[hbm4b:s4+s2] =	stream.indirect_vreg.scatter [tilespmem:s19], [sflag:$0x1], $0x80, v6, vm15, $0xb8;
	[tilespmem:$0x11200] =	vst v63  }
0x15b: {  	_ = 	snop  }
0x15c: {  	[hbm4b:s9+s2] =	stream.indirect_vreg.scatter [tilespmem:s20], [sflag:$0x1], $0x80, v6, vm15, $0xb8;
	[tilespmem:$0x11200] =	vst v63  }
0x15d: {  	_ = 	snop  }
0x15e: {  	[hbm4b:s10+s2] =	stream.indirect_vreg.scatter [tilespmem:s21], [sflag:$0x1], $0x80, v6, vm15, $0xb8;
	[tilespmem:$0x11200] =	vst v63  }
0x15f: {  	_ = 	snop  }
0x160: {  	[hbm4b:s11+s2] =	stream.indirect_vreg.scatter [tilespmem:s22], [sflag:$0x1], $0x80, v6, vm15, $0xb8;
	[tilespmem:$0x11200] =	vst v63  }
0x161: {  	v6 =	vld [tilespmem:$0x10B0];
	_ =	sdelay $0x4  }
0x162: {  	v7 =	vshll.u32 v6, $0x3  }
0x163: {  	v6 =	vand.u32 $0x7, v6;
	v7 =	vand.u32 $0xFFFFFFC0, v7  }
0x164: {  	v6 =	vor.u32 v6, v7  }
0x165: {  	v7 =	vperm.xlane v6, v2;
	_ =	sdelay $0x1  }
0x166: {  	v7 =	vadd.s32 v3, v7;
	_ =	sdelay $0x4  }
0x167: {  	[hbm4b:s4+s2] =	stream.indirect_vreg.scatter [tilespmem:s23], [sflag:$0x1], $0x80, v7, vm15, $0xb8;
	[tilespmem:$0x11200] =	vst v63  }
0x168: {  	v6 =	vperm.xlane v6, v4  }
0x169: {  	[hbm4b:s9+s2] =	stream.indirect_vreg.scatter [tilespmem:s24], [sflag:$0x1], $0x80, v7, vm15, $0xb8;
	[tilespmem:$0x11200] =	vst v63  }
0x16a: {  	v6 =	vadd.s32 v3, v6  }
0x16b: {  	[hbm4b:s10+s2] =	stream.indirect_vreg.scatter [tilespmem:s25], [sflag:$0x1], $0x80, v7, vm15, $0xb8;
	[tilespmem:$0x11200] =	vst v63  }
0x16c: {  	_ = 	snop  }
0x16d: {  	[hbm4b:s11+s2] =	stream.indirect_vreg.scatter [tilespmem:s26], [sflag:$0x1], $0x80, v7, vm15, $0xb8;
	[tilespmem:$0x11200] =	vst v63  }
0x16e: {  	_ = 	snop  }
0x16f: {  	[hbm4b:s4+s2] =	stream.indirect_vreg.scatter [tilespmem:s28], [sflag:$0x1], $0x80, v6, vm15, $0xb8;
	[tilespmem:$0x11200] =	vst v63  }
0x170: {  	_ = 	snop  }
0x171: {  	[hbm4b:s9+s2] =	stream.indirect_vreg.scatter [tilespmem:s29], [sflag:$0x1], $0x80, v6, vm15, $0xb8;
	[tilespmem:$0x11200] =	vst v63  }
0x172: {  	_ = 	snop  }
0x173: {  	[hbm4b:s10+s2] =	stream.indirect_vreg.scatter [tilespmem:s30], [sflag:$0x1], $0x80, v6, vm15, $0xb8;
	[tilespmem:$0x11200] =	vst v63  }
.Ltmp2:
0x174: {  	_ = 	snop;
	(pc) =	sbr.rel @p0 .LBB2_3-.Ltmp2, $4  }
0x175: {  	[hbm4b:s11+s2] =	stream.indirect_vreg.scatter [tilespmem:s31], [sflag:$0x1], $0x80, v6, vm15, $0xb8;
	[tilespmem:$0x11200] =	vst v63  }
0x176: {  	_ =	swait.ge [sflag:s1], $0x10000  }
0x177: {  	[sflag:s1] =	ssyncset.done $0x0  }
0x178: {  	[sflag:s1] =	ssyncadd.s32 $0xFFFF0000  }
0x179: {  	v6 =	vnsel vm7, $0x0, v5;
	vm7 =	vcmask $0x308  }
0x17a: {  	(xrf0) =	vadd.scan.msk.s32 $0xffff, v6;
	v6 =	vsel vm7, $0x0, v5  }
0x17b: {  	(v2sf) =	vpush v5, $0xF;
	vm7 =	vcmask $0x70C;
	(xrf0) =	vadd.scan.msk.s32 $0xffff, v6  }
0x17c: {  	v6 =	vsel vm7, $0x0, v5  }
0x17d: {  	vm7 =	vcmask $0xB10;
	(xrf0) =	vadd.scan.msk.s32 $0xffff, v6  }
0x17e: {  	v6 =	vsel vm7, $0x0, v5;
	vm7 =	vcmask $0xF14  }
0x17f: {  	(xrf0) =	vadd.scan.msk.s32 $0xffff, v6;
	v6 =	vsel vm7, $0x0, v5;
	vm7 =	vcmask $0x1318  }
0x180: {  	v7, _, _ =	vpop (xrf0);
	(xrf0) =	vadd.scan.msk.s32 $0xffff, v6;
	v6 =	vsel vm7, $0x0, v5;
	vm7 =	vcmask $0x171C  }
0x181: {  	v8 =	vmul.u32 $0x100, v0;
	v9, _, _ =	vpop (xrf0);
	(xrf0) =	vadd.scan.msk.s32 $0xffff, v6;
	v6 =	vsel vm7, $0x0, v5;
	vm7 =	vcmask $0x1B20  }
0x182: {  	v7 =	vbroadcast v7, $0xF;
	v5 =	vsel vm7, $0x0, v5  }
0x183: {  	v9 =	vbroadcast v9, $0xF;
	(xrf0) =	vadd.scan.msk.s32 $0xffff, v6;
	v6 =	vor.u32 $0x1, v8;
	v55, _, _ =	vpop (xrf0)  }
0x184: {  	(xrf0) =	vadd.scan.msk.s32 $0xffff, v5;
	vm7 =	vlt.s32 v7, v6;
	v7 =	vbroadcast v55, $0xF  }
0x185: {  	vm8 =	vlt.s32 v9, v6;
	v5, _, _ =	vpop (xrf0)  }
0x186: {  	v56 =	vsel vm7, $0x1, v1;
	v9 =	vsel vm8, $0x1, v1;
	v5 =	vbroadcast v5, $0xF  }
0x187: {  	vm7 =	vlt.s32 v7, v6;
	v10, _, _ =	vpop (xrf0);
	v8 =	vadd.s32 v9, v56  }
0x188: {  	v57 =	vsel vm7, $0x1, v1;
	v7, _, _ =	vpop (xrf0);
	vm7 =	vlt.s32 v5, v6;
	v5 =	vbroadcast v10, $0xF  }
0x189: {  	v8 =	vadd.s32 v57, v8;
	v58, _, _ =	vpop (xrf0);
	v7 =	vbroadcast v7, $0xF;
	v59 =	vsel vm7, $0x1, v1  }
0x18a: {  	s0 =	spop (v2sf);
	v60, _, _ =	vpop (xrf0);
	v8 =	vadd.s32 v59, v8;
	vm7 =	vlt.s32 v5, v6;
	v5 =	vbroadcast v58, $0xF  }
0x18b: {  	s5 =	sand.u32 $0xFF, s0;
	v61 =	vsel vm7, $0x1, v1;
	vm7 =	vlt.s32 v7, v6;
	v7 =	vbroadcast v60, $0xF  }
0x18c: {  	s14 =	sshra.s32 s0, $0x1F;
	p2 =	slt.s32 s0, $0x1;
	p1 =	sne.s32 s5, $0x0;
	v8 =	vadd.s32 v61, v8;
	v62 =	vsel vm7, $0x1, v1;
	vm7 =	vlt.s32 v5, v6  }
0x18d: {  	s5 =	sshrl.u32 s14, $0x18;
	p1 =	por !p2, !p1;
	v5 =	vadd.s32 v62, v8;
	v63 =	vsel vm7, $0x1, v1;
	vm7 =	vlt.s32 v7, v6  }
0x18e: {  	s0 =	sadd.s32 s5, s0;
	s5 =	simm.s32 $0x1;
	p1 =	por !p1, !p1;
	v5 =	vadd.s32 v63, v5;
	v6 =	vsel vm7, $0x1, v1  }
0x18f: {  	s0 =	sshra.s32 s0, $0x8;
	s5 =	simm.s32 @!p1 $0x0;
	v5 =	vadd.s32 v6, v5  }
0x190: {  	s0 =	ssub.s32 s0, s5;
	vm7 =	veq.s32 v0, $0xF;
	v5 =	vmin.u32 v5, $0x7  }
0x191: {  	v5 =	vsel vm7, s0, v5  }
.Ltmp3:
0x192: {  	s14 =	simm.s32 $0x11180;
	s0 =	rddreg [dreg:$0x2];
	[tilespmem:$0x11180] =	vst v5;
	(pc) =	sbr.rel .LBB2_3-.Ltmp3, $4  }
0x193: {  	[hbm4b:s0+s2] =	stream.linear.scatter [tilespmem:s14], [sflag:$0x2], $0x80, $0x38;
	[tilespmem:$0x11200] =	vst v63  }
0x194: {  	_ =	swait.ge [sflag:s13], $0x80  }
0x195: {  	[sflag:s13] =	ssyncset.done $0x0  }
0x196: {  	s5 =	simm.s32 $0x1080;
	s0 =	simm.s32 $0x80;
	[sflag:s13] =	ssyncadd.s32 $0xFFFFFF80  }
.LBB2_4:
0x197: {  	_ =	sfence.sel $0x180000  }
0x198: {  	[bflag:$0x0] =	sbarrier.arrive $0xFFFF  }
0x199: {  	_ =	strace $0x90000047  }
0x19a: {  	s0 =	stileid.u32;
	[bflag:$0x2] =	sbarrier.arrive $0xFFFF  }
0x19b: {  	p0 =	sne.s32 s0, $0x0;
	s0 =	rddreg [dreg:$0x1]  }
0x19c: {  	s0 =	sadd.s32 @!p0 $0x100000, s0  }
0x19d: {  	[sflag:s0] =	ssyncadd.tile.s32 @!p0 $0x1;
	_ =	shalt  }
.Lfunc_end2:
_tile_overlayer_lowered:
.L_overlay_start_2:
0x19e: {  	(tag) =	ssettag $0x2  }
0x19f: {  	s0 =	rddreg [dreg:$0x0];
	s2 =	stileid.u32  }
0x1a0: {  	s1 =	rddreg [dreg:$0x1];
	p0 =	sne.s32 s2, $0x0  }
0x1a1: {  	s3 =	rddreg [dreg:$0x2];
	[bflag:$0x3] =	sbarrier.arrive $0xFFFF;
	s2 =	simm.s32 @!p0 $0x1C02  }
0x1a2: {  	[timem:s3], [sflag:s2] =	dma.local @!p0 [hbm:s0], s1  }
0x1a3: {  	s0 =	simm.s32 @!p0 $0x2  }
0x1a4: {  	_ =	swait.ge @!p0 [sflag:s0], s1  }
0x1a5: {  	s1 =	ssub.s32 @!p0 $0x0, s1;
	[sflag:s0] =	ssyncset.done @!p0 $0x0  }
0x1a6: {  	[sflag:s0] =	ssyncadd.s32 @!p0 s1  }
0x1a7: {  	[bflag:$0x3] =	sbarrier.arrive $0xFFFF  }
0x1a8: {  	_ =	shalt  }

</sc_bundles>
